<compile_context>
chip_gen: v7x
topology: tpu7x:2x2x1
jax: 0.10.2.dev20260603
libtpu: 0.0.44.dev20260713+nightly
codegen_flags: <defaults>
</compile_context>

<pallas_src>
import functools

import jax
import jax.numpy as jnp
from jax import lax
from jax.experimental import pallas as pl
from jax.experimental.pallas import tpu as pltpu
from jax.experimental.pallas import tpu_sc as plsc

F = 128
CHUNK = 128
NC = 2
NS = 16
NW = NC * NS
BN = 400


def _lrelu(v):
    return jnp.where(v > 0, v, 0.2 * v)


def _logit_tables(f, al_ref, ar_ref, h):
    el = jnp.sum(f * al_ref[...][None], axis=-1)
    er = jnp.sum(f * ar_ref[...][None], axis=-1)
    z = jnp.zeros((BN, 16 - h), jnp.float32)
    el16 = jnp.concatenate([el, z], axis=1)
    er16 = jnp.concatenate([er, z], axis=1)
    m16 = _lrelu(el16 + er16)
    z112 = jnp.zeros((BN, 112), jnp.float32)
    z96 = jnp.zeros((BN, 96), jnp.float32)
    elsrc = jnp.concatenate([el16, z112], axis=1)
    erm = jnp.concatenate([er16, m16, z96], axis=1)
    return elsrc, erm


def _prep0(x, W0, al0, ar0):
    n, fin = x.shape
    h = al0.shape[0]

    def body(x_ref, w_ref, al_ref, ar_ref, feat_ref, elsrc_ref, erm_ref):
        f = jnp.dot(x_ref[...], w_ref[...], preferred_element_type=jnp.float32)
        f3 = f.reshape(BN, h, F)
        elsrc, erm = _logit_tables(f3, al_ref, ar_ref, h)
        feat_ref[...] = f3.transpose(1, 0, 2)
        elsrc_ref[...] = elsrc
        erm_ref[...] = erm

    return pl.pallas_call(
        body,
        grid=(n // BN,),
        in_specs=[
            pl.BlockSpec((BN, fin), lambda i: (i, 0)),
            pl.BlockSpec(W0.shape, lambda i: (0, 0)),
            pl.BlockSpec(al0.shape, lambda i: (0, 0)),
            pl.BlockSpec(ar0.shape, lambda i: (0, 0)),
        ],
        out_specs=[
            pl.BlockSpec((h, BN, F), lambda i: (0, i, 0)),
            pl.BlockSpec((BN, 128), lambda i: (i, 0)),
            pl.BlockSpec((BN, 128), lambda i: (i, 0)),
        ],
        out_shape=[
            jax.ShapeDtypeStruct((h, n, F), jnp.float32),
            jax.ShapeDtypeStruct((n, 128), jnp.float32),
            jax.ShapeDtypeStruct((n, 128), jnp.float32),
        ],
    )(x, W0, al0, ar0)


def _combine_mid(rstp, esump, b0, W1, al1, ar1, n):
    h = rstp.shape[1]
    h1 = al1.shape[0]

    def body(rstp_ref, esump_ref, b_ref, w_ref, al_ref, ar_ref,
             feat_ref, elsrc_ref, erm_ref):
        rst = jnp.sum(rstp_ref[...], axis=0)
        esum = jnp.sum(esump_ref[...], axis=0)
        den = esum[:, :h] + 1e-9
        hm = rst.transpose(1, 0, 2) / den[:, :, None]
        hm = hm.reshape(BN, h * F) + b_ref[...]
        f = jnp.dot(hm, w_ref[...], preferred_element_type=jnp.float32)
        f3 = f.reshape(BN, h1, F)
        elsrc, erm = _logit_tables(f3, al_ref, ar_ref, h1)
        feat_ref[...] = f3.transpose(1, 0, 2)
        elsrc_ref[...] = elsrc
        erm_ref[...] = erm

    return pl.pallas_call(
        body,
        grid=(n // BN,),
        in_specs=[
            pl.BlockSpec((NC, h, BN, F), lambda i: (0, 0, i, 0)),
            pl.BlockSpec((NC, BN, 128), lambda i: (0, i, 0)),
            pl.BlockSpec(b0.shape, lambda i: (0, 0)),
            pl.BlockSpec(W1.shape, lambda i: (0, 0)),
            pl.BlockSpec(al1.shape, lambda i: (0, 0)),
            pl.BlockSpec(ar1.shape, lambda i: (0, 0)),
        ],
        out_specs=[
            pl.BlockSpec((h1, BN, F), lambda i: (0, i, 0)),
            pl.BlockSpec((BN, 128), lambda i: (i, 0)),
            pl.BlockSpec((BN, 128), lambda i: (i, 0)),
        ],
        out_shape=[
            jax.ShapeDtypeStruct((h1, n, F), jnp.float32),
            jax.ShapeDtypeStruct((n, 128), jnp.float32),
            jax.ShapeDtypeStruct((n, 128), jnp.float32),
        ],
    )(rstp, esump, b0, W1, al1, ar1)


def _combine_final(rstp, esump, b1, n):
    h = rstp.shape[1]

    def body(rstp_ref, esump_ref, b_ref, out_ref):
        rst = jnp.sum(rstp_ref[...], axis=0)[0]
        esum = jnp.sum(esump_ref[...], axis=0)
        den = esum[:, :1] + 1e-9
        out_ref[...] = rst / den + b_ref[...]

    return pl.pallas_call(
        body,
        grid=(n // BN,),
        in_specs=[
            pl.BlockSpec((NC, h, BN, F), lambda i: (0, 0, i, 0)),
            pl.BlockSpec((NC, BN, 128), lambda i: (0, i, 0)),
            pl.BlockSpec(b1.shape, lambda i: (0, 0)),
        ],
        out_specs=pl.BlockSpec((BN, F), lambda i: (i, 0)),
        out_shape=jax.ShapeDtypeStruct((n, F), jnp.float32),
    )(rstp, esump, b1)


@functools.cache
def _make_edge_kernel(h, n, e_tot, t_per):
    nch = t_per // CHUNK
    e_pad = NW * t_per
    rows_per = (-(-n // NS) + 7) // 8 * 8
    n_pad = NS * rows_per
    nzcopy = rows_per // CHUNK
    zrem = rows_per % CHUNK
    mesh = plsc.VectorSubcoreMesh(core_axis_name="c", subcore_axis_name="s")

    def body(*refs):
        (src_h, dst_h, elsrc_h, erm_h) = refs[:4]
        feats = refs[4:4 + h]
        zrows_h = refs[4 + h]
        esum_o, rst_o, ee_o = refs[5 + h:8 + h]
        (src_v, dst_v, ga, gb, eec, sp, sem1, sem2) = refs[8 + h:]
        c = lax.axis_index("c")
        s = lax.axis_index("s")
        wid = c * NS + s
        rb = s * rows_per
        def zero_own_region():
            pltpu.sync_copy(zrows_h, sp.at[pl.ds(rb, rows_per)])

        def write_own_region(dst_hbm):
            pltpu.sync_copy(sp.at[pl.ds(rb, rows_per)], dst_hbm)

        zero_own_region()
        plsc.subcore_barrier()

        def p1(ci, carry):
            eb = wid * t_per + ci * CHUNK
            pltpu.sync_copy(src_h.at[pl.ds(eb, CHUNK)], src_v)
            pltpu.sync_copy(dst_h.at[pl.ds(eb, CHUNK)], dst_v)
            cp1 = pltpu.async_copy(elsrc_h.at[src_v], ga, sem1)
            cp2 = pltpu.async_copy(erm_h.at[dst_v], gb, sem2)
            cp1.wait()
            cp2.wait()

            def comp(i, icarry):
                t = ga[i, pl.ds(0, 16)] + gb[i, pl.ds(0, 16)]
                t = jnp.where(t > 0.0, t, 0.2 * t) - gb[i, pl.ds(16, 16)]
                ee = jnp.exp(t)
                valid = (eb + i) < e_tot
                ee = ee * jnp.where(valid, 1.0, 0.0)
                eec[i, :] = ee
                for j in range(F // 16):
                    ga[i, pl.ds(j * 16, 16)] = ee
                return icarry

            lax.fori_loop(0, CHUNK, comp, 0)
            pltpu.sync_copy(eec, ee_o.at[pl.ds(eb, CHUNK)])
            pltpu.sync_copy(ga, sp.at[dst_v], add=True)
            return carry

        lax.fori_loop(0, nch, p1, 0)
        plsc.subcore_barrier()
        write_own_region(esum_o.at[c].at[pl.ds(rb, rows_per)])

        for hd in range(h):
            zero_own_region()
            plsc.subcore_barrier()

            def p2(ci, carry):
                eb = wid * t_per + ci * CHUNK
                pltpu.sync_copy(src_h.at[pl.ds(eb, CHUNK)], src_v)
                pltpu.sync_copy(dst_h.at[pl.ds(eb, CHUNK)], dst_v)
                pltpu.sync_copy(ee_o.at[pl.ds(eb, CHUNK)], eec)
                pltpu.async_copy(feats[hd].at[src_v], ga, sem1).wait()

                def mul(i, icarry):
                    ev = jnp.full((16,), eec[i, :][hd])
                    for j in range(F // 16):
                        sl = pl.ds(j * 16, 16)
                        ga[i, sl] = ga[i, sl] * ev
                    return icarry

                lax.fori_loop(0, CHUNK, mul, 0)
                pltpu.sync_copy(ga, sp.at[dst_v], add=True)
                return carry

            lax.fori_loop(0, nch, p2, 0)
            plsc.subcore_barrier()
            write_own_region(rst_o.at[c].at[hd].at[pl.ds(rb, rows_per)])

    return pl.kernel(
        body,
        out_type=[
            jax.ShapeDtypeStruct((NC, n_pad, 128), jnp.float32),
            jax.ShapeDtypeStruct((NC, h, n_pad, F), jnp.float32),
            jax.ShapeDtypeStruct((e_pad, 16), jnp.float32),
        ],
        mesh=mesh,
        scratch_types=[
            pltpu.VMEM((CHUNK,), jnp.int32),
            pltpu.VMEM((CHUNK,), jnp.int32),
            pltpu.VMEM((CHUNK, 128), jnp.float32),
            pltpu.VMEM((CHUNK, 128), jnp.float32),
            pltpu.VMEM((CHUNK, 16), jnp.float32),
            pltpu.VMEM_SHARED((n_pad, 128), jnp.float32),
            pltpu.SemaphoreType.DMA,
            pltpu.SemaphoreType.DMA,
        ],
    )


def kernel(x, edge_index, W0, al0, ar0, b0, W1, al1, ar1, b1):
    n = x.shape[0]
    e = edge_index.shape[1]
    h0 = al0.shape[0]
    h1 = al1.shape[0]
    e_tot = e + n
    t_per = ((e_tot + NW * CHUNK - 1) // (NW * CHUNK)) * CHUNK
    e_pad = NW * t_per

    loop = jnp.arange(n, dtype=edge_index.dtype)
    src = jnp.concatenate([edge_index[0], loop])
    dst = jnp.concatenate([edge_index[1], loop])
    src = jnp.pad(src, (0, e_pad - e_tot))
    dst = jnp.pad(dst, (0, e_pad - e_tot))

    rows_per = (-(-n // NS) + 7) // 8 * 8
    zrows = jnp.zeros((rows_per, 128), jnp.float32)

    feat0, elsrc0, erm0 = _prep0(x, W0, al0, ar0)
    ek0 = _make_edge_kernel(h0, n, e_tot, t_per)
    esum0, rst0, _ = ek0(src, dst, elsrc0, erm0,
                         *[feat0[i] for i in range(h0)], zrows)

    feat1, elsrc1, erm1 = _combine_mid(
        rst0, esum0, b0.reshape(1, -1), W1, al1, ar1, n)
    ek1 = _make_edge_kernel(h1, n, e_tot, t_per)
    esum1, rst1, _ = ek1(src, dst, elsrc1, erm1,
                         *[feat1[i] for i in range(h1)], zrows)

    return _combine_final(rst1, esum1, b1.reshape(1, -1), n)

# --- scband reference (transcript-rebuilt; emitter-appended) ---
"""Pipeline reference for scband-gat-52501680226730 (READ-ONLY COPY).

The authoritative reference and input builder live on the scoring server;
editing this copy changes nothing except your own understanding.
"""

import jax, jax.numpy as jnp
import numpy as np

N = 10000
E = 320000
IN_FEAT = 128
N_HIDDEN = 128
HEADS = [4, 1]


def setup_inputs(seed: int = 0) -> dict:
    key = jax.random.key(seed)
    ks = jax.random.split(key, 12)
    x = jax.random.normal(ks[0], (N, IN_FEAT), dtype=jnp.float32)
    edge_index = jax.random.randint(ks[1], (2, E), 0, N, dtype=jnp.int32)
    # layer 0: in=128, heads=4, out=128
    W0 = jax.random.normal(ks[2], (IN_FEAT, HEADS[0] * N_HIDDEN), dtype=jnp.float32) * 0.1
    al0 = jax.random.normal(ks[3], (HEADS[0], N_HIDDEN), dtype=jnp.float32) * 0.1
    ar0 = jax.random.normal(ks[4], (HEADS[0], N_HIDDEN), dtype=jnp.float32) * 0.1
    b0 = jnp.zeros((HEADS[0] * N_HIDDEN,), dtype=jnp.float32)
    # layer 1: in=512, heads=1, out=128
    W1 = jax.random.normal(ks[5], (HEADS[0] * N_HIDDEN, HEADS[1] * N_HIDDEN), dtype=jnp.float32) * 0.1
    al1 = jax.random.normal(ks[6], (HEADS[1], N_HIDDEN), dtype=jnp.float32) * 0.1
    ar1 = jax.random.normal(ks[7], (HEADS[1], N_HIDDEN), dtype=jnp.float32) * 0.1
    b1 = jnp.zeros((HEADS[1] * N_HIDDEN,), dtype=jnp.float32)
    return {"x": x, "edge_index": edge_index,
            "W0": W0, "al0": al0, "ar0": ar0, "b0": b0,
            "W1": W1, "al1": al1, "ar1": ar1, "b1": b1}


def _gat_layer(h, src, dst, W, al, ar, b, num_heads, out_feat):
    n = h.shape[0]
    feat = (h @ W).reshape(n, num_heads, out_feat)
    el = jnp.sum(feat * al[None, :, :], axis=-1)  # [N, H]
    er = jnp.sum(feat * ar[None, :, :], axis=-1)  # [N, H]
    e = el[src] + er[dst]                          # [Etot, H]
    e = jax.nn.leaky_relu(e, negative_slope=0.2)
    emax = jax.ops.segment_max(e, dst, num_segments=n)
    ee = jnp.exp(e - emax[dst])
    esum = jax.ops.segment_sum(ee, dst, num_segments=n)
    alpha = ee / (esum[dst] + 1e-9)                # edge softmax over incoming edges
    msg = feat[src] * alpha[:, :, None]            # [Etot, H, F]
    rst = jax.ops.segment_sum(msg, dst, num_segments=n)  # [N, H, F]
    rst = rst + b.reshape(1, num_heads, out_feat)
    # h = h.view(-1, h.size(1) * h.size(2)) in the torch wrapper
    return rst.reshape(n, num_heads * out_feat)


def reference(x, edge_index, W0, al0, ar0, b0, W1, al1, ar1, b1):
    n = x.shape[0]
    loop = jnp.arange(n, dtype=edge_index.dtype)
    src = jnp.concatenate([edge_index[0], loop])  # add_self_loop
    dst = jnp.concatenate([edge_index[1], loop])
    h = _gat_layer(x, src, dst, W0, al0, ar0, b0, HEADS[0], N_HIDDEN)
    h = _gat_layer(h, src, dst, W1, al1, ar1, b1, HEADS[1], N_HIDDEN)
    return h

if __name__ == "__main__":
    import jax
    _d = setup_inputs()
    print(jax.jit(kernel)(*tuple(_d.values())))

</pallas_src>

<mosaic_0001>
#map = affine_map<(d0, d1) -> (0)>
#map1 = affine_map<(d0, d1) -> (0, 0)>
#map2 = affine_map<(d0, d1) -> (0, 0, 0)>
#map3 = affine_map<(d0, d1) -> (0, 0, 0, 0)>
module attributes {stable_mosaic.version = 14 : i64} {
  func.func @body(%arg0: i32, %arg1: i32, %arg2: memref<331776xi32, #tpu.memory_space<hbm>>, %arg3: memref<331776xi32, #tpu.memory_space<hbm>>, %arg4: memref<10000x128xf32, #tpu.memory_space<hbm>>, %arg5: memref<10000x128xf32, #tpu.memory_space<hbm>>, %arg6: memref<10000x128xf32, #tpu.memory_space<hbm>>, %arg7: memref<632x128xf32, #tpu.memory_space<hbm>>, %arg8: memref<2x10112x128xf32, #tpu.memory_space<hbm>>, %arg9: memref<2x1x10112x128xf32, #tpu.memory_space<hbm>>, %arg10: memref<331776x16xf32, #tpu.memory_space<hbm>>, %arg11: memref<128xi32, #tpu.memory_space<vmem>>, %arg12: memref<128xi32, #tpu.memory_space<vmem>>, %arg13: memref<128x128xf32, #tpu.memory_space<vmem>>, %arg14: memref<128x128xf32, #tpu.memory_space<vmem>>, %arg15: memref<128x16xf32, #tpu.memory_space<vmem>>, %arg16: memref<10112x128xf32, #tpu.memory_space<vmem_shared>>, %arg17: memref<!tpu.dma_semaphore, #tpu.memory_space<semaphore_mem>>, %arg18: memref<!tpu.dma_semaphore, #tpu.memory_space<semaphore_mem>>) attributes {dimension_semantics = [#tpu.dimension_semantics<core_parallel>, #tpu.dimension_semantics<subcore_parallel>], iteration_bounds = array<i64: 2, 16>, scalar_prefetch = 0 : i64, scratch_operands = 8 : i64, tpu.core_type = #tpu.core_type<sc_vector_subcore>, window_params = [{transform_indices = #map}, {transform_indices = #map}, {transform_indices = #map1}, {transform_indices = #map1}, {transform_indices = #map1}, {transform_indices = #map1}, {transform_indices = #map2}, {transform_indices = #map3}, {transform_indices = #map1}]} {
    %mul3A = arith.constant 16 : i32
    %mul3A_0 = arith.muli %arg0, %mul3A : i32
    %add3A = arith.addi %mul3A_0, %arg1 : i32
    %mul3A_1 = arith.constant 632 : i32
    %mul3A_2 = arith.muli %arg1, %mul3A_1 : i32
    "tpu.region"() ({
      %run_scoped3A_17 = tpu.sem_alloc : memref<!tpu.dma_semaphore, #tpu.memory_space<semaphore_mem>>
      %dma_start3A = arith.constant 0 : i32
      %dma_start3A_18 = tpu.memref_slice %arg16[%mul3A_2, %dma_start3A] : memref<10112x128xf32, #tpu.memory_space<vmem_shared>> -> memref<632x128xf32, #tpu.memory_space<vmem_shared>>
      tpu.enqueue_dma source(%arg7 : memref<632x128xf32, #tpu.memory_space<hbm>>) target(%dma_start3A_18 : memref<632x128xf32, #tpu.memory_space<vmem_shared>>) target_semaphore(%run_scoped3A_17 : memref<!tpu.dma_semaphore, #tpu.memory_space<semaphore_mem>>)
      %dma_wait3A = arith.constant 0 : i32
      %dma_wait3A_19 = tpu.memref_slice %arg16[%mul3A_2, %dma_wait3A] : memref<10112x128xf32, #tpu.memory_space<vmem_shared>> -> memref<632x128xf32, #tpu.memory_space<vmem_shared>>
      tpu.wait_dma2 semaphore(%run_scoped3A_17 : memref<!tpu.dma_semaphore, #tpu.memory_space<semaphore_mem>>) src(%arg7 : memref<632x128xf32, #tpu.memory_space<hbm>>) dst(%dma_wait3A_19 : memref<632x128xf32, #tpu.memory_space<vmem_shared>>)
      tpu.yield
    }) : () -> ()
    %barrier3A = arith.constant 0 : index
    tpu.barrier barrier_id(%barrier3A)
    %scan3A = arith.constant 0 : i32
    %scan3A_3 = arith.constant 0 : i32
    %scan3A_4 = arith.constant 81 : i32
    %scan3A_5 = arith.addi %scan3A_3, %scan3A_4 : i32
    %scan3A_6 = arith.constant 1 : i32
    scf.for %scan3A_17 = %scan3A_3 to %scan3A_5 step %scan3A_6  : i32 {
      %mul3A_18 = arith.constant 10368 : i32
      %mul3A_19 = arith.muli %add3A, %mul3A_18 : i32
      %mul3A_20 = arith.constant 128 : i32
      %mul3A_21 = arith.muli %scan3A_17, %mul3A_20 : i32
      %add3A_22 = arith.addi %mul3A_19, %mul3A_21 : i32
      "tpu.region"() ({
        %run_scoped3A_39 = tpu.sem_alloc : memref<!tpu.dma_semaphore, #tpu.memory_space<semaphore_mem>>
        %dma_start3A_40 = tpu.memref_slice %arg2[%add3A_22] : memref<331776xi32, #tpu.memory_space<hbm>> -> memref<128xi32, #tpu.memory_space<hbm>>
        %dma_start3A_41 = tpu.memref_slice %arg2[%add3A_22] : memref<331776xi32, #tpu.memory_space<hbm>> -> memref<128xi32, #tpu.memory_space<hbm>>
        tpu.enqueue_dma source(%dma_start3A_41 : memref<128xi32, #tpu.memory_space<hbm>>) target(%arg11 : memref<128xi32, #tpu.memory_space<vmem>>) target_semaphore(%run_scoped3A_39 : memref<!tpu.dma_semaphore, #tpu.memory_space<semaphore_mem>>)
        %dma_wait3A_42 = tpu.memref_slice %arg2[%add3A_22] : memref<331776xi32, #tpu.memory_space<hbm>> -> memref<128xi32, #tpu.memory_space<hbm>>
        %dma_wait3A_43 = tpu.memref_slice %arg2[%add3A_22] : memref<331776xi32, #tpu.memory_space<hbm>> -> memref<128xi32, #tpu.memory_space<hbm>>
        tpu.wait_dma2 semaphore(%run_scoped3A_39 : memref<!tpu.dma_semaphore, #tpu.memory_space<semaphore_mem>>) src(%dma_wait3A_43 : memref<128xi32, #tpu.memory_space<hbm>>) dst(%arg11 : memref<128xi32, #tpu.memory_space<vmem>>)
        tpu.yield
      }) : () -> ()
      "tpu.region"() ({
        %run_scoped3A_39 = tpu.sem_alloc : memref<!tpu.dma_semaphore, #tpu.memory_space<semaphore_mem>>
        %dma_start3A_40 = tpu.memref_slice %arg3[%add3A_22] : memref<331776xi32, #tpu.memory_space<hbm>> -> memref<128xi32, #tpu.memory_space<hbm>>
        %dma_start3A_41 = tpu.memref_slice %arg3[%add3A_22] : memref<331776xi32, #tpu.memory_space<hbm>> -> memref<128xi32, #tpu.memory_space<hbm>>
        tpu.enqueue_dma source(%dma_start3A_41 : memref<128xi32, #tpu.memory_space<hbm>>) target(%arg12 : memref<128xi32, #tpu.memory_space<vmem>>) target_semaphore(%run_scoped3A_39 : memref<!tpu.dma_semaphore, #tpu.memory_space<semaphore_mem>>)
        %dma_wait3A_42 = tpu.memref_slice %arg3[%add3A_22] : memref<331776xi32, #tpu.memory_space<hbm>> -> memref<128xi32, #tpu.memory_space<hbm>>
        %dma_wait3A_43 = tpu.memref_slice %arg3[%add3A_22] : memref<331776xi32, #tpu.memory_space<hbm>> -> memref<128xi32, #tpu.memory_space<hbm>>
        tpu.wait_dma2 semaphore(%run_scoped3A_39 : memref<!tpu.dma_semaphore, #tpu.memory_space<semaphore_mem>>) src(%dma_wait3A_43 : memref<128xi32, #tpu.memory_space<hbm>>) dst(%arg12 : memref<128xi32, #tpu.memory_space<vmem>>)
        tpu.yield
      }) : () -> ()
      %dma_start3A = arith.constant 0 : i32
      %dma_start3A_23 = arith.constant 0 : i32
      %dma_start3A_24 = tpu.memref_slice %arg4[%dma_start3A, %dma_start3A_23] : memref<10000x128xf32, #tpu.memory_space<hbm>> -> memref<10000x128xf32, #tpu.memory_space<hbm>>
      tpu.enqueue_indirect_dma source(%dma_start3A_24 : memref<10000x128xf32, #tpu.memory_space<hbm>>) target(%arg13 : memref<128x128xf32, #tpu.memory_space<vmem>>) offsets(%arg11 : memref<128xi32, #tpu.memory_space<vmem>>) semaphore(%arg17 : memref<!tpu.dma_semaphore, #tpu.memory_space<semaphore_mem>>)
      %dma_start3A_25 = arith.constant 0 : i32
      %dma_start3A_26 = arith.constant 0 : i32
      %dma_start3A_27 = tpu.memref_slice %arg5[%dma_start3A_25, %dma_start3A_26] : memref<10000x128xf32, #tpu.memory_space<hbm>> -> memref<10000x128xf32, #tpu.memory_space<hbm>>
      tpu.enqueue_indirect_dma source(%dma_start3A_27 : memref<10000x128xf32, #tpu.memory_space<hbm>>) target(%arg14 : memref<128x128xf32, #tpu.memory_space<vmem>>) offsets(%arg12 : memref<128xi32, #tpu.memory_space<vmem>>) semaphore(%arg18 : memref<!tpu.dma_semaphore, #tpu.memory_space<semaphore_mem>>)
      %dma_wait3A = arith.constant 0 : i32
      %dma_wait3A_28 = arith.constant 0 : i32
      %dma_wait3A_29 = tpu.memref_slice %arg4[%dma_wait3A, %dma_wait3A_28] : memref<10000x128xf32, #tpu.memory_space<hbm>> -> memref<10000x128xf32, #tpu.memory_space<hbm>>
      tpu.wait_indirect_dma semaphore(%arg17 : memref<!tpu.dma_semaphore, #tpu.memory_space<semaphore_mem>>) src(%dma_wait3A_29 : memref<10000x128xf32, #tpu.memory_space<hbm>>) dst(%arg13 : memref<128x128xf32, #tpu.memory_space<vmem>>)
      %dma_wait3A_30 = arith.constant 0 : i32
      %dma_wait3A_31 = arith.constant 0 : i32
      %dma_wait3A_32 = tpu.memref_slice %arg5[%dma_wait3A_30, %dma_wait3A_31] : memref<10000x128xf32, #tpu.memory_space<hbm>> -> memref<10000x128xf32, #tpu.memory_space<hbm>>
      tpu.wait_indirect_dma semaphore(%arg18 : memref<!tpu.dma_semaphore, #tpu.memory_space<semaphore_mem>>) src(%dma_wait3A_32 : memref<10000x128xf32, #tpu.memory_space<hbm>>) dst(%arg14 : memref<128x128xf32, #tpu.memory_space<vmem>>)
      %scan3A_33 = arith.constant 0 : i32
      %scan3A_34 = arith.constant 0 : i32
      %scan3A_35 = arith.constant 128 : i32
      %scan3A_36 = arith.addi %scan3A_34, %scan3A_35 : i32
      %scan3A_37 = arith.constant 1 : i32
      scf.for %scan3A_39 = %scan3A_34 to %scan3A_36 step %scan3A_37  : i32 {
        %get3A = arith.index_cast %scan3A_39 : i32 to index
        %get3A_40 = arith.constant 0 : index
        %get3A_41 = tpu.vector_load %arg13[%get3A, %get3A_40] {strides = array<i32>} : memref<128x128xf32, #tpu.memory_space<vmem>>, vector<1x16xf32>,
        %get3A_42 = vector.shape_cast %get3A_41 : vector<1x16xf32> to vector<16xf32>
        %get3A_43 = arith.index_cast %scan3A_39 : i32 to index
        %get3A_44 = arith.constant 0 : index
        %get3A_45 = tpu.vector_load %arg14[%get3A_43, %get3A_44] {strides = array<i32>} : memref<128x128xf32, #tpu.memory_space<vmem>>, vector<1x16xf32>,
        %get3A_46 = vector.shape_cast %get3A_45 : vector<1x16xf32> to vector<16xf32>
        %add3A_47 = arith.addf %get3A_42, %get3A_46 : vector<16xf32>
        %gt3A = arith.constant 0.000000e+00 : f32
        %gt3A_48 = vector.broadcast %gt3A : f32 to vector<16xf32>
        %gt3A_49 = arith.cmpf ogt, %add3A_47, %gt3A_48 : vector<16xf32>
        %mul3A_50 = arith.constant 2.000000e-01 : f32
        %mul3A_51 = vector.broadcast %mul3A_50 : f32 to vector<16xf32>
        %mul3A_52 = arith.mulf %mul3A_51, %add3A_47 : vector<16xf32>
        %select_n3A = arith.select %gt3A_49, %add3A_47, %mul3A_52 : vector<16xi1>, vector<16xf32>
        %get3A_53 = arith.index_cast %scan3A_39 : i32 to index
        %get3A_54 = arith.constant 16 : index
        %get3A_55 = tpu.vector_load %arg14[%get3A_53, %get3A_54] {strides = array<i32>} : memref<128x128xf32, #tpu.memory_space<vmem>>, vector<1x16xf32>,
        %get3A_56 = vector.shape_cast %get3A_55 : vector<1x16xf32> to vector<16xf32>
        %sub3A = arith.subf %select_n3A, %get3A_56 : vector<16xf32>
        %exp3A = math.exp %sub3A : vector<16xf32>
        %add3A_57 = arith.addi %add3A_22, %scan3A_39 : i32
        %lt3A = arith.constant 330000 : i32
        %lt3A_58 = arith.cmpi slt, %add3A_57, %lt3A : i32
        %jit3A = arith.constant 1.000000e+00 : f32
        %jit3A_59 = arith.constant 0.000000e+00 : f32
        %select_n3A_60 = arith.select %lt3A_58, %jit3A, %jit3A_59 : f32
        %mul3A_61 = vector.broadcast %select_n3A_60 : f32 to vector<16xf32>
        %mul3A_62 = arith.mulf %exp3A, %mul3A_61 : vector<16xf32>
        %swap3A = arith.index_cast %scan3A_39 : i32 to index
        %swap3A_63 = arith.constant 0 : index
        %swap3A_64 = tpu.vector_load %arg15[%swap3A, %swap3A_63] {strides = array<i32>} : memref<128x16xf32, #tpu.memory_space<vmem>>, vector<1x16xf32>,
        %swap3A_65 = vector.shape_cast %swap3A_64 : vector<1x16xf32> to vector<16xf32>
        %swap3A_66 = vector.shape_cast %mul3A_62 : vector<16xf32> to vector<1x16xf32>
        tpu.vector_store %arg15[%swap3A, %swap3A_63], %swap3A_66 {strides = array<i32>} : memref<128x16xf32, #tpu.memory_space<vmem>>, vector<1x16xf32>,
        %swap3A_67 = arith.index_cast %scan3A_39 : i32 to index
        %swap3A_68 = arith.constant 0 : index
        %swap3A_69 = tpu.vector_load %arg13[%swap3A_67, %swap3A_68] {strides = array<i32>} : memref<128x128xf32, #tpu.memory_space<vmem>>, vector<1x16xf32>,
        %swap3A_70 = vector.shape_cast %swap3A_69 : vector<1x16xf32> to vector<16xf32>
        %swap3A_71 = vector.shape_cast %mul3A_62 : vector<16xf32> to vector<1x16xf32>
        tpu.vector_store %arg13[%swap3A_67, %swap3A_68], %swap3A_71 {strides = array<i32>} : memref<128x128xf32, #tpu.memory_space<vmem>>, vector<1x16xf32>,
        %swap3A_72 = arith.index_cast %scan3A_39 : i32 to index
        %swap3A_73 = arith.constant 16 : index
        %swap3A_74 = tpu.vector_load %arg13[%swap3A_72, %swap3A_73] {strides = array<i32>} : memref<128x128xf32, #tpu.memory_space<vmem>>, vector<1x16xf32>,
        %swap3A_75 = vector.shape_cast %swap3A_74 : vector<1x16xf32> to vector<16xf32>
        %swap3A_76 = vector.shape_cast %mul3A_62 : vector<16xf32> to vector<1x16xf32>
        tpu.vector_store %arg13[%swap3A_72, %swap3A_73], %swap3A_76 {strides = array<i32>} : memref<128x128xf32, #tpu.memory_space<vmem>>, vector<1x16xf32>,
        %swap3A_77 = arith.index_cast %scan3A_39 : i32 to index
        %swap3A_78 = arith.constant 32 : index
        %swap3A_79 = tpu.vector_load %arg13[%swap3A_77, %swap3A_78] {strides = array<i32>} : memref<128x128xf32, #tpu.memory_space<vmem>>, vector<1x16xf32>,
        %swap3A_80 = vector.shape_cast %swap3A_79 : vector<1x16xf32> to vector<16xf32>
        %swap3A_81 = vector.shape_cast %mul3A_62 : vector<16xf32> to vector<1x16xf32>
        tpu.vector_store %arg13[%swap3A_77, %swap3A_78], %swap3A_81 {strides = array<i32>} : memref<128x128xf32, #tpu.memory_space<vmem>>, vector<1x16xf32>,
        %swap3A_82 = arith.index_cast %scan3A_39 : i32 to index
        %swap3A_83 = arith.constant 48 : index
        %swap3A_84 = tpu.vector_load %arg13[%swap3A_82, %swap3A_83] {strides = array<i32>} : memref<128x128xf32, #tpu.memory_space<vmem>>, vector<1x16xf32>,
        %swap3A_85 = vector.shape_cast %swap3A_84 : vector<1x16xf32> to vector<16xf32>
        %swap3A_86 = vector.shape_cast %mul3A_62 : vector<16xf32> to vector<1x16xf32>
        tpu.vector_store %arg13[%swap3A_82, %swap3A_83], %swap3A_86 {strides = array<i32>} : memref<128x128xf32, #tpu.memory_space<vmem>>, vector<1x16xf32>,
        %swap3A_87 = arith.index_cast %scan3A_39 : i32 to index
        %swap3A_88 = arith.constant 64 : index
        %swap3A_89 = tpu.vector_load %arg13[%swap3A_87, %swap3A_88] {strides = array<i32>} : memref<128x128xf32, #tpu.memory_space<vmem>>, vector<1x16xf32>,
        %swap3A_90 = vector.shape_cast %swap3A_89 : vector<1x16xf32> to vector<16xf32>
        %swap3A_91 = vector.shape_cast %mul3A_62 : vector<16xf32> to vector<1x16xf32>
        tpu.vector_store %arg13[%swap3A_87, %swap3A_88], %swap3A_91 {strides = array<i32>} : memref<128x128xf32, #tpu.memory_space<vmem>>, vector<1x16xf32>,
        %swap3A_92 = arith.index_cast %scan3A_39 : i32 to index
        %swap3A_93 = arith.constant 80 : index
        %swap3A_94 = tpu.vector_load %arg13[%swap3A_92, %swap3A_93] {strides = array<i32>} : memref<128x128xf32, #tpu.memory_space<vmem>>, vector<1x16xf32>,
        %swap3A_95 = vector.shape_cast %swap3A_94 : vector<1x16xf32> to vector<16xf32>
        %swap3A_96 = vector.shape_cast %mul3A_62 : vector<16xf32> to vector<1x16xf32>
        tpu.vector_store %arg13[%swap3A_92, %swap3A_93], %swap3A_96 {strides = array<i32>} : memref<128x128xf32, #tpu.memory_space<vmem>>, vector<1x16xf32>,
        %swap3A_97 = arith.index_cast %scan3A_39 : i32 to index
        %swap3A_98 = arith.constant 96 : index
        %swap3A_99 = tpu.vector_load %arg13[%swap3A_97, %swap3A_98] {strides = array<i32>} : memref<128x128xf32, #tpu.memory_space<vmem>>, vector<1x16xf32>,
        %swap3A_100 = vector.shape_cast %swap3A_99 : vector<1x16xf32> to vector<16xf32>
        %swap3A_101 = vector.shape_cast %mul3A_62 : vector<16xf32> to vector<1x16xf32>
        tpu.vector_store %arg13[%swap3A_97, %swap3A_98], %swap3A_101 {strides = array<i32>} : memref<128x128xf32, #tpu.memory_space<vmem>>, vector<1x16xf32>,
        %swap3A_102 = arith.index_cast %scan3A_39 : i32 to index
        %swap3A_103 = arith.constant 112 : index
        %swap3A_104 = tpu.vector_load %arg13[%swap3A_102, %swap3A_103] {strides = array<i32>} : memref<128x128xf32, #tpu.memory_space<vmem>>, vector<1x16xf32>,
        %swap3A_105 = vector.shape_cast %swap3A_104 : vector<1x16xf32> to vector<16xf32>
        %swap3A_106 = vector.shape_cast %mul3A_62 : vector<16xf32> to vector<1x16xf32>
        tpu.vector_store %arg13[%swap3A_102, %swap3A_103], %swap3A_106 {strides = array<i32>} : memref<128x128xf32, #tpu.memory_space<vmem>>, vector<1x16xf32>,
      }
      %scan3A_38 = arith.constant 128 : i32
      "tpu.region"() ({
        %run_scoped3A_39 = tpu.sem_alloc : memref<!tpu.dma_semaphore, #tpu.memory_space<semaphore_mem>>
        %dma_start3A_40 = arith.constant 0 : i32
        %dma_start3A_41 = tpu.memref_slice %arg10[%add3A_22, %dma_start3A_40] : memref<331776x16xf32, #tpu.memory_space<hbm>> -> memref<128x16xf32, #tpu.memory_space<hbm>>
        %dma_start3A_42 = arith.constant 0 : i32
        %dma_start3A_43 = tpu.memref_slice %arg10[%add3A_22, %dma_start3A_42] : memref<331776x16xf32, #tpu.memory_space<hbm>> -> memref<128x16xf32, #tpu.memory_space<hbm>>
        tpu.enqueue_dma source(%arg15 : memref<128x16xf32, #tpu.memory_space<vmem>>) target(%dma_start3A_43 : memref<128x16xf32, #tpu.memory_space<hbm>>) target_semaphore(%run_scoped3A_39 : memref<!tpu.dma_semaphore, #tpu.memory_space<semaphore_mem>>)
        %dma_wait3A_44 = arith.constant 0 : i32
        %dma_wait3A_45 = tpu.memref_slice %arg10[%add3A_22, %dma_wait3A_44] : memref<331776x16xf32, #tpu.memory_space<hbm>> -> memref<128x16xf32, #tpu.memory_space<hbm>>
        %dma_wait3A_46 = arith.constant 0 : i32
        %dma_wait3A_47 = tpu.memref_slice %arg10[%add3A_22, %dma_wait3A_46] : memref<331776x16xf32, #tpu.memory_space<hbm>> -> memref<128x16xf32, #tpu.memory_space<hbm>>
        tpu.wait_dma2 semaphore(%run_scoped3A_39 : memref<!tpu.dma_semaphore, #tpu.memory_space<semaphore_mem>>) src(%arg15 : memref<128x16xf32, #tpu.memory_space<vmem>>) dst(%dma_wait3A_47 : memref<128x16xf32, #tpu.memory_space<hbm>>)
        tpu.yield
      }) : () -> ()
      "tpu.region"() ({
        %run_scoped3A_39 = tpu.sem_alloc : memref<!tpu.dma_semaphore, #tpu.memory_space<semaphore_mem>>
        %dma_start3A_40 = arith.constant 0 : i32
        %dma_start3A_41 = arith.constant 0 : i32
        %dma_start3A_42 = tpu.memref_slice %arg16[%dma_start3A_40, %dma_start3A_41] : memref<10112x128xf32, #tpu.memory_space<vmem_shared>> -> memref<10112x128xf32, #tpu.memory_space<vmem_shared>>
        tpu.enqueue_indirect_dma source(%arg13 : memref<128x128xf32, #tpu.memory_space<vmem>>) target(%dma_start3A_42 : memref<10112x128xf32, #tpu.memory_space<vmem_shared>>) offsets(%arg12 : memref<128xi32, #tpu.memory_space<vmem>>) semaphore(%run_scoped3A_39 : memref<!tpu.dma_semaphore, #tpu.memory_space<semaphore_mem>>) {add = true}
        %dma_wait3A_43 = arith.constant 0 : i32
        %dma_wait3A_44 = arith.constant 0 : i32
        %dma_wait3A_45 = tpu.memref_slice %arg16[%dma_wait3A_43, %dma_wait3A_44] : memref<10112x128xf32, #tpu.memory_space<vmem_shared>> -> memref<10112x128xf32, #tpu.memory_space<vmem_shared>>
        tpu.wait_indirect_dma semaphore(%run_scoped3A_39 : memref<!tpu.dma_semaphore, #tpu.memory_space<semaphore_mem>>) src(%arg13 : memref<128x128xf32, #tpu.memory_space<vmem>>) dst(%dma_wait3A_45 : memref<10112x128xf32, #tpu.memory_space<vmem_shared>>)
        tpu.yield
      }) : () -> ()
    }
    %scan3A_7 = arith.constant 81 : i32
    %barrier3A_8 = arith.constant 0 : index
    tpu.barrier barrier_id(%barrier3A_8)
    "tpu.region"() ({
      %run_scoped3A_17 = tpu.sem_alloc : memref<!tpu.dma_semaphore, #tpu.memory_space<semaphore_mem>>
      %dma_start3A = arith.constant 0 : i32
      %dma_start3A_18 = arith.constant 0 : i32
      %dma_start3A_19 = tpu.memref_slice %arg8[%arg0, %dma_start3A, %dma_start3A_18] : memref<2x10112x128xf32, #tpu.memory_space<hbm>> -> memref<1x10112x128xf32, #tpu.memory_space<hbm>>
      %dma_start3A_20 = tpu.memref_squeeze %dma_start3A_19 : memref<1x10112x128xf32, #tpu.memory_space<hbm>> -> memref<10112x128xf32, #tpu.memory_space<hbm>>
      %dma_start3A_21 = arith.constant 0 : i32
      %dma_start3A_22 = tpu.memref_slice %dma_start3A_20[%mul3A_2, %dma_start3A_21] : memref<10112x128xf32, #tpu.memory_space<hbm>> -> memref<632x128xf32, #tpu.memory_space<hbm>>
      %dma_start3A_23 = arith.constant 0 : i32
      %dma_start3A_24 = tpu.memref_slice %arg16[%mul3A_2, %dma_start3A_23] : memref<10112x128xf32, #tpu.memory_space<vmem_shared>> -> memref<632x128xf32, #tpu.memory_space<vmem_shared>>
      tpu.enqueue_dma source(%dma_start3A_24 : memref<632x128xf32, #tpu.memory_space<vmem_shared>>) target(%dma_start3A_22 : memref<632x128xf32, #tpu.memory_space<hbm>>) target_semaphore(%run_scoped3A_17 : memref<!tpu.dma_semaphore, #tpu.memory_space<semaphore_mem>>)
      %dma_wait3A = arith.constant 0 : i32
      %dma_wait3A_25 = arith.constant 0 : i32
      %dma_wait3A_26 = tpu.memref_slice %arg8[%arg0, %dma_wait3A, %dma_wait3A_25] : memref<2x10112x128xf32, #tpu.memory_space<hbm>> -> memref<1x10112x128xf32, #tpu.memory_space<hbm>>
      %dma_wait3A_27 = tpu.memref_squeeze %dma_wait3A_26 : memref<1x10112x128xf32, #tpu.memory_space<hbm>> -> memref<10112x128xf32, #tpu.memory_space<hbm>>
      %dma_wait3A_28 = arith.constant 0 : i32
      %dma_wait3A_29 = tpu.memref_slice %dma_wait3A_27[%mul3A_2, %dma_wait3A_28] : memref<10112x128xf32, #tpu.memory_space<hbm>> -> memref<632x128xf32, #tpu.memory_space<hbm>>
      %dma_wait3A_30 = arith.constant 0 : i32
      %dma_wait3A_31 = tpu.memref_slice %arg16[%mul3A_2, %dma_wait3A_30] : memref<10112x128xf32, #tpu.memory_space<vmem_shared>> -> memref<632x128xf32, #tpu.memory_space<vmem_shared>>
      tpu.wait_dma2 semaphore(%run_scoped3A_17 : memref<!tpu.dma_semaphore, #tpu.memory_space<semaphore_mem>>) src(%dma_wait3A_31 : memref<632x128xf32, #tpu.memory_space<vmem_shared>>) dst(%dma_wait3A_29 : memref<632x128xf32, #tpu.memory_space<hbm>>)
      tpu.yield
    }) : () -> ()
    "tpu.region"() ({
      %run_scoped3A_17 = tpu.sem_alloc : memref<!tpu.dma_semaphore, #tpu.memory_space<semaphore_mem>>
      %dma_start3A = arith.constant 0 : i32
      %dma_start3A_18 = tpu.memref_slice %arg16[%mul3A_2, %dma_start3A] : memref<10112x128xf32, #tpu.memory_space<vmem_shared>> -> memref<632x128xf32, #tpu.memory_space<vmem_shared>>
      tpu.enqueue_dma source(%arg7 : memref<632x128xf32, #tpu.memory_space<hbm>>) target(%dma_start3A_18 : memref<632x128xf32, #tpu.memory_space<vmem_shared>>) target_semaphore(%run_scoped3A_17 : memref<!tpu.dma_semaphore, #tpu.memory_space<semaphore_mem>>)
      %dma_wait3A = arith.constant 0 : i32
      %dma_wait3A_19 = tpu.memref_slice %arg16[%mul3A_2, %dma_wait3A] : memref<10112x128xf32, #tpu.memory_space<vmem_shared>> -> memref<632x128xf32, #tpu.memory_space<vmem_shared>>
      tpu.wait_dma2 semaphore(%run_scoped3A_17 : memref<!tpu.dma_semaphore, #tpu.memory_space<semaphore_mem>>) src(%arg7 : memref<632x128xf32, #tpu.memory_space<hbm>>) dst(%dma_wait3A_19 : memref<632x128xf32, #tpu.memory_space<vmem_shared>>)
      tpu.yield
    }) : () -> ()
    %barrier3A_9 = arith.constant 0 : index
    tpu.barrier barrier_id(%barrier3A_9)
    %scan3A_10 = arith.constant 0 : i32
    %scan3A_11 = arith.constant 0 : i32
    %scan3A_12 = arith.constant 81 : i32
    %scan3A_13 = arith.addi %scan3A_11, %scan3A_12 : i32
    %scan3A_14 = arith.constant 1 : i32
    scf.for %scan3A_17 = %scan3A_11 to %scan3A_13 step %scan3A_14  : i32 {
      %mul3A_18 = arith.constant 10368 : i32
      %mul3A_19 = arith.muli %add3A, %mul3A_18 : i32
      %mul3A_20 = arith.constant 128 : i32
      %mul3A_21 = arith.muli %scan3A_17, %mul3A_20 : i32
      %add3A_22 = arith.addi %mul3A_19, %mul3A_21 : i32
      "tpu.region"() ({
        %run_scoped3A_33 = tpu.sem_alloc : memref<!tpu.dma_semaphore, #tpu.memory_space<semaphore_mem>>
        %dma_start3A_34 = tpu.memref_slice %arg2[%add3A_22] : memref<331776xi32, #tpu.memory_space<hbm>> -> memref<128xi32, #tpu.memory_space<hbm>>
        %dma_start3A_35 = tpu.memref_slice %arg2[%add3A_22] : memref<331776xi32, #tpu.memory_space<hbm>> -> memref<128xi32, #tpu.memory_space<hbm>>
        tpu.enqueue_dma source(%dma_start3A_35 : memref<128xi32, #tpu.memory_space<hbm>>) target(%arg11 : memref<128xi32, #tpu.memory_space<vmem>>) target_semaphore(%run_scoped3A_33 : memref<!tpu.dma_semaphore, #tpu.memory_space<semaphore_mem>>)
        %dma_wait3A_36 = tpu.memref_slice %arg2[%add3A_22] : memref<331776xi32, #tpu.memory_space<hbm>> -> memref<128xi32, #tpu.memory_space<hbm>>
        %dma_wait3A_37 = tpu.memref_slice %arg2[%add3A_22] : memref<331776xi32, #tpu.memory_space<hbm>> -> memref<128xi32, #tpu.memory_space<hbm>>
        tpu.wait_dma2 semaphore(%run_scoped3A_33 : memref<!tpu.dma_semaphore, #tpu.memory_space<semaphore_mem>>) src(%dma_wait3A_37 : memref<128xi32, #tpu.memory_space<hbm>>) dst(%arg11 : memref<128xi32, #tpu.memory_space<vmem>>)
        tpu.yield
      }) : () -> ()
      "tpu.region"() ({
        %run_scoped3A_33 = tpu.sem_alloc : memref<!tpu.dma_semaphore, #tpu.memory_space<semaphore_mem>>
        %dma_start3A_34 = tpu.memref_slice %arg3[%add3A_22] : memref<331776xi32, #tpu.memory_space<hbm>> -> memref<128xi32, #tpu.memory_space<hbm>>
        %dma_start3A_35 = tpu.memref_slice %arg3[%add3A_22] : memref<331776xi32, #tpu.memory_space<hbm>> -> memref<128xi32, #tpu.memory_space<hbm>>
        tpu.enqueue_dma source(%dma_start3A_35 : memref<128xi32, #tpu.memory_space<hbm>>) target(%arg12 : memref<128xi32, #tpu.memory_space<vmem>>) target_semaphore(%run_scoped3A_33 : memref<!tpu.dma_semaphore, #tpu.memory_space<semaphore_mem>>)
        %dma_wait3A_36 = tpu.memref_slice %arg3[%add3A_22] : memref<331776xi32, #tpu.memory_space<hbm>> -> memref<128xi32, #tpu.memory_space<hbm>>
        %dma_wait3A_37 = tpu.memref_slice %arg3[%add3A_22] : memref<331776xi32, #tpu.memory_space<hbm>> -> memref<128xi32, #tpu.memory_space<hbm>>
        tpu.wait_dma2 semaphore(%run_scoped3A_33 : memref<!tpu.dma_semaphore, #tpu.memory_space<semaphore_mem>>) src(%dma_wait3A_37 : memref<128xi32, #tpu.memory_space<hbm>>) dst(%arg12 : memref<128xi32, #tpu.memory_space<vmem>>)
        tpu.yield
      }) : () -> ()
      "tpu.region"() ({
        %run_scoped3A_33 = tpu.sem_alloc : memref<!tpu.dma_semaphore, #tpu.memory_space<semaphore_mem>>
        %dma_start3A_34 = arith.constant 0 : i32
        %dma_start3A_35 = tpu.memref_slice %arg10[%add3A_22, %dma_start3A_34] : memref<331776x16xf32, #tpu.memory_space<hbm>> -> memref<128x16xf32, #tpu.memory_space<hbm>>
        %dma_start3A_36 = arith.constant 0 : i32
        %dma_start3A_37 = tpu.memref_slice %arg10[%add3A_22, %dma_start3A_36] : memref<331776x16xf32, #tpu.memory_space<hbm>> -> memref<128x16xf32, #tpu.memory_space<hbm>>
        tpu.enqueue_dma source(%dma_start3A_37 : memref<128x16xf32, #tpu.memory_space<hbm>>) target(%arg15 : memref<128x16xf32, #tpu.memory_space<vmem>>) target_semaphore(%run_scoped3A_33 : memref<!tpu.dma_semaphore, #tpu.memory_space<semaphore_mem>>)
        %dma_wait3A_38 = arith.constant 0 : i32
        %dma_wait3A_39 = tpu.memref_slice %arg10[%add3A_22, %dma_wait3A_38] : memref<331776x16xf32, #tpu.memory_space<hbm>> -> memref<128x16xf32, #tpu.memory_space<hbm>>
        %dma_wait3A_40 = arith.constant 0 : i32
        %dma_wait3A_41 = tpu.memref_slice %arg10[%add3A_22, %dma_wait3A_40] : memref<331776x16xf32, #tpu.memory_space<hbm>> -> memref<128x16xf32, #tpu.memory_space<hbm>>
        tpu.wait_dma2 semaphore(%run_scoped3A_33 : memref<!tpu.dma_semaphore, #tpu.memory_space<semaphore_mem>>) src(%dma_wait3A_41 : memref<128x16xf32, #tpu.memory_space<hbm>>) dst(%arg15 : memref<128x16xf32, #tpu.memory_space<vmem>>)
        tpu.yield
      }) : () -> ()
      %dma_start3A = arith.constant 0 : i32
      %dma_start3A_23 = arith.constant 0 : i32
      %dma_start3A_24 = tpu.memref_slice %arg6[%dma_start3A, %dma_start3A_23] : memref<10000x128xf32, #tpu.memory_space<hbm>> -> memref<10000x128xf32, #tpu.memory_space<hbm>>
      tpu.enqueue_indirect_dma source(%dma_start3A_24 : memref<10000x128xf32, #tpu.memory_space<hbm>>) target(%arg13 : memref<128x128xf32, #tpu.memory_space<vmem>>) offsets(%arg11 : memref<128xi32, #tpu.memory_space<vmem>>) semaphore(%arg17 : memref<!tpu.dma_semaphore, #tpu.memory_space<semaphore_mem>>)
      %dma_wait3A = arith.constant 0 : i32
      %dma_wait3A_25 = arith.constant 0 : i32
      %dma_wait3A_26 = tpu.memref_slice %arg6[%dma_wait3A, %dma_wait3A_25] : memref<10000x128xf32, #tpu.memory_space<hbm>> -> memref<10000x128xf32, #tpu.memory_space<hbm>>
      tpu.wait_indirect_dma semaphore(%arg17 : memref<!tpu.dma_semaphore, #tpu.memory_space<semaphore_mem>>) src(%dma_wait3A_26 : memref<10000x128xf32, #tpu.memory_space<hbm>>) dst(%arg13 : memref<128x128xf32, #tpu.memory_space<vmem>>)
      %scan3A_27 = arith.constant 0 : i32
      %scan3A_28 = arith.constant 0 : i32
      %scan3A_29 = arith.constant 128 : i32
      %scan3A_30 = arith.addi %scan3A_28, %scan3A_29 : i32
      %scan3A_31 = arith.constant 1 : i32
      scf.for %scan3A_33 = %scan3A_28 to %scan3A_30 step %scan3A_31  : i32 {
        %get3A = arith.index_cast %scan3A_33 : i32 to index
        %get3A_34 = arith.constant 0 : index
        %get3A_35 = tpu.vector_load %arg15[%get3A, %get3A_34] {strides = array<i32>} : memref<128x16xf32, #tpu.memory_space<vmem>>, vector<1x16xf32>,
        %get3A_36 = vector.shape_cast %get3A_35 : vector<1x16xf32> to vector<16xf32>
        %slice3A = vector.extract_strided_slice %get3A_36 {offsets = [0], sizes = [1], strides = [1]} : vector<16xf32> to vector<1xf32>
        %squeeze3A = vector.extract %slice3A[0] : f32 from vector<1xf32>
        %broadcast_in_dim3A = vector.broadcast %squeeze3A : f32 to vector<16xf32>
        %get3A_37 = arith.index_cast %scan3A_33 : i32 to index
        %get3A_38 = arith.constant 0 : index
        %get3A_39 = tpu.vector_load %arg13[%get3A_37, %get3A_38] {strides = array<i32>} : memref<128x128xf32, #tpu.memory_space<vmem>>, vector<1x16xf32>,
        %get3A_40 = vector.shape_cast %get3A_39 : vector<1x16xf32> to vector<16xf32>
        %mul3A_41 = arith.mulf %get3A_40, %broadcast_in_dim3A : vector<16xf32>
        %swap3A = arith.index_cast %scan3A_33 : i32 to index
        %swap3A_42 = arith.constant 0 : index
        %swap3A_43 = tpu.vector_load %arg13[%swap3A, %swap3A_42] {strides = array<i32>} : memref<128x128xf32, #tpu.memory_space<vmem>>, vector<1x16xf32>,
        %swap3A_44 = vector.shape_cast %swap3A_43 : vector<1x16xf32> to vector<16xf32>
        %swap3A_45 = vector.shape_cast %mul3A_41 : vector<16xf32> to vector<1x16xf32>
        tpu.vector_store %arg13[%swap3A, %swap3A_42], %swap3A_45 {strides = array<i32>} : memref<128x128xf32, #tpu.memory_space<vmem>>, vector<1x16xf32>,
        %get3A_46 = arith.index_cast %scan3A_33 : i32 to index
        %get3A_47 = arith.constant 16 : index
        %get3A_48 = tpu.vector_load %arg13[%get3A_46, %get3A_47] {strides = array<i32>} : memref<128x128xf32, #tpu.memory_space<vmem>>, vector<1x16xf32>,
        %get3A_49 = vector.shape_cast %get3A_48 : vector<1x16xf32> to vector<16xf32>
        %mul3A_50 = arith.mulf %get3A_49, %broadcast_in_dim3A : vector<16xf32>
        %swap3A_51 = arith.index_cast %scan3A_33 : i32 to index
        %swap3A_52 = arith.constant 16 : index
        %swap3A_53 = tpu.vector_load %arg13[%swap3A_51, %swap3A_52] {strides = array<i32>} : memref<128x128xf32, #tpu.memory_space<vmem>>, vector<1x16xf32>,
        %swap3A_54 = vector.shape_cast %swap3A_53 : vector<1x16xf32> to vector<16xf32>
        %swap3A_55 = vector.shape_cast %mul3A_50 : vector<16xf32> to vector<1x16xf32>
        tpu.vector_store %arg13[%swap3A_51, %swap3A_52], %swap3A_55 {strides = array<i32>} : memref<128x128xf32, #tpu.memory_space<vmem>>, vector<1x16xf32>,
        %get3A_56 = arith.index_cast %scan3A_33 : i32 to index
        %get3A_57 = arith.constant 32 : index
        %get3A_58 = tpu.vector_load %arg13[%get3A_56, %get3A_57] {strides = array<i32>} : memref<128x128xf32, #tpu.memory_space<vmem>>, vector<1x16xf32>,
        %get3A_59 = vector.shape_cast %get3A_58 : vector<1x16xf32> to vector<16xf32>
        %mul3A_60 = arith.mulf %get3A_59, %broadcast_in_dim3A : vector<16xf32>
        %swap3A_61 = arith.index_cast %scan3A_33 : i32 to index
        %swap3A_62 = arith.constant 32 : index
        %swap3A_63 = tpu.vector_load %arg13[%swap3A_61, %swap3A_62] {strides = array<i32>} : memref<128x128xf32, #tpu.memory_space<vmem>>, vector<1x16xf32>,
        %swap3A_64 = vector.shape_cast %swap3A_63 : vector<1x16xf32> to vector<16xf32>
        %swap3A_65 = vector.shape_cast %mul3A_60 : vector<16xf32> to vector<1x16xf32>
        tpu.vector_store %arg13[%swap3A_61, %swap3A_62], %swap3A_65 {strides = array<i32>} : memref<128x128xf32, #tpu.memory_space<vmem>>, vector<1x16xf32>,
        %get3A_66 = arith.index_cast %scan3A_33 : i32 to index
        %get3A_67 = arith.constant 48 : index
        %get3A_68 = tpu.vector_load %arg13[%get3A_66, %get3A_67] {strides = array<i32>} : memref<128x128xf32, #tpu.memory_space<vmem>>, vector<1x16xf32>,
        %get3A_69 = vector.shape_cast %get3A_68 : vector<1x16xf32> to vector<16xf32>
        %mul3A_70 = arith.mulf %get3A_69, %broadcast_in_dim3A : vector<16xf32>
        %swap3A_71 = arith.index_cast %scan3A_33 : i32 to index
        %swap3A_72 = arith.constant 48 : index
        %swap3A_73 = tpu.vector_load %arg13[%swap3A_71, %swap3A_72] {strides = array<i32>} : memref<128x128xf32, #tpu.memory_space<vmem>>, vector<1x16xf32>,
        %swap3A_74 = vector.shape_cast %swap3A_73 : vector<1x16xf32> to vector<16xf32>
        %swap3A_75 = vector.shape_cast %mul3A_70 : vector<16xf32> to vector<1x16xf32>
        tpu.vector_store %arg13[%swap3A_71, %swap3A_72], %swap3A_75 {strides = array<i32>} : memref<128x128xf32, #tpu.memory_space<vmem>>, vector<1x16xf32>,
        %get3A_76 = arith.index_cast %scan3A_33 : i32 to index
        %get3A_77 = arith.constant 64 : index
        %get3A_78 = tpu.vector_load %arg13[%get3A_76, %get3A_77] {strides = array<i32>} : memref<128x128xf32, #tpu.memory_space<vmem>>, vector<1x16xf32>,
        %get3A_79 = vector.shape_cast %get3A_78 : vector<1x16xf32> to vector<16xf32>
        %mul3A_80 = arith.mulf %get3A_79, %broadcast_in_dim3A : vector<16xf32>
        %swap3A_81 = arith.index_cast %scan3A_33 : i32 to index
        %swap3A_82 = arith.constant 64 : index
        %swap3A_83 = tpu.vector_load %arg13[%swap3A_81, %swap3A_82] {strides = array<i32>} : memref<128x128xf32, #tpu.memory_space<vmem>>, vector<1x16xf32>,
        %swap3A_84 = vector.shape_cast %swap3A_83 : vector<1x16xf32> to vector<16xf32>
        %swap3A_85 = vector.shape_cast %mul3A_80 : vector<16xf32> to vector<1x16xf32>
        tpu.vector_store %arg13[%swap3A_81, %swap3A_82], %swap3A_85 {strides = array<i32>} : memref<128x128xf32, #tpu.memory_space<vmem>>, vector<1x16xf32>,
        %get3A_86 = arith.index_cast %scan3A_33 : i32 to index
        %get3A_87 = arith.constant 80 : index
        %get3A_88 = tpu.vector_load %arg13[%get3A_86, %get3A_87] {strides = array<i32>} : memref<128x128xf32, #tpu.memory_space<vmem>>, vector<1x16xf32>,
        %get3A_89 = vector.shape_cast %get3A_88 : vector<1x16xf32> to vector<16xf32>
        %mul3A_90 = arith.mulf %get3A_89, %broadcast_in_dim3A : vector<16xf32>
        %swap3A_91 = arith.index_cast %scan3A_33 : i32 to index
        %swap3A_92 = arith.constant 80 : index
        %swap3A_93 = tpu.vector_load %arg13[%swap3A_91, %swap3A_92] {strides = array<i32>} : memref<128x128xf32, #tpu.memory_space<vmem>>, vector<1x16xf32>,
        %swap3A_94 = vector.shape_cast %swap3A_93 : vector<1x16xf32> to vector<16xf32>
        %swap3A_95 = vector.shape_cast %mul3A_90 : vector<16xf32> to vector<1x16xf32>
        tpu.vector_store %arg13[%swap3A_91, %swap3A_92], %swap3A_95 {strides = array<i32>} : memref<128x128xf32, #tpu.memory_space<vmem>>, vector<1x16xf32>,
        %get3A_96 = arith.index_cast %scan3A_33 : i32 to index
        %get3A_97 = arith.constant 96 : index
        %get3A_98 = tpu.vector_load %arg13[%get3A_96, %get3A_97] {strides = array<i32>} : memref<128x128xf32, #tpu.memory_space<vmem>>, vector<1x16xf32>,
        %get3A_99 = vector.shape_cast %get3A_98 : vector<1x16xf32> to vector<16xf32>
        %mul3A_100 = arith.mulf %get3A_99, %broadcast_in_dim3A : vector<16xf32>
        %swap3A_101 = arith.index_cast %scan3A_33 : i32 to index
        %swap3A_102 = arith.constant 96 : index
        %swap3A_103 = tpu.vector_load %arg13[%swap3A_101, %swap3A_102] {strides = array<i32>} : memref<128x128xf32, #tpu.memory_space<vmem>>, vector<1x16xf32>,
        %swap3A_104 = vector.shape_cast %swap3A_103 : vector<1x16xf32> to vector<16xf32>
        %swap3A_105 = vector.shape_cast %mul3A_100 : vector<16xf32> to vector<1x16xf32>
        tpu.vector_store %arg13[%swap3A_101, %swap3A_102], %swap3A_105 {strides = array<i32>} : memref<128x128xf32, #tpu.memory_space<vmem>>, vector<1x16xf32>,
        %get3A_106 = arith.index_cast %scan3A_33 : i32 to index
        %get3A_107 = arith.constant 112 : index
        %get3A_108 = tpu.vector_load %arg13[%get3A_106, %get3A_107] {strides = array<i32>} : memref<128x128xf32, #tpu.memory_space<vmem>>, vector<1x16xf32>,
        %get3A_109 = vector.shape_cast %get3A_108 : vector<1x16xf32> to vector<16xf32>
        %mul3A_110 = arith.mulf %get3A_109, %broadcast_in_dim3A : vector<16xf32>
        %swap3A_111 = arith.index_cast %scan3A_33 : i32 to index
        %swap3A_112 = arith.constant 112 : index
        %swap3A_113 = tpu.vector_load %arg13[%swap3A_111, %swap3A_112] {strides = array<i32>} : memref<128x128xf32, #tpu.memory_space<vmem>>, vector<1x16xf32>,
        %swap3A_114 = vector.shape_cast %swap3A_113 : vector<1x16xf32> to vector<16xf32>
        %swap3A_115 = vector.shape_cast %mul3A_110 : vector<16xf32> to vector<1x16xf32>
        tpu.vector_store %arg13[%swap3A_111, %swap3A_112], %swap3A_115 {strides = array<i32>} : memref<128x128xf32, #tpu.memory_space<vmem>>, vector<1x16xf32>,
      }
      %scan3A_32 = arith.constant 128 : i32
      "tpu.region"() ({
        %run_scoped3A_33 = tpu.sem_alloc : memref<!tpu.dma_semaphore, #tpu.memory_space<semaphore_mem>>
        %dma_start3A_34 = arith.constant 0 : i32
        %dma_start3A_35 = arith.constant 0 : i32
        %dma_start3A_36 = tpu.memref_slice %arg16[%dma_start3A_34, %dma_start3A_35] : memref<10112x128xf32, #tpu.memory_space<vmem_shared>> -> memref<10112x128xf32, #tpu.memory_space<vmem_shared>>
        tpu.enqueue_indirect_dma source(%arg13 : memref<128x128xf32, #tpu.memory_space<vmem>>) target(%dma_start3A_36 : memref<10112x128xf32, #tpu.memory_space<vmem_shared>>) offsets(%arg12 : memref<128xi32, #tpu.memory_space<vmem>>) semaphore(%run_scoped3A_33 : memref<!tpu.dma_semaphore, #tpu.memory_space<semaphore_mem>>) {add = true}
        %dma_wait3A_37 = arith.constant 0 : i32
        %dma_wait3A_38 = arith.constant 0 : i32
        %dma_wait3A_39 = tpu.memref_slice %arg16[%dma_wait3A_37, %dma_wait3A_38] : memref<10112x128xf32, #tpu.memory_space<vmem_shared>> -> memref<10112x128xf32, #tpu.memory_space<vmem_shared>>
        tpu.wait_indirect_dma semaphore(%run_scoped3A_33 : memref<!tpu.dma_semaphore, #tpu.memory_space<semaphore_mem>>) src(%arg13 : memref<128x128xf32, #tpu.memory_space<vmem>>) dst(%dma_wait3A_39 : memref<10112x128xf32, #tpu.memory_space<vmem_shared>>)
        tpu.yield
      }) : () -> ()
    }
    %scan3A_15 = arith.constant 81 : i32
    %barrier3A_16 = arith.constant 0 : index
    tpu.barrier barrier_id(%barrier3A_16)
    %run_scoped3A = arith.constant 0 : i32
    "tpu.region"() ({
      %run_scoped3A_17 = tpu.sem_alloc : memref<!tpu.dma_semaphore, #tpu.memory_space<semaphore_mem>>
      %dma_start3A = arith.constant 0 : i32
      %dma_start3A_18 = arith.constant 0 : i32
      %dma_start3A_19 = arith.constant 0 : i32
      %dma_start3A_20 = tpu.memref_slice %arg9[%arg0, %dma_start3A, %dma_start3A_18, %dma_start3A_19] : memref<2x1x10112x128xf32, #tpu.memory_space<hbm>> -> memref<1x1x10112x128xf32, #tpu.memory_space<hbm>>
      %dma_start3A_21 = tpu.memref_squeeze %dma_start3A_20 : memref<1x1x10112x128xf32, #tpu.memory_space<hbm>> -> memref<1x10112x128xf32, #tpu.memory_space<hbm>>
      %dma_start3A_22 = arith.constant 0 : i32
      %dma_start3A_23 = arith.constant 0 : i32
      %dma_start3A_24 = tpu.memref_slice %dma_start3A_21[%run_scoped3A, %dma_start3A_22, %dma_start3A_23] : memref<1x10112x128xf32, #tpu.memory_space<hbm>> -> memref<1x10112x128xf32, #tpu.memory_space<hbm>>
      %dma_start3A_25 = tpu.memref_squeeze %dma_start3A_24 : memref<1x10112x128xf32, #tpu.memory_space<hbm>> -> memref<10112x128xf32, #tpu.memory_space<hbm>>
      %dma_start3A_26 = arith.constant 0 : i32
      %dma_start3A_27 = tpu.memref_slice %dma_start3A_25[%mul3A_2, %dma_start3A_26] : memref<10112x128xf32, #tpu.memory_space<hbm>> -> memref<632x128xf32, #tpu.memory_space<hbm>>
      %dma_start3A_28 = arith.constant 0 : i32
      %dma_start3A_29 = tpu.memref_slice %arg16[%mul3A_2, %dma_start3A_28] : memref<10112x128xf32, #tpu.memory_space<vmem_shared>> -> memref<632x128xf32, #tpu.memory_space<vmem_shared>>
      tpu.enqueue_dma source(%dma_start3A_29 : memref<632x128xf32, #tpu.memory_space<vmem_shared>>) target(%dma_start3A_27 : memref<632x128xf32, #tpu.memory_space<hbm>>) target_semaphore(%run_scoped3A_17 : memref<!tpu.dma_semaphore, #tpu.memory_space<semaphore_mem>>)
      %dma_wait3A = arith.constant 0 : i32
      %dma_wait3A_30 = arith.constant 0 : i32
      %dma_wait3A_31 = arith.constant 0 : i32
      %dma_wait3A_32 = tpu.memref_slice %arg9[%arg0, %dma_wait3A, %dma_wait3A_30, %dma_wait3A_31] : memref<2x1x10112x128xf32, #tpu.memory_space<hbm>> -> memref<1x1x10112x128xf32, #tpu.memory_space<hbm>>
      %dma_wait3A_33 = tpu.memref_squeeze %dma_wait3A_32 : memref<1x1x10112x128xf32, #tpu.memory_space<hbm>> -> memref<1x10112x128xf32, #tpu.memory_space<hbm>>
      %dma_wait3A_34 = arith.constant 0 : i32
      %dma_wait3A_35 = arith.constant 0 : i32
      %dma_wait3A_36 = tpu.memref_slice %dma_wait3A_33[%run_scoped3A, %dma_wait3A_34, %dma_wait3A_35] : memref<1x10112x128xf32, #tpu.memory_space<hbm>> -> memref<1x10112x128xf32, #tpu.memory_space<hbm>>
      %dma_wait3A_37 = tpu.memref_squeeze %dma_wait3A_36 : memref<1x10112x128xf32, #tpu.memory_space<hbm>> -> memref<10112x128xf32, #tpu.memory_space<hbm>>
      %dma_wait3A_38 = arith.constant 0 : i32
      %dma_wait3A_39 = tpu.memref_slice %dma_wait3A_37[%mul3A_2, %dma_wait3A_38] : memref<10112x128xf32, #tpu.memory_space<hbm>> -> memref<632x128xf32, #tpu.memory_space<hbm>>
      %dma_wait3A_40 = arith.constant 0 : i32
      %dma_wait3A_41 = tpu.memref_slice %arg16[%mul3A_2, %dma_wait3A_40] : memref<10112x128xf32, #tpu.memory_space<vmem_shared>> -> memref<632x128xf32, #tpu.memory_space<vmem_shared>>
      tpu.wait_dma2 semaphore(%run_scoped3A_17 : memref<!tpu.dma_semaphore, #tpu.memory_space<semaphore_mem>>) src(%dma_wait3A_41 : memref<632x128xf32, #tpu.memory_space<vmem_shared>>) dst(%dma_wait3A_39 : memref<632x128xf32, #tpu.memory_space<hbm>>)
      tpu.yield
    }) : () -> ()
    return
  }
}

#map = affine_map<(d0, d1) -> (0)>
#map1 = affine_map<(d0, d1) -> (0, 0)>
#map2 = affine_map<(d0, d1) -> (0, 0, 0)>
#map3 = affine_map<(d0, d1) -> (0, 0, 0, 0)>
module attributes {stable_mosaic.version = 14 : i64} {
  func.func @body(%arg0: i32, %arg1: i32, %arg2: memref<331776xi32, #tpu.memory_space<hbm>>, %arg3: memref<331776xi32, #tpu.memory_space<hbm>>, %arg4: memref<10000x128xf32, #tpu.memory_space<hbm>>, %arg5: memref<10000x128xf32, #tpu.memory_space<hbm>>, %arg6: memref<10000x128xf32, #tpu.memory_space<hbm>>, %arg7: memref<10000x128xf32, #tpu.memory_space<hbm>>, %arg8: memref<10000x128xf32, #tpu.memory_space<hbm>>, %arg9: memref<10000x128xf32, #tpu.memory_space<hbm>>, %arg10: memref<632x128xf32, #tpu.memory_space<hbm>>, %arg11: memref<2x10112x128xf32, #tpu.memory_space<hbm>>, %arg12: memref<2x4x10112x128xf32, #tpu.memory_space<hbm>>, %arg13: memref<331776x16xf32, #tpu.memory_space<hbm>>, %arg14: memref<128xi32, #tpu.memory_space<vmem>>, %arg15: memref<128xi32, #tpu.memory_space<vmem>>, %arg16: memref<128x128xf32, #tpu.memory_space<vmem>>, %arg17: memref<128x128xf32, #tpu.memory_space<vmem>>, %arg18: memref<128x16xf32, #tpu.memory_space<vmem>>, %arg19: memref<10112x128xf32, #tpu.memory_space<vmem_shared>>, %arg20: memref<!tpu.dma_semaphore, #tpu.memory_space<semaphore_mem>>, %arg21: memref<!tpu.dma_semaphore, #tpu.memory_space<semaphore_mem>>) attributes {dimension_semantics = [#tpu.dimension_semantics<core_parallel>, #tpu.dimension_semantics<subcore_parallel>], iteration_bounds = array<i64: 2, 16>, scalar_prefetch = 0 : i64, scratch_operands = 8 : i64, tpu.core_type = #tpu.core_type<sc_vector_subcore>, window_params = [{transform_indices = #map}, {transform_indices = #map}, {transform_indices = #map1}, {transform_indices = #map1}, {transform_indices = #map1}, {transform_indices = #map1}, {transform_indices = #map1}, {transform_indices = #map1}, {transform_indices = #map1}, {transform_indices = #map2}, {transform_indices = #map3}, {transform_indices = #map1}]} {
    %mul3A = arith.constant 16 : i32
    %mul3A_0 = arith.muli %arg0, %mul3A : i32
    %add3A = arith.addi %mul3A_0, %arg1 : i32
    %mul3A_1 = arith.constant 632 : i32
    %mul3A_2 = arith.muli %arg1, %mul3A_1 : i32
    "tpu.region"() ({
      %run_scoped3A_44 = tpu.sem_alloc : memref<!tpu.dma_semaphore, #tpu.memory_space<semaphore_mem>>
      %dma_start3A = arith.constant 0 : i32
      %dma_start3A_45 = tpu.memref_slice %arg19[%mul3A_2, %dma_start3A] : memref<10112x128xf32, #tpu.memory_space<vmem_shared>> -> memref<632x128xf32, #tpu.memory_space<vmem_shared>>
      tpu.enqueue_dma source(%arg10 : memref<632x128xf32, #tpu.memory_space<hbm>>) target(%dma_start3A_45 : memref<632x128xf32, #tpu.memory_space<vmem_shared>>) target_semaphore(%run_scoped3A_44 : memref<!tpu.dma_semaphore, #tpu.memory_space<semaphore_mem>>)
      %dma_wait3A = arith.constant 0 : i32
      %dma_wait3A_46 = tpu.memref_slice %arg19[%mul3A_2, %dma_wait3A] : memref<10112x128xf32, #tpu.memory_space<vmem_shared>> -> memref<632x128xf32, #tpu.memory_space<vmem_shared>>
      tpu.wait_dma2 semaphore(%run_scoped3A_44 : memref<!tpu.dma_semaphore, #tpu.memory_space<semaphore_mem>>) src(%arg10 : memref<632x128xf32, #tpu.memory_space<hbm>>) dst(%dma_wait3A_46 : memref<632x128xf32, #tpu.memory_space<vmem_shared>>)
      tpu.yield
    }) : () -> ()
    %barrier3A = arith.constant 0 : index
    tpu.barrier barrier_id(%barrier3A)
    %scan3A = arith.constant 0 : i32
    %scan3A_3 = arith.constant 0 : i32
    %scan3A_4 = arith.constant 81 : i32
    %scan3A_5 = arith.addi %scan3A_3, %scan3A_4 : i32
    %scan3A_6 = arith.constant 1 : i32
    scf.for %scan3A_44 = %scan3A_3 to %scan3A_5 step %scan3A_6  : i32 {
      %mul3A_45 = arith.constant 10368 : i32
      %mul3A_46 = arith.muli %add3A, %mul3A_45 : i32
      %mul3A_47 = arith.constant 128 : i32
      %mul3A_48 = arith.muli %scan3A_44, %mul3A_47 : i32
      %add3A_49 = arith.addi %mul3A_46, %mul3A_48 : i32
      "tpu.region"() ({
        %run_scoped3A_66 = tpu.sem_alloc : memref<!tpu.dma_semaphore, #tpu.memory_space<semaphore_mem>>
        %dma_start3A_67 = tpu.memref_slice %arg2[%add3A_49] : memref<331776xi32, #tpu.memory_space<hbm>> -> memref<128xi32, #tpu.memory_space<hbm>>
        %dma_start3A_68 = tpu.memref_slice %arg2[%add3A_49] : memref<331776xi32, #tpu.memory_space<hbm>> -> memref<128xi32, #tpu.memory_space<hbm>>
        tpu.enqueue_dma source(%dma_start3A_68 : memref<128xi32, #tpu.memory_space<hbm>>) target(%arg14 : memref<128xi32, #tpu.memory_space<vmem>>) target_semaphore(%run_scoped3A_66 : memref<!tpu.dma_semaphore, #tpu.memory_space<semaphore_mem>>)
        %dma_wait3A_69 = tpu.memref_slice %arg2[%add3A_49] : memref<331776xi32, #tpu.memory_space<hbm>> -> memref<128xi32, #tpu.memory_space<hbm>>
        %dma_wait3A_70 = tpu.memref_slice %arg2[%add3A_49] : memref<331776xi32, #tpu.memory_space<hbm>> -> memref<128xi32, #tpu.memory_space<hbm>>
        tpu.wait_dma2 semaphore(%run_scoped3A_66 : memref<!tpu.dma_semaphore, #tpu.memory_space<semaphore_mem>>) src(%dma_wait3A_70 : memref<128xi32, #tpu.memory_space<hbm>>) dst(%arg14 : memref<128xi32, #tpu.memory_space<vmem>>)
        tpu.yield
      }) : () -> ()
      "tpu.region"() ({
        %run_scoped3A_66 = tpu.sem_alloc : memref<!tpu.dma_semaphore, #tpu.memory_space<semaphore_mem>>
        %dma_start3A_67 = tpu.memref_slice %arg3[%add3A_49] : memref<331776xi32, #tpu.memory_space<hbm>> -> memref<128xi32, #tpu.memory_space<hbm>>
        %dma_start3A_68 = tpu.memref_slice %arg3[%add3A_49] : memref<331776xi32, #tpu.memory_space<hbm>> -> memref<128xi32, #tpu.memory_space<hbm>>
        tpu.enqueue_dma source(%dma_start3A_68 : memref<128xi32, #tpu.memory_space<hbm>>) target(%arg15 : memref<128xi32, #tpu.memory_space<vmem>>) target_semaphore(%run_scoped3A_66 : memref<!tpu.dma_semaphore, #tpu.memory_space<semaphore_mem>>)
        %dma_wait3A_69 = tpu.memref_slice %arg3[%add3A_49] : memref<331776xi32, #tpu.memory_space<hbm>> -> memref<128xi32, #tpu.memory_space<hbm>>
        %dma_wait3A_70 = tpu.memref_slice %arg3[%add3A_49] : memref<331776xi32, #tpu.memory_space<hbm>> -> memref<128xi32, #tpu.memory_space<hbm>>
        tpu.wait_dma2 semaphore(%run_scoped3A_66 : memref<!tpu.dma_semaphore, #tpu.memory_space<semaphore_mem>>) src(%dma_wait3A_70 : memref<128xi32, #tpu.memory_space<hbm>>) dst(%arg15 : memref<128xi32, #tpu.memory_space<vmem>>)
        tpu.yield
      }) : () -> ()
      %dma_start3A = arith.constant 0 : i32
      %dma_start3A_50 = arith.constant 0 : i32
      %dma_start3A_51 = tpu.memref_slice %arg4[%dma_start3A, %dma_start3A_50] : memref<10000x128xf32, #tpu.memory_space<hbm>> -> memref<10000x128xf32, #tpu.memory_space<hbm>>
      tpu.enqueue_indirect_dma source(%dma_start3A_51 : memref<10000x128xf32, #tpu.memory_space<hbm>>) target(%arg16 : memref<128x128xf32, #tpu.memory_space<vmem>>) offsets(%arg14 : memref<128xi32, #tpu.memory_space<vmem>>) semaphore(%arg20 : memref<!tpu.dma_semaphore, #tpu.memory_space<semaphore_mem>>)
      %dma_start3A_52 = arith.constant 0 : i32
      %dma_start3A_53 = arith.constant 0 : i32
      %dma_start3A_54 = tpu.memref_slice %arg5[%dma_start3A_52, %dma_start3A_53] : memref<10000x128xf32, #tpu.memory_space<hbm>> -> memref<10000x128xf32, #tpu.memory_space<hbm>>
      tpu.enqueue_indirect_dma source(%dma_start3A_54 : memref<10000x128xf32, #tpu.memory_space<hbm>>) target(%arg17 : memref<128x128xf32, #tpu.memory_space<vmem>>) offsets(%arg15 : memref<128xi32, #tpu.memory_space<vmem>>) semaphore(%arg21 : memref<!tpu.dma_semaphore, #tpu.memory_space<semaphore_mem>>)
      %dma_wait3A = arith.constant 0 : i32
      %dma_wait3A_55 = arith.constant 0 : i32
      %dma_wait3A_56 = tpu.memref_slice %arg4[%dma_wait3A, %dma_wait3A_55] : memref<10000x128xf32, #tpu.memory_space<hbm>> -> memref<10000x128xf32, #tpu.memory_space<hbm>>
      tpu.wait_indirect_dma semaphore(%arg20 : memref<!tpu.dma_semaphore, #tpu.memory_space<semaphore_mem>>) src(%dma_wait3A_56 : memref<10000x128xf32, #tpu.memory_space<hbm>>) dst(%arg16 : memref<128x128xf32, #tpu.memory_space<vmem>>)
      %dma_wait3A_57 = arith.constant 0 : i32
      %dma_wait3A_58 = arith.constant 0 : i32
      %dma_wait3A_59 = tpu.memref_slice %arg5[%dma_wait3A_57, %dma_wait3A_58] : memref<10000x128xf32, #tpu.memory_space<hbm>> -> memref<10000x128xf32, #tpu.memory_space<hbm>>
      tpu.wait_indirect_dma semaphore(%arg21 : memref<!tpu.dma_semaphore, #tpu.memory_space<semaphore_mem>>) src(%dma_wait3A_59 : memref<10000x128xf32, #tpu.memory_space<hbm>>) dst(%arg17 : memref<128x128xf32, #tpu.memory_space<vmem>>)
      %scan3A_60 = arith.constant 0 : i32
      %scan3A_61 = arith.constant 0 : i32
      %scan3A_62 = arith.constant 128 : i32
      %scan3A_63 = arith.addi %scan3A_61, %scan3A_62 : i32
      %scan3A_64 = arith.constant 1 : i32
      scf.for %scan3A_66 = %scan3A_61 to %scan3A_63 step %scan3A_64  : i32 {
        %get3A = arith.index_cast %scan3A_66 : i32 to index
        %get3A_67 = arith.constant 0 : index
        %get3A_68 = tpu.vector_load %arg16[%get3A, %get3A_67] {strides = array<i32>} : memref<128x128xf32, #tpu.memory_space<vmem>>, vector<1x16xf32>,
        %get3A_69 = vector.shape_cast %get3A_68 : vector<1x16xf32> to vector<16xf32>
        %get3A_70 = arith.index_cast %scan3A_66 : i32 to index
        %get3A_71 = arith.constant 0 : index
        %get3A_72 = tpu.vector_load %arg17[%get3A_70, %get3A_71] {strides = array<i32>} : memref<128x128xf32, #tpu.memory_space<vmem>>, vector<1x16xf32>,
        %get3A_73 = vector.shape_cast %get3A_72 : vector<1x16xf32> to vector<16xf32>
        %add3A_74 = arith.addf %get3A_69, %get3A_73 : vector<16xf32>
        %gt3A = arith.constant 0.000000e+00 : f32
        %gt3A_75 = vector.broadcast %gt3A : f32 to vector<16xf32>
        %gt3A_76 = arith.cmpf ogt, %add3A_74, %gt3A_75 : vector<16xf32>
        %mul3A_77 = arith.constant 2.000000e-01 : f32
        %mul3A_78 = vector.broadcast %mul3A_77 : f32 to vector<16xf32>
        %mul3A_79 = arith.mulf %mul3A_78, %add3A_74 : vector<16xf32>
        %select_n3A = arith.select %gt3A_76, %add3A_74, %mul3A_79 : vector<16xi1>, vector<16xf32>
        %get3A_80 = arith.index_cast %scan3A_66 : i32 to index
        %get3A_81 = arith.constant 16 : index
        %get3A_82 = tpu.vector_load %arg17[%get3A_80, %get3A_81] {strides = array<i32>} : memref<128x128xf32, #tpu.memory_space<vmem>>, vector<1x16xf32>,
        %get3A_83 = vector.shape_cast %get3A_82 : vector<1x16xf32> to vector<16xf32>
        %sub3A = arith.subf %select_n3A, %get3A_83 : vector<16xf32>
        %exp3A = math.exp %sub3A : vector<16xf32>
        %add3A_84 = arith.addi %add3A_49, %scan3A_66 : i32
        %lt3A = arith.constant 330000 : i32
        %lt3A_85 = arith.cmpi slt, %add3A_84, %lt3A : i32
        %jit3A = arith.constant 1.000000e+00 : f32
        %jit3A_86 = arith.constant 0.000000e+00 : f32
        %select_n3A_87 = arith.select %lt3A_85, %jit3A, %jit3A_86 : f32
        %mul3A_88 = vector.broadcast %select_n3A_87 : f32 to vector<16xf32>
        %mul3A_89 = arith.mulf %exp3A, %mul3A_88 : vector<16xf32>
        %swap3A = arith.index_cast %scan3A_66 : i32 to index
        %swap3A_90 = arith.constant 0 : index
        %swap3A_91 = tpu.vector_load %arg18[%swap3A, %swap3A_90] {strides = array<i32>} : memref<128x16xf32, #tpu.memory_space<vmem>>, vector<1x16xf32>,
        %swap3A_92 = vector.shape_cast %swap3A_91 : vector<1x16xf32> to vector<16xf32>
        %swap3A_93 = vector.shape_cast %mul3A_89 : vector<16xf32> to vector<1x16xf32>
        tpu.vector_store %arg18[%swap3A, %swap3A_90], %swap3A_93 {strides = array<i32>} : memref<128x16xf32, #tpu.memory_space<vmem>>, vector<1x16xf32>,
        %swap3A_94 = arith.index_cast %scan3A_66 : i32 to index
        %swap3A_95 = arith.constant 0 : index
        %swap3A_96 = tpu.vector_load %arg16[%swap3A_94, %swap3A_95] {strides = array<i32>} : memref<128x128xf32, #tpu.memory_space<vmem>>, vector<1x16xf32>,
        %swap3A_97 = vector.shape_cast %swap3A_96 : vector<1x16xf32> to vector<16xf32>
        %swap3A_98 = vector.shape_cast %mul3A_89 : vector<16xf32> to vector<1x16xf32>
        tpu.vector_store %arg16[%swap3A_94, %swap3A_95], %swap3A_98 {strides = array<i32>} : memref<128x128xf32, #tpu.memory_space<vmem>>, vector<1x16xf32>,
        %swap3A_99 = arith.index_cast %scan3A_66 : i32 to index
        %swap3A_100 = arith.constant 16 : index
        %swap3A_101 = tpu.vector_load %arg16[%swap3A_99, %swap3A_100] {strides = array<i32>} : memref<128x128xf32, #tpu.memory_space<vmem>>, vector<1x16xf32>,
        %swap3A_102 = vector.shape_cast %swap3A_101 : vector<1x16xf32> to vector<16xf32>
        %swap3A_103 = vector.shape_cast %mul3A_89 : vector<16xf32> to vector<1x16xf32>
        tpu.vector_store %arg16[%swap3A_99, %swap3A_100], %swap3A_103 {strides = array<i32>} : memref<128x128xf32, #tpu.memory_space<vmem>>, vector<1x16xf32>,
        %swap3A_104 = arith.index_cast %scan3A_66 : i32 to index
        %swap3A_105 = arith.constant 32 : index
        %swap3A_106 = tpu.vector_load %arg16[%swap3A_104, %swap3A_105] {strides = array<i32>} : memref<128x128xf32, #tpu.memory_space<vmem>>, vector<1x16xf32>,
        %swap3A_107 = vector.shape_cast %swap3A_106 : vector<1x16xf32> to vector<16xf32>
        %swap3A_108 = vector.shape_cast %mul3A_89 : vector<16xf32> to vector<1x16xf32>
        tpu.vector_store %arg16[%swap3A_104, %swap3A_105], %swap3A_108 {strides = array<i32>} : memref<128x128xf32, #tpu.memory_space<vmem>>, vector<1x16xf32>,
        %swap3A_109 = arith.index_cast %scan3A_66 : i32 to index
        %swap3A_110 = arith.constant 48 : index
        %swap3A_111 = tpu.vector_load %arg16[%swap3A_109, %swap3A_110] {strides = array<i32>} : memref<128x128xf32, #tpu.memory_space<vmem>>, vector<1x16xf32>,
        %swap3A_112 = vector.shape_cast %swap3A_111 : vector<1x16xf32> to vector<16xf32>
        %swap3A_113 = vector.shape_cast %mul3A_89 : vector<16xf32> to vector<1x16xf32>
        tpu.vector_store %arg16[%swap3A_109, %swap3A_110], %swap3A_113 {strides = array<i32>} : memref<128x128xf32, #tpu.memory_space<vmem>>, vector<1x16xf32>,
        %swap3A_114 = arith.index_cast %scan3A_66 : i32 to index
        %swap3A_115 = arith.constant 64 : index
        %swap3A_116 = tpu.vector_load %arg16[%swap3A_114, %swap3A_115] {strides = array<i32>} : memref<128x128xf32, #tpu.memory_space<vmem>>, vector<1x16xf32>,
        %swap3A_117 = vector.shape_cast %swap3A_116 : vector<1x16xf32> to vector<16xf32>
        %swap3A_118 = vector.shape_cast %mul3A_89 : vector<16xf32> to vector<1x16xf32>
        tpu.vector_store %arg16[%swap3A_114, %swap3A_115], %swap3A_118 {strides = array<i32>} : memref<128x128xf32, #tpu.memory_space<vmem>>, vector<1x16xf32>,
        %swap3A_119 = arith.index_cast %scan3A_66 : i32 to index
        %swap3A_120 = arith.constant 80 : index
        %swap3A_121 = tpu.vector_load %arg16[%swap3A_119, %swap3A_120] {strides = array<i32>} : memref<128x128xf32, #tpu.memory_space<vmem>>, vector<1x16xf32>,
        %swap3A_122 = vector.shape_cast %swap3A_121 : vector<1x16xf32> to vector<16xf32>
        %swap3A_123 = vector.shape_cast %mul3A_89 : vector<16xf32> to vector<1x16xf32>
        tpu.vector_store %arg16[%swap3A_119, %swap3A_120], %swap3A_123 {strides = array<i32>} : memref<128x128xf32, #tpu.memory_space<vmem>>, vector<1x16xf32>,
        %swap3A_124 = arith.index_cast %scan3A_66 : i32 to index
        %swap3A_125 = arith.constant 96 : index
        %swap3A_126 = tpu.vector_load %arg16[%swap3A_124, %swap3A_125] {strides = array<i32>} : memref<128x128xf32, #tpu.memory_space<vmem>>, vector<1x16xf32>,
        %swap3A_127 = vector.shape_cast %swap3A_126 : vector<1x16xf32> to vector<16xf32>
        %swap3A_128 = vector.shape_cast %mul3A_89 : vector<16xf32> to vector<1x16xf32>
        tpu.vector_store %arg16[%swap3A_124, %swap3A_125], %swap3A_128 {strides = array<i32>} : memref<128x128xf32, #tpu.memory_space<vmem>>, vector<1x16xf32>,
        %swap3A_129 = arith.index_cast %scan3A_66 : i32 to index
        %swap3A_130 = arith.constant 112 : index
        %swap3A_131 = tpu.vector_load %arg16[%swap3A_129, %swap3A_130] {strides = array<i32>} : memref<128x128xf32, #tpu.memory_space<vmem>>, vector<1x16xf32>,
        %swap3A_132 = vector.shape_cast %swap3A_131 : vector<1x16xf32> to vector<16xf32>
        %swap3A_133 = vector.shape_cast %mul3A_89 : vector<16xf32> to vector<1x16xf32>
        tpu.vector_store %arg16[%swap3A_129, %swap3A_130], %swap3A_133 {strides = array<i32>} : memref<128x128xf32, #tpu.memory_space<vmem>>, vector<1x16xf32>,
      }
      %scan3A_65 = arith.constant 128 : i32
      "tpu.region"() ({
        %run_scoped3A_66 = tpu.sem_alloc : memref<!tpu.dma_semaphore, #tpu.memory_space<semaphore_mem>>
        %dma_start3A_67 = arith.constant 0 : i32
        %dma_start3A_68 = tpu.memref_slice %arg13[%add3A_49, %dma_start3A_67] : memref<331776x16xf32, #tpu.memory_space<hbm>> -> memref<128x16xf32, #tpu.memory_space<hbm>>
        %dma_start3A_69 = arith.constant 0 : i32
        %dma_start3A_70 = tpu.memref_slice %arg13[%add3A_49, %dma_start3A_69] : memref<331776x16xf32, #tpu.memory_space<hbm>> -> memref<128x16xf32, #tpu.memory_space<hbm>>
        tpu.enqueue_dma source(%arg18 : memref<128x16xf32, #tpu.memory_space<vmem>>) target(%dma_start3A_70 : memref<128x16xf32, #tpu.memory_space<hbm>>) target_semaphore(%run_scoped3A_66 : memref<!tpu.dma_semaphore, #tpu.memory_space<semaphore_mem>>)
        %dma_wait3A_71 = arith.constant 0 : i32
        %dma_wait3A_72 = tpu.memref_slice %arg13[%add3A_49, %dma_wait3A_71] : memref<331776x16xf32, #tpu.memory_space<hbm>> -> memref<128x16xf32, #tpu.memory_space<hbm>>
        %dma_wait3A_73 = arith.constant 0 : i32
        %dma_wait3A_74 = tpu.memref_slice %arg13[%add3A_49, %dma_wait3A_73] : memref<331776x16xf32, #tpu.memory_space<hbm>> -> memref<128x16xf32, #tpu.memory_space<hbm>>
        tpu.wait_dma2 semaphore(%run_scoped3A_66 : memref<!tpu.dma_semaphore, #tpu.memory_space<semaphore_mem>>) src(%arg18 : memref<128x16xf32, #tpu.memory_space<vmem>>) dst(%dma_wait3A_74 : memref<128x16xf32, #tpu.memory_space<hbm>>)
        tpu.yield
      }) : () -> ()
      "tpu.region"() ({
        %run_scoped3A_66 = tpu.sem_alloc : memref<!tpu.dma_semaphore, #tpu.memory_space<semaphore_mem>>
        %dma_start3A_67 = arith.constant 0 : i32
        %dma_start3A_68 = arith.constant 0 : i32
        %dma_start3A_69 = tpu.memref_slice %arg19[%dma_start3A_67, %dma_start3A_68] : memref<10112x128xf32, #tpu.memory_space<vmem_shared>> -> memref<10112x128xf32, #tpu.memory_space<vmem_shared>>
        tpu.enqueue_indirect_dma source(%arg16 : memref<128x128xf32, #tpu.memory_space<vmem>>) target(%dma_start3A_69 : memref<10112x128xf32, #tpu.memory_space<vmem_shared>>) offsets(%arg15 : memref<128xi32, #tpu.memory_space<vmem>>) semaphore(%run_scoped3A_66 : memref<!tpu.dma_semaphore, #tpu.memory_space<semaphore_mem>>) {add = true}
        %dma_wait3A_70 = arith.constant 0 : i32
        %dma_wait3A_71 = arith.constant 0 : i32
        %dma_wait3A_72 = tpu.memref_slice %arg19[%dma_wait3A_70, %dma_wait3A_71] : memref<10112x128xf32, #tpu.memory_space<vmem_shared>> -> memref<10112x128xf32, #tpu.memory_space<vmem_shared>>
        tpu.wait_indirect_dma semaphore(%run_scoped3A_66 : memref<!tpu.dma_semaphore, #tpu.memory_space<semaphore_mem>>) src(%arg16 : memref<128x128xf32, #tpu.memory_space<vmem>>) dst(%dma_wait3A_72 : memref<10112x128xf32, #tpu.memory_space<vmem_shared>>)
        tpu.yield
      }) : () -> ()
    }
    %scan3A_7 = arith.constant 81 : i32
    %barrier3A_8 = arith.constant 0 : index
    tpu.barrier barrier_id(%barrier3A_8)
    "tpu.region"() ({
      %run_scoped3A_44 = tpu.sem_alloc : memref<!tpu.dma_semaphore, #tpu.memory_space<semaphore_mem>>
      %dma_start3A = arith.constant 0 : i32
      %dma_start3A_45 = arith.constant 0 : i32
      %dma_start3A_46 = tpu.memref_slice %arg11[%arg0, %dma_start3A, %dma_start3A_45] : memref<2x10112x128xf32, #tpu.memory_space<hbm>> -> memref<1x10112x128xf32, #tpu.memory_space<hbm>>
      %dma_start3A_47 = tpu.memref_squeeze %dma_start3A_46 : memref<1x10112x128xf32, #tpu.memory_space<hbm>> -> memref<10112x128xf32, #tpu.memory_space<hbm>>
      %dma_start3A_48 = arith.constant 0 : i32
      %dma_start3A_49 = tpu.memref_slice %dma_start3A_47[%mul3A_2, %dma_start3A_48] : memref<10112x128xf32, #tpu.memory_space<hbm>> -> memref<632x128xf32, #tpu.memory_space<hbm>>
      %dma_start3A_50 = arith.constant 0 : i32
      %dma_start3A_51 = tpu.memref_slice %arg19[%mul3A_2, %dma_start3A_50] : memref<10112x128xf32, #tpu.memory_space<vmem_shared>> -> memref<632x128xf32, #tpu.memory_space<vmem_shared>>
      tpu.enqueue_dma source(%dma_start3A_51 : memref<632x128xf32, #tpu.memory_space<vmem_shared>>) target(%dma_start3A_49 : memref<632x128xf32, #tpu.memory_space<hbm>>) target_semaphore(%run_scoped3A_44 : memref<!tpu.dma_semaphore, #tpu.memory_space<semaphore_mem>>)
      %dma_wait3A = arith.constant 0 : i32
      %dma_wait3A_52 = arith.constant 0 : i32
      %dma_wait3A_53 = tpu.memref_slice %arg11[%arg0, %dma_wait3A, %dma_wait3A_52] : memref<2x10112x128xf32, #tpu.memory_space<hbm>> -> memref<1x10112x128xf32, #tpu.memory_space<hbm>>
      %dma_wait3A_54 = tpu.memref_squeeze %dma_wait3A_53 : memref<1x10112x128xf32, #tpu.memory_space<hbm>> -> memref<10112x128xf32, #tpu.memory_space<hbm>>
      %dma_wait3A_55 = arith.constant 0 : i32
      %dma_wait3A_56 = tpu.memref_slice %dma_wait3A_54[%mul3A_2, %dma_wait3A_55] : memref<10112x128xf32, #tpu.memory_space<hbm>> -> memref<632x128xf32, #tpu.memory_space<hbm>>
      %dma_wait3A_57 = arith.constant 0 : i32
      %dma_wait3A_58 = tpu.memref_slice %arg19[%mul3A_2, %dma_wait3A_57] : memref<10112x128xf32, #tpu.memory_space<vmem_shared>> -> memref<632x128xf32, #tpu.memory_space<vmem_shared>>
      tpu.wait_dma2 semaphore(%run_scoped3A_44 : memref<!tpu.dma_semaphore, #tpu.memory_space<semaphore_mem>>) src(%dma_wait3A_58 : memref<632x128xf32, #tpu.memory_space<vmem_shared>>) dst(%dma_wait3A_56 : memref<632x128xf32, #tpu.memory_space<hbm>>)
      tpu.yield
    }) : () -> ()
    "tpu.region"() ({
      %run_scoped3A_44 = tpu.sem_alloc : memref<!tpu.dma_semaphore, #tpu.memory_space<semaphore_mem>>
      %dma_start3A = arith.constant 0 : i32
      %dma_start3A_45 = tpu.memref_slice %arg19[%mul3A_2, %dma_start3A] : memref<10112x128xf32, #tpu.memory_space<vmem_shared>> -> memref<632x128xf32, #tpu.memory_space<vmem_shared>>
      tpu.enqueue_dma source(%arg10 : memref<632x128xf32, #tpu.memory_space<hbm>>) target(%dma_start3A_45 : memref<632x128xf32, #tpu.memory_space<vmem_shared>>) target_semaphore(%run_scoped3A_44 : memref<!tpu.dma_semaphore, #tpu.memory_space<semaphore_mem>>)
      %dma_wait3A = arith.constant 0 : i32
      %dma_wait3A_46 = tpu.memref_slice %arg19[%mul3A_2, %dma_wait3A] : memref<10112x128xf32, #tpu.memory_space<vmem_shared>> -> memref<632x128xf32, #tpu.memory_space<vmem_shared>>
      tpu.wait_dma2 semaphore(%run_scoped3A_44 : memref<!tpu.dma_semaphore, #tpu.memory_space<semaphore_mem>>) src(%arg10 : memref<632x128xf32, #tpu.memory_space<hbm>>) dst(%dma_wait3A_46 : memref<632x128xf32, #tpu.memory_space<vmem_shared>>)
      tpu.yield
    }) : () -> ()
    %barrier3A_9 = arith.constant 0 : index
    tpu.barrier barrier_id(%barrier3A_9)
    %scan3A_10 = arith.constant 0 : i32
    %scan3A_11 = arith.constant 0 : i32
    %scan3A_12 = arith.constant 81 : i32
    %scan3A_13 = arith.addi %scan3A_11, %scan3A_12 : i32
    %scan3A_14 = arith.constant 1 : i32
    scf.for %scan3A_44 = %scan3A_11 to %scan3A_13 step %scan3A_14  : i32 {
      %mul3A_45 = arith.constant 10368 : i32
      %mul3A_46 = arith.muli %add3A, %mul3A_45 : i32
      %mul3A_47 = arith.constant 128 : i32
      %mul3A_48 = arith.muli %scan3A_44, %mul3A_47 : i32
      %add3A_49 = arith.addi %mul3A_46, %mul3A_48 : i32
      "tpu.region"() ({
        %run_scoped3A_60 = tpu.sem_alloc : memref<!tpu.dma_semaphore, #tpu.memory_space<semaphore_mem>>
        %dma_start3A_61 = tpu.memref_slice %arg2[%add3A_49] : memref<331776xi32, #tpu.memory_space<hbm>> -> memref<128xi32, #tpu.memory_space<hbm>>
        %dma_start3A_62 = tpu.memref_slice %arg2[%add3A_49] : memref<331776xi32, #tpu.memory_space<hbm>> -> memref<128xi32, #tpu.memory_space<hbm>>
        tpu.enqueue_dma source(%dma_start3A_62 : memref<128xi32, #tpu.memory_space<hbm>>) target(%arg14 : memref<128xi32, #tpu.memory_space<vmem>>) target_semaphore(%run_scoped3A_60 : memref<!tpu.dma_semaphore, #tpu.memory_space<semaphore_mem>>)
        %dma_wait3A_63 = tpu.memref_slice %arg2[%add3A_49] : memref<331776xi32, #tpu.memory_space<hbm>> -> memref<128xi32, #tpu.memory_space<hbm>>
        %dma_wait3A_64 = tpu.memref_slice %arg2[%add3A_49] : memref<331776xi32, #tpu.memory_space<hbm>> -> memref<128xi32, #tpu.memory_space<hbm>>
        tpu.wait_dma2 semaphore(%run_scoped3A_60 : memref<!tpu.dma_semaphore, #tpu.memory_space<semaphore_mem>>) src(%dma_wait3A_64 : memref<128xi32, #tpu.memory_space<hbm>>) dst(%arg14 : memref<128xi32, #tpu.memory_space<vmem>>)
        tpu.yield
      }) : () -> ()
      "tpu.region"() ({
        %run_scoped3A_60 = tpu.sem_alloc : memref<!tpu.dma_semaphore, #tpu.memory_space<semaphore_mem>>
        %dma_start3A_61 = tpu.memref_slice %arg3[%add3A_49] : memref<331776xi32, #tpu.memory_space<hbm>> -> memref<128xi32, #tpu.memory_space<hbm>>
        %dma_start3A_62 = tpu.memref_slice %arg3[%add3A_49] : memref<331776xi32, #tpu.memory_space<hbm>> -> memref<128xi32, #tpu.memory_space<hbm>>
        tpu.enqueue_dma source(%dma_start3A_62 : memref<128xi32, #tpu.memory_space<hbm>>) target(%arg15 : memref<128xi32, #tpu.memory_space<vmem>>) target_semaphore(%run_scoped3A_60 : memref<!tpu.dma_semaphore, #tpu.memory_space<semaphore_mem>>)
        %dma_wait3A_63 = tpu.memref_slice %arg3[%add3A_49] : memref<331776xi32, #tpu.memory_space<hbm>> -> memref<128xi32, #tpu.memory_space<hbm>>
        %dma_wait3A_64 = tpu.memref_slice %arg3[%add3A_49] : memref<331776xi32, #tpu.memory_space<hbm>> -> memref<128xi32, #tpu.memory_space<hbm>>
        tpu.wait_dma2 semaphore(%run_scoped3A_60 : memref<!tpu.dma_semaphore, #tpu.memory_space<semaphore_mem>>) src(%dma_wait3A_64 : memref<128xi32, #tpu.memory_space<hbm>>) dst(%arg15 : memref<128xi32, #tpu.memory_space<vmem>>)
        tpu.yield
      }) : () -> ()
      "tpu.region"() ({
        %run_scoped3A_60 = tpu.sem_alloc : memref<!tpu.dma_semaphore, #tpu.memory_space<semaphore_mem>>
        %dma_start3A_61 = arith.constant 0 : i32
        %dma_start3A_62 = tpu.memref_slice %arg13[%add3A_49, %dma_start3A_61] : memref<331776x16xf32, #tpu.memory_space<hbm>> -> memref<128x16xf32, #tpu.memory_space<hbm>>
        %dma_start3A_63 = arith.constant 0 : i32
        %dma_start3A_64 = tpu.memref_slice %arg13[%add3A_49, %dma_start3A_63] : memref<331776x16xf32, #tpu.memory_space<hbm>> -> memref<128x16xf32, #tpu.memory_space<hbm>>
        tpu.enqueue_dma source(%dma_start3A_64 : memref<128x16xf32, #tpu.memory_space<hbm>>) target(%arg18 : memref<128x16xf32, #tpu.memory_space<vmem>>) target_semaphore(%run_scoped3A_60 : memref<!tpu.dma_semaphore, #tpu.memory_space<semaphore_mem>>)
        %dma_wait3A_65 = arith.constant 0 : i32
        %dma_wait3A_66 = tpu.memref_slice %arg13[%add3A_49, %dma_wait3A_65] : memref<331776x16xf32, #tpu.memory_space<hbm>> -> memref<128x16xf32, #tpu.memory_space<hbm>>
        %dma_wait3A_67 = arith.constant 0 : i32
        %dma_wait3A_68 = tpu.memref_slice %arg13[%add3A_49, %dma_wait3A_67] : memref<331776x16xf32, #tpu.memory_space<hbm>> -> memref<128x16xf32, #tpu.memory_space<hbm>>
        tpu.wait_dma2 semaphore(%run_scoped3A_60 : memref<!tpu.dma_semaphore, #tpu.memory_space<semaphore_mem>>) src(%dma_wait3A_68 : memref<128x16xf32, #tpu.memory_space<hbm>>) dst(%arg18 : memref<128x16xf32, #tpu.memory_space<vmem>>)
        tpu.yield
      }) : () -> ()
      %dma_start3A = arith.constant 0 : i32
      %dma_start3A_50 = arith.constant 0 : i32
      %dma_start3A_51 = tpu.memref_slice %arg6[%dma_start3A, %dma_start3A_50] : memref<10000x128xf32, #tpu.memory_space<hbm>> -> memref<10000x128xf32, #tpu.memory_space<hbm>>
      tpu.enqueue_indirect_dma source(%dma_start3A_51 : memref<10000x128xf32, #tpu.memory_space<hbm>>) target(%arg16 : memref<128x128xf32, #tpu.memory_space<vmem>>) offsets(%arg14 : memref<128xi32, #tpu.memory_space<vmem>>) semaphore(%arg20 : memref<!tpu.dma_semaphore, #tpu.memory_space<semaphore_mem>>)
      %dma_wait3A = arith.constant 0 : i32
      %dma_wait3A_52 = arith.constant 0 : i32
      %dma_wait3A_53 = tpu.memref_slice %arg6[%dma_wait3A, %dma_wait3A_52] : memref<10000x128xf32, #tpu.memory_space<hbm>> -> memref<10000x128xf32, #tpu.memory_space<hbm>>
      tpu.wait_indirect_dma semaphore(%arg20 : memref<!tpu.dma_semaphore, #tpu.memory_space<semaphore_mem>>) src(%dma_wait3A_53 : memref<10000x128xf32, #tpu.memory_space<hbm>>) dst(%arg16 : memref<128x128xf32, #tpu.memory_space<vmem>>)
      %scan3A_54 = arith.constant 0 : i32
      %scan3A_55 = arith.constant 0 : i32
      %scan3A_56 = arith.constant 128 : i32
      %scan3A_57 = arith.addi %scan3A_55, %scan3A_56 : i32
      %scan3A_58 = arith.constant 1 : i32
      scf.for %scan3A_60 = %scan3A_55 to %scan3A_57 step %scan3A_58  : i32 {
        %get3A = arith.index_cast %scan3A_60 : i32 to index
        %get3A_61 = arith.constant 0 : index
        %get3A_62 = tpu.vector_load %arg18[%get3A, %get3A_61] {strides = array<i32>} : memref<128x16xf32, #tpu.memory_space<vmem>>, vector<1x16xf32>,
        %get3A_63 = vector.shape_cast %get3A_62 : vector<1x16xf32> to vector<16xf32>
        %slice3A = vector.extract_strided_slice %get3A_63 {offsets = [0], sizes = [1], strides = [1]} : vector<16xf32> to vector<1xf32>
        %squeeze3A = vector.extract %slice3A[0] : f32 from vector<1xf32>
        %broadcast_in_dim3A = vector.broadcast %squeeze3A : f32 to vector<16xf32>
        %get3A_64 = arith.index_cast %scan3A_60 : i32 to index
        %get3A_65 = arith.constant 0 : index
        %get3A_66 = tpu.vector_load %arg16[%get3A_64, %get3A_65] {strides = array<i32>} : memref<128x128xf32, #tpu.memory_space<vmem>>, vector<1x16xf32>,
        %get3A_67 = vector.shape_cast %get3A_66 : vector<1x16xf32> to vector<16xf32>
        %mul3A_68 = arith.mulf %get3A_67, %broadcast_in_dim3A : vector<16xf32>
        %swap3A = arith.index_cast %scan3A_60 : i32 to index
        %swap3A_69 = arith.constant 0 : index
        %swap3A_70 = tpu.vector_load %arg16[%swap3A, %swap3A_69] {strides = array<i32>} : memref<128x128xf32, #tpu.memory_space<vmem>>, vector<1x16xf32>,
        %swap3A_71 = vector.shape_cast %swap3A_70 : vector<1x16xf32> to vector<16xf32>
        %swap3A_72 = vector.shape_cast %mul3A_68 : vector<16xf32> to vector<1x16xf32>
        tpu.vector_store %arg16[%swap3A, %swap3A_69], %swap3A_72 {strides = array<i32>} : memref<128x128xf32, #tpu.memory_space<vmem>>, vector<1x16xf32>,
        %get3A_73 = arith.index_cast %scan3A_60 : i32 to index
        %get3A_74 = arith.constant 16 : index
        %get3A_75 = tpu.vector_load %arg16[%get3A_73, %get3A_74] {strides = array<i32>} : memref<128x128xf32, #tpu.memory_space<vmem>>, vector<1x16xf32>,
        %get3A_76 = vector.shape_cast %get3A_75 : vector<1x16xf32> to vector<16xf32>
        %mul3A_77 = arith.mulf %get3A_76, %broadcast_in_dim3A : vector<16xf32>
        %swap3A_78 = arith.index_cast %scan3A_60 : i32 to index
        %swap3A_79 = arith.constant 16 : index
        %swap3A_80 = tpu.vector_load %arg16[%swap3A_78, %swap3A_79] {strides = array<i32>} : memref<128x128xf32, #tpu.memory_space<vmem>>, vector<1x16xf32>,
        %swap3A_81 = vector.shape_cast %swap3A_80 : vector<1x16xf32> to vector<16xf32>
        %swap3A_82 = vector.shape_cast %mul3A_77 : vector<16xf32> to vector<1x16xf32>
        tpu.vector_store %arg16[%swap3A_78, %swap3A_79], %swap3A_82 {strides = array<i32>} : memref<128x128xf32, #tpu.memory_space<vmem>>, vector<1x16xf32>,
        %get3A_83 = arith.index_cast %scan3A_60 : i32 to index
        %get3A_84 = arith.constant 32 : index
        %get3A_85 = tpu.vector_load %arg16[%get3A_83, %get3A_84] {strides = array<i32>} : memref<128x128xf32, #tpu.memory_space<vmem>>, vector<1x16xf32>,
        %get3A_86 = vector.shape_cast %get3A_85 : vector<1x16xf32> to vector<16xf32>
        %mul3A_87 = arith.mulf %get3A_86, %broadcast_in_dim3A : vector<16xf32>
        %swap3A_88 = arith.index_cast %scan3A_60 : i32 to index
        %swap3A_89 = arith.constant 32 : index
        %swap3A_90 = tpu.vector_load %arg16[%swap3A_88, %swap3A_89] {strides = array<i32>} : memref<128x128xf32, #tpu.memory_space<vmem>>, vector<1x16xf32>,
        %swap3A_91 = vector.shape_cast %swap3A_90 : vector<1x16xf32> to vector<16xf32>
        %swap3A_92 = vector.shape_cast %mul3A_87 : vector<16xf32> to vector<1x16xf32>
        tpu.vector_store %arg16[%swap3A_88, %swap3A_89], %swap3A_92 {strides = array<i32>} : memref<128x128xf32, #tpu.memory_space<vmem>>, vector<1x16xf32>,
        %get3A_93 = arith.index_cast %scan3A_60 : i32 to index
        %get3A_94 = arith.constant 48 : index
        %get3A_95 = tpu.vector_load %arg16[%get3A_93, %get3A_94] {strides = array<i32>} : memref<128x128xf32, #tpu.memory_space<vmem>>, vector<1x16xf32>,
        %get3A_96 = vector.shape_cast %get3A_95 : vector<1x16xf32> to vector<16xf32>
        %mul3A_97 = arith.mulf %get3A_96, %broadcast_in_dim3A : vector<16xf32>
        %swap3A_98 = arith.index_cast %scan3A_60 : i32 to index
        %swap3A_99 = arith.constant 48 : index
        %swap3A_100 = tpu.vector_load %arg16[%swap3A_98, %swap3A_99] {strides = array<i32>} : memref<128x128xf32, #tpu.memory_space<vmem>>, vector<1x16xf32>,
        %swap3A_101 = vector.shape_cast %swap3A_100 : vector<1x16xf32> to vector<16xf32>
        %swap3A_102 = vector.shape_cast %mul3A_97 : vector<16xf32> to vector<1x16xf32>
        tpu.vector_store %arg16[%swap3A_98, %swap3A_99], %swap3A_102 {strides = array<i32>} : memref<128x128xf32, #tpu.memory_space<vmem>>, vector<1x16xf32>,
        %get3A_103 = arith.index_cast %scan3A_60 : i32 to index
        %get3A_104 = arith.constant 64 : index
        %get3A_105 = tpu.vector_load %arg16[%get3A_103, %get3A_104] {strides = array<i32>} : memref<128x128xf32, #tpu.memory_space<vmem>>, vector<1x16xf32>,
        %get3A_106 = vector.shape_cast %get3A_105 : vector<1x16xf32> to vector<16xf32>
        %mul3A_107 = arith.mulf %get3A_106, %broadcast_in_dim3A : vector<16xf32>
        %swap3A_108 = arith.index_cast %scan3A_60 : i32 to index
        %swap3A_109 = arith.constant 64 : index
        %swap3A_110 = tpu.vector_load %arg16[%swap3A_108, %swap3A_109] {strides = array<i32>} : memref<128x128xf32, #tpu.memory_space<vmem>>, vector<1x16xf32>,
        %swap3A_111 = vector.shape_cast %swap3A_110 : vector<1x16xf32> to vector<16xf32>
        %swap3A_112 = vector.shape_cast %mul3A_107 : vector<16xf32> to vector<1x16xf32>
        tpu.vector_store %arg16[%swap3A_108, %swap3A_109], %swap3A_112 {strides = array<i32>} : memref<128x128xf32, #tpu.memory_space<vmem>>, vector<1x16xf32>,
        %get3A_113 = arith.index_cast %scan3A_60 : i32 to index
        %get3A_114 = arith.constant 80 : index
        %get3A_115 = tpu.vector_load %arg16[%get3A_113, %get3A_114] {strides = array<i32>} : memref<128x128xf32, #tpu.memory_space<vmem>>, vector<1x16xf32>,
        %get3A_116 = vector.shape_cast %get3A_115 : vector<1x16xf32> to vector<16xf32>
        %mul3A_117 = arith.mulf %get3A_116, %broadcast_in_dim3A : vector<16xf32>
        %swap3A_118 = arith.index_cast %scan3A_60 : i32 to index
        %swap3A_119 = arith.constant 80 : index
        %swap3A_120 = tpu.vector_load %arg16[%swap3A_118, %swap3A_119] {strides = array<i32>} : memref<128x128xf32, #tpu.memory_space<vmem>>, vector<1x16xf32>,
        %swap3A_121 = vector.shape_cast %swap3A_120 : vector<1x16xf32> to vector<16xf32>
        %swap3A_122 = vector.shape_cast %mul3A_117 : vector<16xf32> to vector<1x16xf32>
        tpu.vector_store %arg16[%swap3A_118, %swap3A_119], %swap3A_122 {strides = array<i32>} : memref<128x128xf32, #tpu.memory_space<vmem>>, vector<1x16xf32>,
        %get3A_123 = arith.index_cast %scan3A_60 : i32 to index
        %get3A_124 = arith.constant 96 : index
        %get3A_125 = tpu.vector_load %arg16[%get3A_123, %get3A_124] {strides = array<i32>} : memref<128x128xf32, #tpu.memory_space<vmem>>, vector<1x16xf32>,
        %get3A_126 = vector.shape_cast %get3A_125 : vector<1x16xf32> to vector<16xf32>
        %mul3A_127 = arith.mulf %get3A_126, %broadcast_in_dim3A : vector<16xf32>
        %swap3A_128 = arith.index_cast %scan3A_60 : i32 to index
        %swap3A_129 = arith.constant 96 : index
        %swap3A_130 = tpu.vector_load %arg16[%swap3A_128, %swap3A_129] {strides = array<i32>} : memref<128x128xf32, #tpu.memory_space<vmem>>, vector<1x16xf32>,
        %swap3A_131 = vector.shape_cast %swap3A_130 : vector<1x16xf32> to vector<16xf32>
        %swap3A_132 = vector.shape_cast %mul3A_127 : vector<16xf32> to vector<1x16xf32>
        tpu.vector_store %arg16[%swap3A_128, %swap3A_129], %swap3A_132 {strides = array<i32>} : memref<128x128xf32, #tpu.memory_space<vmem>>, vector<1x16xf32>,
        %get3A_133 = arith.index_cast %scan3A_60 : i32 to index
        %get3A_134 = arith.constant 112 : index
        %get3A_135 = tpu.vector_load %arg16[%get3A_133, %get3A_134] {strides = array<i32>} : memref<128x128xf32, #tpu.memory_space<vmem>>, vector<1x16xf32>,
        %get3A_136 = vector.shape_cast %get3A_135 : vector<1x16xf32> to vector<16xf32>
        %mul3A_137 = arith.mulf %get3A_136, %broadcast_in_dim3A : vector<16xf32>
        %swap3A_138 = arith.index_cast %scan3A_60 : i32 to index
        %swap3A_139 = arith.constant 112 : index
        %swap3A_140 = tpu.vector_load %arg16[%swap3A_138, %swap3A_139] {strides = array<i32>} : memref<128x128xf32, #tpu.memory_space<vmem>>, vector<1x16xf32>,
        %swap3A_141 = vector.shape_cast %swap3A_140 : vector<1x16xf32> to vector<16xf32>
        %swap3A_142 = vector.shape_cast %mul3A_137 : vector<16xf32> to vector<1x16xf32>
        tpu.vector_store %arg16[%swap3A_138, %swap3A_139], %swap3A_142 {strides = array<i32>} : memref<128x128xf32, #tpu.memory_space<vmem>>, vector<1x16xf32>,
      }
      %scan3A_59 = arith.constant 128 : i32
      "tpu.region"() ({
        %run_scoped3A_60 = tpu.sem_alloc : memref<!tpu.dma_semaphore, #tpu.memory_space<semaphore_mem>>
        %dma_start3A_61 = arith.constant 0 : i32
        %dma_start3A_62 = arith.constant 0 : i32
        %dma_start3A_63 = tpu.memref_slice %arg19[%dma_start3A_61, %dma_start3A_62] : memref<10112x128xf32, #tpu.memory_space<vmem_shared>> -> memref<10112x128xf32, #tpu.memory_space<vmem_shared>>
        tpu.enqueue_indirect_dma source(%arg16 : memref<128x128xf32, #tpu.memory_space<vmem>>) target(%dma_start3A_63 : memref<10112x128xf32, #tpu.memory_space<vmem_shared>>) offsets(%arg15 : memref<128xi32, #tpu.memory_space<vmem>>) semaphore(%run_scoped3A_60 : memref<!tpu.dma_semaphore, #tpu.memory_space<semaphore_mem>>) {add = true}
        %dma_wait3A_64 = arith.constant 0 : i32
        %dma_wait3A_65 = arith.constant 0 : i32
        %dma_wait3A_66 = tpu.memref_slice %arg19[%dma_wait3A_64, %dma_wait3A_65] : memref<10112x128xf32, #tpu.memory_space<vmem_shared>> -> memref<10112x128xf32, #tpu.memory_space<vmem_shared>>
        tpu.wait_indirect_dma semaphore(%run_scoped3A_60 : memref<!tpu.dma_semaphore, #tpu.memory_space<semaphore_mem>>) src(%arg16 : memref<128x128xf32, #tpu.memory_space<vmem>>) dst(%dma_wait3A_66 : memref<10112x128xf32, #tpu.memory_space<vmem_shared>>)
        tpu.yield
      }) : () -> ()
    }
    %scan3A_15 = arith.constant 81 : i32
    %barrier3A_16 = arith.constant 0 : index
    tpu.barrier barrier_id(%barrier3A_16)
    %run_scoped3A = arith.constant 0 : i32
    "tpu.region"() ({
      %run_scoped3A_44 = tpu.sem_alloc : memref<!tpu.dma_semaphore, #tpu.memory_space<semaphore_mem>>
      %dma_start3A = arith.constant 0 : i32
      %dma_start3A_45 = arith.constant 0 : i32
      %dma_start3A_46 = arith.constant 0 : i32
      %dma_start3A_47 = tpu.memref_slice %arg12[%arg0, %dma_start3A, %dma_start3A_45, %dma_start3A_46] : memref<2x4x10112x128xf32, #tpu.memory_space<hbm>> -> memref<1x4x10112x128xf32, #tpu.memory_space<hbm>>
      %dma_start3A_48 = tpu.memref_squeeze %dma_start3A_47 : memref<1x4x10112x128xf32, #tpu.memory_space<hbm>> -> memref<4x10112x128xf32, #tpu.memory_space<hbm>>
      %dma_start3A_49 = arith.constant 0 : i32
      %dma_start3A_50 = arith.constant 0 : i32
      %dma_start3A_51 = tpu.memref_slice %dma_start3A_48[%run_scoped3A, %dma_start3A_49, %dma_start3A_50] : memref<4x10112x128xf32, #tpu.memory_space<hbm>> -> memref<1x10112x128xf32, #tpu.memory_space<hbm>>
      %dma_start3A_52 = tpu.memref_squeeze %dma_start3A_51 : memref<1x10112x128xf32, #tpu.memory_space<hbm>> -> memref<10112x128xf32, #tpu.memory_space<hbm>>
      %dma_start3A_53 = arith.constant 0 : i32
      %dma_start3A_54 = tpu.memref_slice %dma_start3A_52[%mul3A_2, %dma_start3A_53] : memref<10112x128xf32, #tpu.memory_space<hbm>> -> memref<632x128xf32, #tpu.memory_space<hbm>>
      %dma_start3A_55 = arith.constant 0 : i32
      %dma_start3A_56 = tpu.memref_slice %arg19[%mul3A_2, %dma_start3A_55] : memref<10112x128xf32, #tpu.memory_space<vmem_shared>> -> memref<632x128xf32, #tpu.memory_space<vmem_shared>>
      tpu.enqueue_dma source(%dma_start3A_56 : memref<632x128xf32, #tpu.memory_space<vmem_shared>>) target(%dma_start3A_54 : memref<632x128xf32, #tpu.memory_space<hbm>>) target_semaphore(%run_scoped3A_44 : memref<!tpu.dma_semaphore, #tpu.memory_space<semaphore_mem>>)
      %dma_wait3A = arith.constant 0 : i32
      %dma_wait3A_57 = arith.constant 0 : i32
      %dma_wait3A_58 = arith.constant 0 : i32
      %dma_wait3A_59 = tpu.memref_slice %arg12[%arg0, %dma_wait3A, %dma_wait3A_57, %dma_wait3A_58] : memref<2x4x10112x128xf32, #tpu.memory_space<hbm>> -> memref<1x4x10112x128xf32, #tpu.memory_space<hbm>>
      %dma_wait3A_60 = tpu.memref_squeeze %dma_wait3A_59 : memref<1x4x10112x128xf32, #tpu.memory_space<hbm>> -> memref<4x10112x128xf32, #tpu.memory_space<hbm>>
      %dma_wait3A_61 = arith.constant 0 : i32
      %dma_wait3A_62 = arith.constant 0 : i32
      %dma_wait3A_63 = tpu.memref_slice %dma_wait3A_60[%run_scoped3A, %dma_wait3A_61, %dma_wait3A_62] : memref<4x10112x128xf32, #tpu.memory_space<hbm>> -> memref<1x10112x128xf32, #tpu.memory_space<hbm>>
      %dma_wait3A_64 = tpu.memref_squeeze %dma_wait3A_63 : memref<1x10112x128xf32, #tpu.memory_space<hbm>> -> memref<10112x128xf32, #tpu.memory_space<hbm>>
      %dma_wait3A_65 = arith.constant 0 : i32
      %dma_wait3A_66 = tpu.memref_slice %dma_wait3A_64[%mul3A_2, %dma_wait3A_65] : memref<10112x128xf32, #tpu.memory_space<hbm>> -> memref<632x128xf32, #tpu.memory_space<hbm>>
      %dma_wait3A_67 = arith.constant 0 : i32
      %dma_wait3A_68 = tpu.memref_slice %arg19[%mul3A_2, %dma_wait3A_67] : memref<10112x128xf32, #tpu.memory_space<vmem_shared>> -> memref<632x128xf32, #tpu.memory_space<vmem_shared>>
      tpu.wait_dma2 semaphore(%run_scoped3A_44 : memref<!tpu.dma_semaphore, #tpu.memory_space<semaphore_mem>>) src(%dma_wait3A_68 : memref<632x128xf32, #tpu.memory_space<vmem_shared>>) dst(%dma_wait3A_66 : memref<632x128xf32, #tpu.memory_space<hbm>>)
      tpu.yield
    }) : () -> ()
    "tpu.region"() ({
      %run_scoped3A_44 = tpu.sem_alloc : memref<!tpu.dma_semaphore, #tpu.memory_space<semaphore_mem>>
      %dma_start3A = arith.constant 0 : i32
      %dma_start3A_45 = tpu.memref_slice %arg19[%mul3A_2, %dma_start3A] : memref<10112x128xf32, #tpu.memory_space<vmem_shared>> -> memref<632x128xf32, #tpu.memory_space<vmem_shared>>
      tpu.enqueue_dma source(%arg10 : memref<632x128xf32, #tpu.memory_space<hbm>>) target(%dma_start3A_45 : memref<632x128xf32, #tpu.memory_space<vmem_shared>>) target_semaphore(%run_scoped3A_44 : memref<!tpu.dma_semaphore, #tpu.memory_space<semaphore_mem>>)
      %dma_wait3A = arith.constant 0 : i32
      %dma_wait3A_46 = tpu.memref_slice %arg19[%mul3A_2, %dma_wait3A] : memref<10112x128xf32, #tpu.memory_space<vmem_shared>> -> memref<632x128xf32, #tpu.memory_space<vmem_shared>>
      tpu.wait_dma2 semaphore(%run_scoped3A_44 : memref<!tpu.dma_semaphore, #tpu.memory_space<semaphore_mem>>) src(%arg10 : memref<632x128xf32, #tpu.memory_space<hbm>>) dst(%dma_wait3A_46 : memref<632x128xf32, #tpu.memory_space<vmem_shared>>)
      tpu.yield
    }) : () -> ()
    %barrier3A_17 = arith.constant 0 : index
    tpu.barrier barrier_id(%barrier3A_17)
    %scan3A_18 = arith.constant 0 : i32
    %scan3A_19 = arith.constant 0 : i32
    %scan3A_20 = arith.constant 81 : i32
    %scan3A_21 = arith.addi %scan3A_19, %scan3A_20 : i32
    %scan3A_22 = arith.constant 1 : i32
    scf.for %scan3A_44 = %scan3A_19 to %scan3A_21 step %scan3A_22  : i32 {
      %mul3A_45 = arith.constant 10368 : i32
      %mul3A_46 = arith.muli %add3A, %mul3A_45 : i32
      %mul3A_47 = arith.constant 128 : i32
      %mul3A_48 = arith.muli %scan3A_44, %mul3A_47 : i32
      %add3A_49 = arith.addi %mul3A_46, %mul3A_48 : i32
      "tpu.region"() ({
        %run_scoped3A_60 = tpu.sem_alloc : memref<!tpu.dma_semaphore, #tpu.memory_space<semaphore_mem>>
        %dma_start3A_61 = tpu.memref_slice %arg2[%add3A_49] : memref<331776xi32, #tpu.memory_space<hbm>> -> memref<128xi32, #tpu.memory_space<hbm>>
        %dma_start3A_62 = tpu.memref_slice %arg2[%add3A_49] : memref<331776xi32, #tpu.memory_space<hbm>> -> memref<128xi32, #tpu.memory_space<hbm>>
        tpu.enqueue_dma source(%dma_start3A_62 : memref<128xi32, #tpu.memory_space<hbm>>) target(%arg14 : memref<128xi32, #tpu.memory_space<vmem>>) target_semaphore(%run_scoped3A_60 : memref<!tpu.dma_semaphore, #tpu.memory_space<semaphore_mem>>)
        %dma_wait3A_63 = tpu.memref_slice %arg2[%add3A_49] : memref<331776xi32, #tpu.memory_space<hbm>> -> memref<128xi32, #tpu.memory_space<hbm>>
        %dma_wait3A_64 = tpu.memref_slice %arg2[%add3A_49] : memref<331776xi32, #tpu.memory_space<hbm>> -> memref<128xi32, #tpu.memory_space<hbm>>
        tpu.wait_dma2 semaphore(%run_scoped3A_60 : memref<!tpu.dma_semaphore, #tpu.memory_space<semaphore_mem>>) src(%dma_wait3A_64 : memref<128xi32, #tpu.memory_space<hbm>>) dst(%arg14 : memref<128xi32, #tpu.memory_space<vmem>>)
        tpu.yield
      }) : () -> ()
      "tpu.region"() ({
        %run_scoped3A_60 = tpu.sem_alloc : memref<!tpu.dma_semaphore, #tpu.memory_space<semaphore_mem>>
        %dma_start3A_61 = tpu.memref_slice %arg3[%add3A_49] : memref<331776xi32, #tpu.memory_space<hbm>> -> memref<128xi32, #tpu.memory_space<hbm>>
        %dma_start3A_62 = tpu.memref_slice %arg3[%add3A_49] : memref<331776xi32, #tpu.memory_space<hbm>> -> memref<128xi32, #tpu.memory_space<hbm>>
        tpu.enqueue_dma source(%dma_start3A_62 : memref<128xi32, #tpu.memory_space<hbm>>) target(%arg15 : memref<128xi32, #tpu.memory_space<vmem>>) target_semaphore(%run_scoped3A_60 : memref<!tpu.dma_semaphore, #tpu.memory_space<semaphore_mem>>)
        %dma_wait3A_63 = tpu.memref_slice %arg3[%add3A_49] : memref<331776xi32, #tpu.memory_space<hbm>> -> memref<128xi32, #tpu.memory_space<hbm>>
        %dma_wait3A_64 = tpu.memref_slice %arg3[%add3A_49] : memref<331776xi32, #tpu.memory_space<hbm>> -> memref<128xi32, #tpu.memory_space<hbm>>
        tpu.wait_dma2 semaphore(%run_scoped3A_60 : memref<!tpu.dma_semaphore, #tpu.memory_space<semaphore_mem>>) src(%dma_wait3A_64 : memref<128xi32, #tpu.memory_space<hbm>>) dst(%arg15 : memref<128xi32, #tpu.memory_space<vmem>>)
        tpu.yield
      }) : () -> ()
      "tpu.region"() ({
        %run_scoped3A_60 = tpu.sem_alloc : memref<!tpu.dma_semaphore, #tpu.memory_space<semaphore_mem>>
        %dma_start3A_61 = arith.constant 0 : i32
        %dma_start3A_62 = tpu.memref_slice %arg13[%add3A_49, %dma_start3A_61] : memref<331776x16xf32, #tpu.memory_space<hbm>> -> memref<128x16xf32, #tpu.memory_space<hbm>>
        %dma_start3A_63 = arith.constant 0 : i32
        %dma_start3A_64 = tpu.memref_slice %arg13[%add3A_49, %dma_start3A_63] : memref<331776x16xf32, #tpu.memory_space<hbm>> -> memref<128x16xf32, #tpu.memory_space<hbm>>
        tpu.enqueue_dma source(%dma_start3A_64 : memref<128x16xf32, #tpu.memory_space<hbm>>) target(%arg18 : memref<128x16xf32, #tpu.memory_space<vmem>>) target_semaphore(%run_scoped3A_60 : memref<!tpu.dma_semaphore, #tpu.memory_space<semaphore_mem>>)
        %dma_wait3A_65 = arith.constant 0 : i32
        %dma_wait3A_66 = tpu.memref_slice %arg13[%add3A_49, %dma_wait3A_65] : memref<331776x16xf32, #tpu.memory_space<hbm>> -> memref<128x16xf32, #tpu.memory_space<hbm>>
        %dma_wait3A_67 = arith.constant 0 : i32
        %dma_wait3A_68 = tpu.memref_slice %arg13[%add3A_49, %dma_wait3A_67] : memref<331776x16xf32, #tpu.memory_space<hbm>> -> memref<128x16xf32, #tpu.memory_space<hbm>>
        tpu.wait_dma2 semaphore(%run_scoped3A_60 : memref<!tpu.dma_semaphore, #tpu.memory_space<semaphore_mem>>) src(%dma_wait3A_68 : memref<128x16xf32, #tpu.memory_space<hbm>>) dst(%arg18 : memref<128x16xf32, #tpu.memory_space<vmem>>)
        tpu.yield
      }) : () -> ()
      %dma_start3A = arith.constant 0 : i32
      %dma_start3A_50 = arith.constant 0 : i32
      %dma_start3A_51 = tpu.memref_slice %arg7[%dma_start3A, %dma_start3A_50] : memref<10000x128xf32, #tpu.memory_space<hbm>> -> memref<10000x128xf32, #tpu.memory_space<hbm>>
      tpu.enqueue_indirect_dma source(%dma_start3A_51 : memref<10000x128xf32, #tpu.memory_space<hbm>>) target(%arg16 : memref<128x128xf32, #tpu.memory_space<vmem>>) offsets(%arg14 : memref<128xi32, #tpu.memory_space<vmem>>) semaphore(%arg20 : memref<!tpu.dma_semaphore, #tpu.memory_space<semaphore_mem>>)
      %dma_wait3A = arith.constant 0 : i32
      %dma_wait3A_52 = arith.constant 0 : i32
      %dma_wait3A_53 = tpu.memref_slice %arg7[%dma_wait3A, %dma_wait3A_52] : memref<10000x128xf32, #tpu.memory_space<hbm>> -> memref<10000x128xf32, #tpu.memory_space<hbm>>
      tpu.wait_indirect_dma semaphore(%arg20 : memref<!tpu.dma_semaphore, #tpu.memory_space<semaphore_mem>>) src(%dma_wait3A_53 : memref<10000x128xf32, #tpu.memory_space<hbm>>) dst(%arg16 : memref<128x128xf32, #tpu.memory_space<vmem>>)
      %scan3A_54 = arith.constant 0 : i32
      %scan3A_55 = arith.constant 0 : i32
      %scan3A_56 = arith.constant 128 : i32
      %scan3A_57 = arith.addi %scan3A_55, %scan3A_56 : i32
      %scan3A_58 = arith.constant 1 : i32
      scf.for %scan3A_60 = %scan3A_55 to %scan3A_57 step %scan3A_58  : i32 {
        %get3A = arith.index_cast %scan3A_60 : i32 to index
        %get3A_61 = arith.constant 0 : index
        %get3A_62 = tpu.vector_load %arg18[%get3A, %get3A_61] {strides = array<i32>} : memref<128x16xf32, #tpu.memory_space<vmem>>, vector<1x16xf32>,
        %get3A_63 = vector.shape_cast %get3A_62 : vector<1x16xf32> to vector<16xf32>
        %slice3A = vector.extract_strided_slice %get3A_63 {offsets = [1], sizes = [1], strides = [1]} : vector<16xf32> to vector<1xf32>
        %squeeze3A = vector.extract %slice3A[0] : f32 from vector<1xf32>
        %broadcast_in_dim3A = vector.broadcast %squeeze3A : f32 to vector<16xf32>
        %get3A_64 = arith.index_cast %scan3A_60 : i32 to index
        %get3A_65 = arith.constant 0 : index
        %get3A_66 = tpu.vector_load %arg16[%get3A_64, %get3A_65] {strides = array<i32>} : memref<128x128xf32, #tpu.memory_space<vmem>>, vector<1x16xf32>,
        %get3A_67 = vector.shape_cast %get3A_66 : vector<1x16xf32> to vector<16xf32>
        %mul3A_68 = arith.mulf %get3A_67, %broadcast_in_dim3A : vector<16xf32>
        %swap3A = arith.index_cast %scan3A_60 : i32 to index
        %swap3A_69 = arith.constant 0 : index
        %swap3A_70 = tpu.vector_load %arg16[%swap3A, %swap3A_69] {strides = array<i32>} : memref<128x128xf32, #tpu.memory_space<vmem>>, vector<1x16xf32>,
        %swap3A_71 = vector.shape_cast %swap3A_70 : vector<1x16xf32> to vector<16xf32>
        %swap3A_72 = vector.shape_cast %mul3A_68 : vector<16xf32> to vector<1x16xf32>
        tpu.vector_store %arg16[%swap3A, %swap3A_69], %swap3A_72 {strides = array<i32>} : memref<128x128xf32, #tpu.memory_space<vmem>>, vector<1x16xf32>,
        %get3A_73 = arith.index_cast %scan3A_60 : i32 to index
        %get3A_74 = arith.constant 16 : index
        %get3A_75 = tpu.vector_load %arg16[%get3A_73, %get3A_74] {strides = array<i32>} : memref<128x128xf32, #tpu.memory_space<vmem>>, vector<1x16xf32>,
        %get3A_76 = vector.shape_cast %get3A_75 : vector<1x16xf32> to vector<16xf32>
        %mul3A_77 = arith.mulf %get3A_76, %broadcast_in_dim3A : vector<16xf32>
        %swap3A_78 = arith.index_cast %scan3A_60 : i32 to index
        %swap3A_79 = arith.constant 16 : index
        %swap3A_80 = tpu.vector_load %arg16[%swap3A_78, %swap3A_79] {strides = array<i32>} : memref<128x128xf32, #tpu.memory_space<vmem>>, vector<1x16xf32>,
        %swap3A_81 = vector.shape_cast %swap3A_80 : vector<1x16xf32> to vector<16xf32>
        %swap3A_82 = vector.shape_cast %mul3A_77 : vector<16xf32> to vector<1x16xf32>
        tpu.vector_store %arg16[%swap3A_78, %swap3A_79], %swap3A_82 {strides = array<i32>} : memref<128x128xf32, #tpu.memory_space<vmem>>, vector<1x16xf32>,
        %get3A_83 = arith.index_cast %scan3A_60 : i32 to index
        %get3A_84 = arith.constant 32 : index
        %get3A_85 = tpu.vector_load %arg16[%get3A_83, %get3A_84] {strides = array<i32>} : memref<128x128xf32, #tpu.memory_space<vmem>>, vector<1x16xf32>,
        %get3A_86 = vector.shape_cast %get3A_85 : vector<1x16xf32> to vector<16xf32>
        %mul3A_87 = arith.mulf %get3A_86, %broadcast_in_dim3A : vector<16xf32>
        %swap3A_88 = arith.index_cast %scan3A_60 : i32 to index
        %swap3A_89 = arith.constant 32 : index
        %swap3A_90 = tpu.vector_load %arg16[%swap3A_88, %swap3A_89] {strides = array<i32>} : memref<128x128xf32, #tpu.memory_space<vmem>>, vector<1x16xf32>,
        %swap3A_91 = vector.shape_cast %swap3A_90 : vector<1x16xf32> to vector<16xf32>
        %swap3A_92 = vector.shape_cast %mul3A_87 : vector<16xf32> to vector<1x16xf32>
        tpu.vector_store %arg16[%swap3A_88, %swap3A_89], %swap3A_92 {strides = array<i32>} : memref<128x128xf32, #tpu.memory_space<vmem>>, vector<1x16xf32>,
        %get3A_93 = arith.index_cast %scan3A_60 : i32 to index
        %get3A_94 = arith.constant 48 : index
        %get3A_95 = tpu.vector_load %arg16[%get3A_93, %get3A_94] {strides = array<i32>} : memref<128x128xf32, #tpu.memory_space<vmem>>, vector<1x16xf32>,
        %get3A_96 = vector.shape_cast %get3A_95 : vector<1x16xf32> to vector<16xf32>
        %mul3A_97 = arith.mulf %get3A_96, %broadcast_in_dim3A : vector<16xf32>
        %swap3A_98 = arith.index_cast %scan3A_60 : i32 to index
        %swap3A_99 = arith.constant 48 : index
        %swap3A_100 = tpu.vector_load %arg16[%swap3A_98, %swap3A_99] {strides = array<i32>} : memref<128x128xf32, #tpu.memory_space<vmem>>, vector<1x16xf32>,
        %swap3A_101 = vector.shape_cast %swap3A_100 : vector<1x16xf32> to vector<16xf32>
        %swap3A_102 = vector.shape_cast %mul3A_97 : vector<16xf32> to vector<1x16xf32>
        tpu.vector_store %arg16[%swap3A_98, %swap3A_99], %swap3A_102 {strides = array<i32>} : memref<128x128xf32, #tpu.memory_space<vmem>>, vector<1x16xf32>,
        %get3A_103 = arith.index_cast %scan3A_60 : i32 to index
        %get3A_104 = arith.constant 64 : index
        %get3A_105 = tpu.vector_load %arg16[%get3A_103, %get3A_104] {strides = array<i32>} : memref<128x128xf32, #tpu.memory_space<vmem>>, vector<1x16xf32>,
        %get3A_106 = vector.shape_cast %get3A_105 : vector<1x16xf32> to vector<16xf32>
        %mul3A_107 = arith.mulf %get3A_106, %broadcast_in_dim3A : vector<16xf32>
        %swap3A_108 = arith.index_cast %scan3A_60 : i32 to index
        %swap3A_109 = arith.constant 64 : index
        %swap3A_110 = tpu.vector_load %arg16[%swap3A_108, %swap3A_109] {strides = array<i32>} : memref<128x128xf32, #tpu.memory_space<vmem>>, vector<1x16xf32>,
        %swap3A_111 = vector.shape_cast %swap3A_110 : vector<1x16xf32> to vector<16xf32>
        %swap3A_112 = vector.shape_cast %mul3A_107 : vector<16xf32> to vector<1x16xf32>
        tpu.vector_store %arg16[%swap3A_108, %swap3A_109], %swap3A_112 {strides = array<i32>} : memref<128x128xf32, #tpu.memory_space<vmem>>, vector<1x16xf32>,
        %get3A_113 = arith.index_cast %scan3A_60 : i32 to index
        %get3A_114 = arith.constant 80 : index
        %get3A_115 = tpu.vector_load %arg16[%get3A_113, %get3A_114] {strides = array<i32>} : memref<128x128xf32, #tpu.memory_space<vmem>>, vector<1x16xf32>,
        %get3A_116 = vector.shape_cast %get3A_115 : vector<1x16xf32> to vector<16xf32>
        %mul3A_117 = arith.mulf %get3A_116, %broadcast_in_dim3A : vector<16xf32>
        %swap3A_118 = arith.index_cast %scan3A_60 : i32 to index
        %swap3A_119 = arith.constant 80 : index
        %swap3A_120 = tpu.vector_load %arg16[%swap3A_118, %swap3A_119] {strides = array<i32>} : memref<128x128xf32, #tpu.memory_space<vmem>>, vector<1x16xf32>,
        %swap3A_121 = vector.shape_cast %swap3A_120 : vector<1x16xf32> to vector<16xf32>
        %swap3A_122 = vector.shape_cast %mul3A_117 : vector<16xf32> to vector<1x16xf32>
        tpu.vector_store %arg16[%swap3A_118, %swap3A_119], %swap3A_122 {strides = array<i32>} : memref<128x128xf32, #tpu.memory_space<vmem>>, vector<1x16xf32>,
        %get3A_123 = arith.index_cast %scan3A_60 : i32 to index
        %get3A_124 = arith.constant 96 : index
        %get3A_125 = tpu.vector_load %arg16[%get3A_123, %get3A_124] {strides = array<i32>} : memref<128x128xf32, #tpu.memory_space<vmem>>, vector<1x16xf32>,
        %get3A_126 = vector.shape_cast %get3A_125 : vector<1x16xf32> to vector<16xf32>
        %mul3A_127 = arith.mulf %get3A_126, %broadcast_in_dim3A : vector<16xf32>
        %swap3A_128 = arith.index_cast %scan3A_60 : i32 to index
        %swap3A_129 = arith.constant 96 : index
        %swap3A_130 = tpu.vector_load %arg16[%swap3A_128, %swap3A_129] {strides = array<i32>} : memref<128x128xf32, #tpu.memory_space<vmem>>, vector<1x16xf32>,
        %swap3A_131 = vector.shape_cast %swap3A_130 : vector<1x16xf32> to vector<16xf32>
        %swap3A_132 = vector.shape_cast %mul3A_127 : vector<16xf32> to vector<1x16xf32>
        tpu.vector_store %arg16[%swap3A_128, %swap3A_129], %swap3A_132 {strides = array<i32>} : memref<128x128xf32, #tpu.memory_space<vmem>>, vector<1x16xf32>,
        %get3A_133 = arith.index_cast %scan3A_60 : i32 to index
        %get3A_134 = arith.constant 112 : index
        %get3A_135 = tpu.vector_load %arg16[%get3A_133, %get3A_134] {strides = array<i32>} : memref<128x128xf32, #tpu.memory_space<vmem>>, vector<1x16xf32>,
        %get3A_136 = vector.shape_cast %get3A_135 : vector<1x16xf32> to vector<16xf32>
        %mul3A_137 = arith.mulf %get3A_136, %broadcast_in_dim3A : vector<16xf32>
        %swap3A_138 = arith.index_cast %scan3A_60 : i32 to index
        %swap3A_139 = arith.constant 112 : index
        %swap3A_140 = tpu.vector_load %arg16[%swap3A_138, %swap3A_139] {strides = array<i32>} : memref<128x128xf32, #tpu.memory_space<vmem>>, vector<1x16xf32>,
        %swap3A_141 = vector.shape_cast %swap3A_140 : vector<1x16xf32> to vector<16xf32>
        %swap3A_142 = vector.shape_cast %mul3A_137 : vector<16xf32> to vector<1x16xf32>
        tpu.vector_store %arg16[%swap3A_138, %swap3A_139], %swap3A_142 {strides = array<i32>} : memref<128x128xf32, #tpu.memory_space<vmem>>, vector<1x16xf32>,
      }
      %scan3A_59 = arith.constant 128 : i32
      "tpu.region"() ({
        %run_scoped3A_60 = tpu.sem_alloc : memref<!tpu.dma_semaphore, #tpu.memory_space<semaphore_mem>>
        %dma_start3A_61 = arith.constant 0 : i32
        %dma_start3A_62 = arith.constant 0 : i32
        %dma_start3A_63 = tpu.memref_slice %arg19[%dma_start3A_61, %dma_start3A_62] : memref<10112x128xf32, #tpu.memory_space<vmem_shared>> -> memref<10112x128xf32, #tpu.memory_space<vmem_shared>>
        tpu.enqueue_indirect_dma source(%arg16 : memref<128x128xf32, #tpu.memory_space<vmem>>) target(%dma_start3A_63 : memref<10112x128xf32, #tpu.memory_space<vmem_shared>>) offsets(%arg15 : memref<128xi32, #tpu.memory_space<vmem>>) semaphore(%run_scoped3A_60 : memref<!tpu.dma_semaphore, #tpu.memory_space<semaphore_mem>>) {add = true}
        %dma_wait3A_64 = arith.constant 0 : i32
        %dma_wait3A_65 = arith.constant 0 : i32
        %dma_wait3A_66 = tpu.memref_slice %arg19[%dma_wait3A_64, %dma_wait3A_65] : memref<10112x128xf32, #tpu.memory_space<vmem_shared>> -> memref<10112x128xf32, #tpu.memory_space<vmem_shared>>
        tpu.wait_indirect_dma semaphore(%run_scoped3A_60 : memref<!tpu.dma_semaphore, #tpu.memory_space<semaphore_mem>>) src(%arg16 : memref<128x128xf32, #tpu.memory_space<vmem>>) dst(%dma_wait3A_66 : memref<10112x128xf32, #tpu.memory_space<vmem_shared>>)
        tpu.yield
      }) : () -> ()
    }
    %scan3A_23 = arith.constant 81 : i32
    %barrier3A_24 = arith.constant 0 : index
    tpu.barrier barrier_id(%barrier3A_24)
    %run_scoped3A_25 = arith.constant 1 : i32
    "tpu.region"() ({
      %run_scoped3A_44 = tpu.sem_alloc : memref<!tpu.dma_semaphore, #tpu.memory_space<semaphore_mem>>
      %dma_start3A = arith.constant 0 : i32
      %dma_start3A_45 = arith.constant 0 : i32
      %dma_start3A_46 = arith.constant 0 : i32
      %dma_start3A_47 = tpu.memref_slice %arg12[%arg0, %dma_start3A, %dma_start3A_45, %dma_start3A_46] : memref<2x4x10112x128xf32, #tpu.memory_space<hbm>> -> memref<1x4x10112x128xf32, #tpu.memory_space<hbm>>
      %dma_start3A_48 = tpu.memref_squeeze %dma_start3A_47 : memref<1x4x10112x128xf32, #tpu.memory_space<hbm>> -> memref<4x10112x128xf32, #tpu.memory_space<hbm>>
      %dma_start3A_49 = arith.constant 0 : i32
      %dma_start3A_50 = arith.constant 0 : i32
      %dma_start3A_51 = tpu.memref_slice %dma_start3A_48[%run_scoped3A_25, %dma_start3A_49, %dma_start3A_50] : memref<4x10112x128xf32, #tpu.memory_space<hbm>> -> memref<1x10112x128xf32, #tpu.memory_space<hbm>>
      %dma_start3A_52 = tpu.memref_squeeze %dma_start3A_51 : memref<1x10112x128xf32, #tpu.memory_space<hbm>> -> memref<10112x128xf32, #tpu.memory_space<hbm>>
      %dma_start3A_53 = arith.constant 0 : i32
      %dma_start3A_54 = tpu.memref_slice %dma_start3A_52[%mul3A_2, %dma_start3A_53] : memref<10112x128xf32, #tpu.memory_space<hbm>> -> memref<632x128xf32, #tpu.memory_space<hbm>>
      %dma_start3A_55 = arith.constant 0 : i32
      %dma_start3A_56 = tpu.memref_slice %arg19[%mul3A_2, %dma_start3A_55] : memref<10112x128xf32, #tpu.memory_space<vmem_shared>> -> memref<632x128xf32, #tpu.memory_space<vmem_shared>>
      tpu.enqueue_dma source(%dma_start3A_56 : memref<632x128xf32, #tpu.memory_space<vmem_shared>>) target(%dma_start3A_54 : memref<632x128xf32, #tpu.memory_space<hbm>>) target_semaphore(%run_scoped3A_44 : memref<!tpu.dma_semaphore, #tpu.memory_space<semaphore_mem>>)
      %dma_wait3A = arith.constant 0 : i32
      %dma_wait3A_57 = arith.constant 0 : i32
      %dma_wait3A_58 = arith.constant 0 : i32
      %dma_wait3A_59 = tpu.memref_slice %arg12[%arg0, %dma_wait3A, %dma_wait3A_57, %dma_wait3A_58] : memref<2x4x10112x128xf32, #tpu.memory_space<hbm>> -> memref<1x4x10112x128xf32, #tpu.memory_space<hbm>>
      %dma_wait3A_60 = tpu.memref_squeeze %dma_wait3A_59 : memref<1x4x10112x128xf32, #tpu.memory_space<hbm>> -> memref<4x10112x128xf32, #tpu.memory_space<hbm>>
      %dma_wait3A_61 = arith.constant 0 : i32
      %dma_wait3A_62 = arith.constant 0 : i32
      %dma_wait3A_63 = tpu.memref_slice %dma_wait3A_60[%run_scoped3A_25, %dma_wait3A_61, %dma_wait3A_62] : memref<4x10112x128xf32, #tpu.memory_space<hbm>> -> memref<1x10112x128xf32, #tpu.memory_space<hbm>>
      %dma_wait3A_64 = tpu.memref_squeeze %dma_wait3A_63 : memref<1x10112x128xf32, #tpu.memory_space<hbm>> -> memref<10112x128xf32, #tpu.memory_space<hbm>>
      %dma_wait3A_65 = arith.constant 0 : i32
      %dma_wait3A_66 = tpu.memref_slice %dma_wait3A_64[%mul3A_2, %dma_wait3A_65] : memref<10112x128xf32, #tpu.memory_space<hbm>> -> memref<632x128xf32, #tpu.memory_space<hbm>>
      %dma_wait3A_67 = arith.constant 0 : i32
      %dma_wait3A_68 = tpu.memref_slice %arg19[%mul3A_2, %dma_wait3A_67] : memref<10112x128xf32, #tpu.memory_space<vmem_shared>> -> memref<632x128xf32, #tpu.memory_space<vmem_shared>>
      tpu.wait_dma2 semaphore(%run_scoped3A_44 : memref<!tpu.dma_semaphore, #tpu.memory_space<semaphore_mem>>) src(%dma_wait3A_68 : memref<632x128xf32, #tpu.memory_space<vmem_shared>>) dst(%dma_wait3A_66 : memref<632x128xf32, #tpu.memory_space<hbm>>)
      tpu.yield
    }) : () -> ()
    "tpu.region"() ({
      %run_scoped3A_44 = tpu.sem_alloc : memref<!tpu.dma_semaphore, #tpu.memory_space<semaphore_mem>>
      %dma_start3A = arith.constant 0 : i32
      %dma_start3A_45 = tpu.memref_slice %arg19[%mul3A_2, %dma_start3A] : memref<10112x128xf32, #tpu.memory_space<vmem_shared>> -> memref<632x128xf32, #tpu.memory_space<vmem_shared>>
      tpu.enqueue_dma source(%arg10 : memref<632x128xf32, #tpu.memory_space<hbm>>) target(%dma_start3A_45 : memref<632x128xf32, #tpu.memory_space<vmem_shared>>) target_semaphore(%run_scoped3A_44 : memref<!tpu.dma_semaphore, #tpu.memory_space<semaphore_mem>>)
      %dma_wait3A = arith.constant 0 : i32
      %dma_wait3A_46 = tpu.memref_slice %arg19[%mul3A_2, %dma_wait3A] : memref<10112x128xf32, #tpu.memory_space<vmem_shared>> -> memref<632x128xf32, #tpu.memory_space<vmem_shared>>
      tpu.wait_dma2 semaphore(%run_scoped3A_44 : memref<!tpu.dma_semaphore, #tpu.memory_space<semaphore_mem>>) src(%arg10 : memref<632x128xf32, #tpu.memory_space<hbm>>) dst(%dma_wait3A_46 : memref<632x128xf32, #tpu.memory_space<vmem_shared>>)
      tpu.yield
    }) : () -> ()
    %barrier3A_26 = arith.constant 0 : index
    tpu.barrier barrier_id(%barrier3A_26)
    %scan3A_27 = arith.constant 0 : i32
    %scan3A_28 = arith.constant 0 : i32
    %scan3A_29 = arith.constant 81 : i32
    %scan3A_30 = arith.addi %scan3A_28, %scan3A_29 : i32
    %scan3A_31 = arith.constant 1 : i32
    scf.for %scan3A_44 = %scan3A_28 to %scan3A_30 step %scan3A_31  : i32 {
      %mul3A_45 = arith.constant 10368 : i32
      %mul3A_46 = arith.muli %add3A, %mul3A_45 : i32
      %mul3A_47 = arith.constant 128 : i32
      %mul3A_48 = arith.muli %scan3A_44, %mul3A_47 : i32
      %add3A_49 = arith.addi %mul3A_46, %mul3A_48 : i32
      "tpu.region"() ({
        %run_scoped3A_60 = tpu.sem_alloc : memref<!tpu.dma_semaphore, #tpu.memory_space<semaphore_mem>>
        %dma_start3A_61 = tpu.memref_slice %arg2[%add3A_49] : memref<331776xi32, #tpu.memory_space<hbm>> -> memref<128xi32, #tpu.memory_space<hbm>>
        %dma_start3A_62 = tpu.memref_slice %arg2[%add3A_49] : memref<331776xi32, #tpu.memory_space<hbm>> -> memref<128xi32, #tpu.memory_space<hbm>>
        tpu.enqueue_dma source(%dma_start3A_62 : memref<128xi32, #tpu.memory_space<hbm>>) target(%arg14 : memref<128xi32, #tpu.memory_space<vmem>>) target_semaphore(%run_scoped3A_60 : memref<!tpu.dma_semaphore, #tpu.memory_space<semaphore_mem>>)
        %dma_wait3A_63 = tpu.memref_slice %arg2[%add3A_49] : memref<331776xi32, #tpu.memory_space<hbm>> -> memref<128xi32, #tpu.memory_space<hbm>>
        %dma_wait3A_64 = tpu.memref_slice %arg2[%add3A_49] : memref<331776xi32, #tpu.memory_space<hbm>> -> memref<128xi32, #tpu.memory_space<hbm>>
        tpu.wait_dma2 semaphore(%run_scoped3A_60 : memref<!tpu.dma_semaphore, #tpu.memory_space<semaphore_mem>>) src(%dma_wait3A_64 : memref<128xi32, #tpu.memory_space<hbm>>) dst(%arg14 : memref<128xi32, #tpu.memory_space<vmem>>)
        tpu.yield
      }) : () -> ()
      "tpu.region"() ({
        %run_scoped3A_60 = tpu.sem_alloc : memref<!tpu.dma_semaphore, #tpu.memory_space<semaphore_mem>>
        %dma_start3A_61 = tpu.memref_slice %arg3[%add3A_49] : memref<331776xi32, #tpu.memory_space<hbm>> -> memref<128xi32, #tpu.memory_space<hbm>>
        %dma_start3A_62 = tpu.memref_slice %arg3[%add3A_49] : memref<331776xi32, #tpu.memory_space<hbm>> -> memref<128xi32, #tpu.memory_space<hbm>>
        tpu.enqueue_dma source(%dma_start3A_62 : memref<128xi32, #tpu.memory_space<hbm>>) target(%arg15 : memref<128xi32, #tpu.memory_space<vmem>>) target_semaphore(%run_scoped3A_60 : memref<!tpu.dma_semaphore, #tpu.memory_space<semaphore_mem>>)
        %dma_wait3A_63 = tpu.memref_slice %arg3[%add3A_49] : memref<331776xi32, #tpu.memory_space<hbm>> -> memref<128xi32, #tpu.memory_space<hbm>>
        %dma_wait3A_64 = tpu.memref_slice %arg3[%add3A_49] : memref<331776xi32, #tpu.memory_space<hbm>> -> memref<128xi32, #tpu.memory_space<hbm>>
        tpu.wait_dma2 semaphore(%run_scoped3A_60 : memref<!tpu.dma_semaphore, #tpu.memory_space<semaphore_mem>>) src(%dma_wait3A_64 : memref<128xi32, #tpu.memory_space<hbm>>) dst(%arg15 : memref<128xi32, #tpu.memory_space<vmem>>)
        tpu.yield
      }) : () -> ()
      "tpu.region"() ({
        %run_scoped3A_60 = tpu.sem_alloc : memref<!tpu.dma_semaphore, #tpu.memory_space<semaphore_mem>>
        %dma_start3A_61 = arith.constant 0 : i32
        %dma_start3A_62 = tpu.memref_slice %arg13[%add3A_49, %dma_start3A_61] : memref<331776x16xf32, #tpu.memory_space<hbm>> -> memref<128x16xf32, #tpu.memory_space<hbm>>
        %dma_start3A_63 = arith.constant 0 : i32
        %dma_start3A_64 = tpu.memref_slice %arg13[%add3A_49, %dma_start3A_63] : memref<331776x16xf32, #tpu.memory_space<hbm>> -> memref<128x16xf32, #tpu.memory_space<hbm>>
        tpu.enqueue_dma source(%dma_start3A_64 : memref<128x16xf32, #tpu.memory_space<hbm>>) target(%arg18 : memref<128x16xf32, #tpu.memory_space<vmem>>) target_semaphore(%run_scoped3A_60 : memref<!tpu.dma_semaphore, #tpu.memory_space<semaphore_mem>>)
        %dma_wait3A_65 = arith.constant 0 : i32
        %dma_wait3A_66 = tpu.memref_slice %arg13[%add3A_49, %dma_wait3A_65] : memref<331776x16xf32, #tpu.memory_space<hbm>> -> memref<128x16xf32, #tpu.memory_space<hbm>>
        %dma_wait3A_67 = arith.constant 0 : i32
        %dma_wait3A_68 = tpu.memref_slice %arg13[%add3A_49, %dma_wait3A_67] : memref<331776x16xf32, #tpu.memory_space<hbm>> -> memref<128x16xf32, #tpu.memory_space<hbm>>
        tpu.wait_dma2 semaphore(%run_scoped3A_60 : memref<!tpu.dma_semaphore, #tpu.memory_space<semaphore_mem>>) src(%dma_wait3A_68 : memref<128x16xf32, #tpu.memory_space<hbm>>) dst(%arg18 : memref<128x16xf32, #tpu.memory_space<vmem>>)
        tpu.yield
      }) : () -> ()
      %dma_start3A = arith.constant 0 : i32
      %dma_start3A_50 = arith.constant 0 : i32
      %dma_start3A_51 = tpu.memref_slice %arg8[%dma_start3A, %dma_start3A_50] : memref<10000x128xf32, #tpu.memory_space<hbm>> -> memref<10000x128xf32, #tpu.memory_space<hbm>>
      tpu.enqueue_indirect_dma source(%dma_start3A_51 : memref<10000x128xf32, #tpu.memory_space<hbm>>) target(%arg16 : memref<128x128xf32, #tpu.memory_space<vmem>>) offsets(%arg14 : memref<128xi32, #tpu.memory_space<vmem>>) semaphore(%arg20 : memref<!tpu.dma_semaphore, #tpu.memory_space<semaphore_mem>>)
      %dma_wait3A = arith.constant 0 : i32
      %dma_wait3A_52 = arith.constant 0 : i32
      %dma_wait3A_53 = tpu.memref_slice %arg8[%dma_wait3A, %dma_wait3A_52] : memref<10000x128xf32, #tpu.memory_space<hbm>> -> memref<10000x128xf32, #tpu.memory_space<hbm>>
      tpu.wait_indirect_dma semaphore(%arg20 : memref<!tpu.dma_semaphore, #tpu.memory_space<semaphore_mem>>) src(%dma_wait3A_53 : memref<10000x128xf32, #tpu.memory_space<hbm>>) dst(%arg16 : memref<128x128xf32, #tpu.memory_space<vmem>>)
      %scan3A_54 = arith.constant 0 : i32
      %scan3A_55 = arith.constant 0 : i32
      %scan3A_56 = arith.constant 128 : i32
      %scan3A_57 = arith.addi %scan3A_55, %scan3A_56 : i32
      %scan3A_58 = arith.constant 1 : i32
      scf.for %scan3A_60 = %scan3A_55 to %scan3A_57 step %scan3A_58  : i32 {
        %get3A = arith.index_cast %scan3A_60 : i32 to index
        %get3A_61 = arith.constant 0 : index
        %get3A_62 = tpu.vector_load %arg18[%get3A, %get3A_61] {strides = array<i32>} : memref<128x16xf32, #tpu.memory_space<vmem>>, vector<1x16xf32>,
        %get3A_63 = vector.shape_cast %get3A_62 : vector<1x16xf32> to vector<16xf32>
        %slice3A = vector.extract_strided_slice %get3A_63 {offsets = [2], sizes = [1], strides = [1]} : vector<16xf32> to vector<1xf32>
        %squeeze3A = vector.extract %slice3A[0] : f32 from vector<1xf32>
        %broadcast_in_dim3A = vector.broadcast %squeeze3A : f32 to vector<16xf32>
        %get3A_64 = arith.index_cast %scan3A_60 : i32 to index
        %get3A_65 = arith.constant 0 : index
        %get3A_66 = tpu.vector_load %arg16[%get3A_64, %get3A_65] {strides = array<i32>} : memref<128x128xf32, #tpu.memory_space<vmem>>, vector<1x16xf32>,
        %get3A_67 = vector.shape_cast %get3A_66 : vector<1x16xf32> to vector<16xf32>
        %mul3A_68 = arith.mulf %get3A_67, %broadcast_in_dim3A : vector<16xf32>
        %swap3A = arith.index_cast %scan3A_60 : i32 to index
        %swap3A_69 = arith.constant 0 : index
        %swap3A_70 = tpu.vector_load %arg16[%swap3A, %swap3A_69] {strides = array<i32>} : memref<128x128xf32, #tpu.memory_space<vmem>>, vector<1x16xf32>,
        %swap3A_71 = vector.shape_cast %swap3A_70 : vector<1x16xf32> to vector<16xf32>
        %swap3A_72 = vector.shape_cast %mul3A_68 : vector<16xf32> to vector<1x16xf32>
        tpu.vector_store %arg16[%swap3A, %swap3A_69], %swap3A_72 {strides = array<i32>} : memref<128x128xf32, #tpu.memory_space<vmem>>, vector<1x16xf32>,
        %get3A_73 = arith.index_cast %scan3A_60 : i32 to index
        %get3A_74 = arith.constant 16 : index
        %get3A_75 = tpu.vector_load %arg16[%get3A_73, %get3A_74] {strides = array<i32>} : memref<128x128xf32, #tpu.memory_space<vmem>>, vector<1x16xf32>,
        %get3A_76 = vector.shape_cast %get3A_75 : vector<1x16xf32> to vector<16xf32>
        %mul3A_77 = arith.mulf %get3A_76, %broadcast_in_dim3A : vector<16xf32>
        %swap3A_78 = arith.index_cast %scan3A_60 : i32 to index
        %swap3A_79 = arith.constant 16 : index
        %swap3A_80 = tpu.vector_load %arg16[%swap3A_78, %swap3A_79] {strides = array<i32>} : memref<128x128xf32, #tpu.memory_space<vmem>>, vector<1x16xf32>,
        %swap3A_81 = vector.shape_cast %swap3A_80 : vector<1x16xf32> to vector<16xf32>
        %swap3A_82 = vector.shape_cast %mul3A_77 : vector<16xf32> to vector<1x16xf32>
        tpu.vector_store %arg16[%swap3A_78, %swap3A_79], %swap3A_82 {strides = array<i32>} : memref<128x128xf32, #tpu.memory_space<vmem>>, vector<1x16xf32>,
        %get3A_83 = arith.index_cast %scan3A_60 : i32 to index
        %get3A_84 = arith.constant 32 : index
        %get3A_85 = tpu.vector_load %arg16[%get3A_83, %get3A_84] {strides = array<i32>} : memref<128x128xf32, #tpu.memory_space<vmem>>, vector<1x16xf32>,
        %get3A_86 = vector.shape_cast %get3A_85 : vector<1x16xf32> to vector<16xf32>
        %mul3A_87 = arith.mulf %get3A_86, %broadcast_in_dim3A : vector<16xf32>
        %swap3A_88 = arith.index_cast %scan3A_60 : i32 to index
        %swap3A_89 = arith.constant 32 : index
        %swap3A_90 = tpu.vector_load %arg16[%swap3A_88, %swap3A_89] {strides = array<i32>} : memref<128x128xf32, #tpu.memory_space<vmem>>, vector<1x16xf32>,
        %swap3A_91 = vector.shape_cast %swap3A_90 : vector<1x16xf32> to vector<16xf32>
        %swap3A_92 = vector.shape_cast %mul3A_87 : vector<16xf32> to vector<1x16xf32>
        tpu.vector_store %arg16[%swap3A_88, %swap3A_89], %swap3A_92 {strides = array<i32>} : memref<128x128xf32, #tpu.memory_space<vmem>>, vector<1x16xf32>,
        %get3A_93 = arith.index_cast %scan3A_60 : i32 to index
        %get3A_94 = arith.constant 48 : index
        %get3A_95 = tpu.vector_load %arg16[%get3A_93, %get3A_94] {strides = array<i32>} : memref<128x128xf32, #tpu.memory_space<vmem>>, vector<1x16xf32>,
        %get3A_96 = vector.shape_cast %get3A_95 : vector<1x16xf32> to vector<16xf32>
        %mul3A_97 = arith.mulf %get3A_96, %broadcast_in_dim3A : vector<16xf32>
        %swap3A_98 = arith.index_cast %scan3A_60 : i32 to index
        %swap3A_99 = arith.constant 48 : index
        %swap3A_100 = tpu.vector_load %arg16[%swap3A_98, %swap3A_99] {strides = array<i32>} : memref<128x128xf32, #tpu.memory_space<vmem>>, vector<1x16xf32>,
        %swap3A_101 = vector.shape_cast %swap3A_100 : vector<1x16xf32> to vector<16xf32>
        %swap3A_102 = vector.shape_cast %mul3A_97 : vector<16xf32> to vector<1x16xf32>
        tpu.vector_store %arg16[%swap3A_98, %swap3A_99], %swap3A_102 {strides = array<i32>} : memref<128x128xf32, #tpu.memory_space<vmem>>, vector<1x16xf32>,
        %get3A_103 = arith.index_cast %scan3A_60 : i32 to index
        %get3A_104 = arith.constant 64 : index
        %get3A_105 = tpu.vector_load %arg16[%get3A_103, %get3A_104] {strides = array<i32>} : memref<128x128xf32, #tpu.memory_space<vmem>>, vector<1x16xf32>,
        %get3A_106 = vector.shape_cast %get3A_105 : vector<1x16xf32> to vector<16xf32>
        %mul3A_107 = arith.mulf %get3A_106, %broadcast_in_dim3A : vector<16xf32>
        %swap3A_108 = arith.index_cast %scan3A_60 : i32 to index
        %swap3A_109 = arith.constant 64 : index
        %swap3A_110 = tpu.vector_load %arg16[%swap3A_108, %swap3A_109] {strides = array<i32>} : memref<128x128xf32, #tpu.memory_space<vmem>>, vector<1x16xf32>,
        %swap3A_111 = vector.shape_cast %swap3A_110 : vector<1x16xf32> to vector<16xf32>
        %swap3A_112 = vector.shape_cast %mul3A_107 : vector<16xf32> to vector<1x16xf32>
        tpu.vector_store %arg16[%swap3A_108, %swap3A_109], %swap3A_112 {strides = array<i32>} : memref<128x128xf32, #tpu.memory_space<vmem>>, vector<1x16xf32>,
        %get3A_113 = arith.index_cast %scan3A_60 : i32 to index
        %get3A_114 = arith.constant 80 : index
        %get3A_115 = tpu.vector_load %arg16[%get3A_113, %get3A_114] {strides = array<i32>} : memref<128x128xf32, #tpu.memory_space<vmem>>, vector<1x16xf32>,
        %get3A_116 = vector.shape_cast %get3A_115 : vector<1x16xf32> to vector<16xf32>
        %mul3A_117 = arith.mulf %get3A_116, %broadcast_in_dim3A : vector<16xf32>
        %swap3A_118 = arith.index_cast %scan3A_60 : i32 to index
        %swap3A_119 = arith.constant 80 : index
        %swap3A_120 = tpu.vector_load %arg16[%swap3A_118, %swap3A_119] {strides = array<i32>} : memref<128x128xf32, #tpu.memory_space<vmem>>, vector<1x16xf32>,
        %swap3A_121 = vector.shape_cast %swap3A_120 : vector<1x16xf32> to vector<16xf32>
        %swap3A_122 = vector.shape_cast %mul3A_117 : vector<16xf32> to vector<1x16xf32>
        tpu.vector_store %arg16[%swap3A_118, %swap3A_119], %swap3A_122 {strides = array<i32>} : memref<128x128xf32, #tpu.memory_space<vmem>>, vector<1x16xf32>,
        %get3A_123 = arith.index_cast %scan3A_60 : i32 to index
        %get3A_124 = arith.constant 96 : index
        %get3A_125 = tpu.vector_load %arg16[%get3A_123, %get3A_124] {strides = array<i32>} : memref<128x128xf32, #tpu.memory_space<vmem>>, vector<1x16xf32>,
        %get3A_126 = vector.shape_cast %get3A_125 : vector<1x16xf32> to vector<16xf32>
        %mul3A_127 = arith.mulf %get3A_126, %broadcast_in_dim3A : vector<16xf32>
        %swap3A_128 = arith.index_cast %scan3A_60 : i32 to index
        %swap3A_129 = arith.constant 96 : index
        %swap3A_130 = tpu.vector_load %arg16[%swap3A_128, %swap3A_129] {strides = array<i32>} : memref<128x128xf32, #tpu.memory_space<vmem>>, vector<1x16xf32>,
        %swap3A_131 = vector.shape_cast %swap3A_130 : vector<1x16xf32> to vector<16xf32>
        %swap3A_132 = vector.shape_cast %mul3A_127 : vector<16xf32> to vector<1x16xf32>
        tpu.vector_store %arg16[%swap3A_128, %swap3A_129], %swap3A_132 {strides = array<i32>} : memref<128x128xf32, #tpu.memory_space<vmem>>, vector<1x16xf32>,
        %get3A_133 = arith.index_cast %scan3A_60 : i32 to index
        %get3A_134 = arith.constant 112 : index
        %get3A_135 = tpu.vector_load %arg16[%get3A_133, %get3A_134] {strides = array<i32>} : memref<128x128xf32, #tpu.memory_space<vmem>>, vector<1x16xf32>,
        %get3A_136 = vector.shape_cast %get3A_135 : vector<1x16xf32> to vector<16xf32>
        %mul3A_137 = arith.mulf %get3A_136, %broadcast_in_dim3A : vector<16xf32>
        %swap3A_138 = arith.index_cast %scan3A_60 : i32 to index
        %swap3A_139 = arith.constant 112 : index
        %swap3A_140 = tpu.vector_load %arg16[%swap3A_138, %swap3A_139] {strides = array<i32>} : memref<128x128xf32, #tpu.memory_space<vmem>>, vector<1x16xf32>,
        %swap3A_141 = vector.shape_cast %swap3A_140 : vector<1x16xf32> to vector<16xf32>
        %swap3A_142 = vector.shape_cast %mul3A_137 : vector<16xf32> to vector<1x16xf32>
        tpu.vector_store %arg16[%swap3A_138, %swap3A_139], %swap3A_142 {strides = array<i32>} : memref<128x128xf32, #tpu.memory_space<vmem>>, vector<1x16xf32>,
      }
      %scan3A_59 = arith.constant 128 : i32
      "tpu.region"() ({
        %run_scoped3A_60 = tpu.sem_alloc : memref<!tpu.dma_semaphore, #tpu.memory_space<semaphore_mem>>
        %dma_start3A_61 = arith.constant 0 : i32
        %dma_start3A_62 = arith.constant 0 : i32
        %dma_start3A_63 = tpu.memref_slice %arg19[%dma_start3A_61, %dma_start3A_62] : memref<10112x128xf32, #tpu.memory_space<vmem_shared>> -> memref<10112x128xf32, #tpu.memory_space<vmem_shared>>
        tpu.enqueue_indirect_dma source(%arg16 : memref<128x128xf32, #tpu.memory_space<vmem>>) target(%dma_start3A_63 : memref<10112x128xf32, #tpu.memory_space<vmem_shared>>) offsets(%arg15 : memref<128xi32, #tpu.memory_space<vmem>>) semaphore(%run_scoped3A_60 : memref<!tpu.dma_semaphore, #tpu.memory_space<semaphore_mem>>) {add = true}
        %dma_wait3A_64 = arith.constant 0 : i32
        %dma_wait3A_65 = arith.constant 0 : i32
        %dma_wait3A_66 = tpu.memref_slice %arg19[%dma_wait3A_64, %dma_wait3A_65] : memref<10112x128xf32, #tpu.memory_space<vmem_shared>> -> memref<10112x128xf32, #tpu.memory_space<vmem_shared>>
        tpu.wait_indirect_dma semaphore(%run_scoped3A_60 : memref<!tpu.dma_semaphore, #tpu.memory_space<semaphore_mem>>) src(%arg16 : memref<128x128xf32, #tpu.memory_space<vmem>>) dst(%dma_wait3A_66 : memref<10112x128xf32, #tpu.memory_space<vmem_shared>>)
        tpu.yield
      }) : () -> ()
    }
    %scan3A_32 = arith.constant 81 : i32
    %barrier3A_33 = arith.constant 0 : index
    tpu.barrier barrier_id(%barrier3A_33)
    %run_scoped3A_34 = arith.constant 2 : i32
    "tpu.region"() ({
      %run_scoped3A_44 = tpu.sem_alloc : memref<!tpu.dma_semaphore, #tpu.memory_space<semaphore_mem>>
      %dma_start3A = arith.constant 0 : i32
      %dma_start3A_45 = arith.constant 0 : i32
      %dma_start3A_46 = arith.constant 0 : i32
      %dma_start3A_47 = tpu.memref_slice %arg12[%arg0, %dma_start3A, %dma_start3A_45, %dma_start3A_46] : memref<2x4x10112x128xf32, #tpu.memory_space<hbm>> -> memref<1x4x10112x128xf32, #tpu.memory_space<hbm>>
      %dma_start3A_48 = tpu.memref_squeeze %dma_start3A_47 : memref<1x4x10112x128xf32, #tpu.memory_space<hbm>> -> memref<4x10112x128xf32, #tpu.memory_space<hbm>>
      %dma_start3A_49 = arith.constant 0 : i32
      %dma_start3A_50 = arith.constant 0 : i32
      %dma_start3A_51 = tpu.memref_slice %dma_start3A_48[%run_scoped3A_34, %dma_start3A_49, %dma_start3A_50] : memref<4x10112x128xf32, #tpu.memory_space<hbm>> -> memref<1x10112x128xf32, #tpu.memory_space<hbm>>
      %dma_start3A_52 = tpu.memref_squeeze %dma_start3A_51 : memref<1x10112x128xf32, #tpu.memory_space<hbm>> -> memref<10112x128xf32, #tpu.memory_space<hbm>>
      %dma_start3A_53 = arith.constant 0 : i32
      %dma_start3A_54 = tpu.memref_slice %dma_start3A_52[%mul3A_2, %dma_start3A_53] : memref<10112x128xf32, #tpu.memory_space<hbm>> -> memref<632x128xf32, #tpu.memory_space<hbm>>
      %dma_start3A_55 = arith.constant 0 : i32
      %dma_start3A_56 = tpu.memref_slice %arg19[%mul3A_2, %dma_start3A_55] : memref<10112x128xf32, #tpu.memory_space<vmem_shared>> -> memref<632x128xf32, #tpu.memory_space<vmem_shared>>
      tpu.enqueue_dma source(%dma_start3A_56 : memref<632x128xf32, #tpu.memory_space<vmem_shared>>) target(%dma_start3A_54 : memref<632x128xf32, #tpu.memory_space<hbm>>) target_semaphore(%run_scoped3A_44 : memref<!tpu.dma_semaphore, #tpu.memory_space<semaphore_mem>>)
      %dma_wait3A = arith.constant 0 : i32
      %dma_wait3A_57 = arith.constant 0 : i32
      %dma_wait3A_58 = arith.constant 0 : i32
      %dma_wait3A_59 = tpu.memref_slice %arg12[%arg0, %dma_wait3A, %dma_wait3A_57, %dma_wait3A_58] : memref<2x4x10112x128xf32, #tpu.memory_space<hbm>> -> memref<1x4x10112x128xf32, #tpu.memory_space<hbm>>
      %dma_wait3A_60 = tpu.memref_squeeze %dma_wait3A_59 : memref<1x4x10112x128xf32, #tpu.memory_space<hbm>> -> memref<4x10112x128xf32, #tpu.memory_space<hbm>>
      %dma_wait3A_61 = arith.constant 0 : i32
      %dma_wait3A_62 = arith.constant 0 : i32
      %dma_wait3A_63 = tpu.memref_slice %dma_wait3A_60[%run_scoped3A_34, %dma_wait3A_61, %dma_wait3A_62] : memref<4x10112x128xf32, #tpu.memory_space<hbm>> -> memref<1x10112x128xf32, #tpu.memory_space<hbm>>
      %dma_wait3A_64 = tpu.memref_squeeze %dma_wait3A_63 : memref<1x10112x128xf32, #tpu.memory_space<hbm>> -> memref<10112x128xf32, #tpu.memory_space<hbm>>
      %dma_wait3A_65 = arith.constant 0 : i32
      %dma_wait3A_66 = tpu.memref_slice %dma_wait3A_64[%mul3A_2, %dma_wait3A_65] : memref<10112x128xf32, #tpu.memory_space<hbm>> -> memref<632x128xf32, #tpu.memory_space<hbm>>
      %dma_wait3A_67 = arith.constant 0 : i32
      %dma_wait3A_68 = tpu.memref_slice %arg19[%mul3A_2, %dma_wait3A_67] : memref<10112x128xf32, #tpu.memory_space<vmem_shared>> -> memref<632x128xf32, #tpu.memory_space<vmem_shared>>
      tpu.wait_dma2 semaphore(%run_scoped3A_44 : memref<!tpu.dma_semaphore, #tpu.memory_space<semaphore_mem>>) src(%dma_wait3A_68 : memref<632x128xf32, #tpu.memory_space<vmem_shared>>) dst(%dma_wait3A_66 : memref<632x128xf32, #tpu.memory_space<hbm>>)
      tpu.yield
    }) : () -> ()
    "tpu.region"() ({
      %run_scoped3A_44 = tpu.sem_alloc : memref<!tpu.dma_semaphore, #tpu.memory_space<semaphore_mem>>
      %dma_start3A = arith.constant 0 : i32
      %dma_start3A_45 = tpu.memref_slice %arg19[%mul3A_2, %dma_start3A] : memref<10112x128xf32, #tpu.memory_space<vmem_shared>> -> memref<632x128xf32, #tpu.memory_space<vmem_shared>>
      tpu.enqueue_dma source(%arg10 : memref<632x128xf32, #tpu.memory_space<hbm>>) target(%dma_start3A_45 : memref<632x128xf32, #tpu.memory_space<vmem_shared>>) target_semaphore(%run_scoped3A_44 : memref<!tpu.dma_semaphore, #tpu.memory_space<semaphore_mem>>)
      %dma_wait3A = arith.constant 0 : i32
      %dma_wait3A_46 = tpu.memref_slice %arg19[%mul3A_2, %dma_wait3A] : memref<10112x128xf32, #tpu.memory_space<vmem_shared>> -> memref<632x128xf32, #tpu.memory_space<vmem_shared>>
      tpu.wait_dma2 semaphore(%run_scoped3A_44 : memref<!tpu.dma_semaphore, #tpu.memory_space<semaphore_mem>>) src(%arg10 : memref<632x128xf32, #tpu.memory_space<hbm>>) dst(%dma_wait3A_46 : memref<632x128xf32, #tpu.memory_space<vmem_shared>>)
      tpu.yield
    }) : () -> ()
    %barrier3A_35 = arith.constant 0 : index
    tpu.barrier barrier_id(%barrier3A_35)
    %scan3A_36 = arith.constant 0 : i32
    %scan3A_37 = arith.constant 0 : i32
    %scan3A_38 = arith.constant 81 : i32
    %scan3A_39 = arith.addi %scan3A_37, %scan3A_38 : i32
    %scan3A_40 = arith.constant 1 : i32
    scf.for %scan3A_44 = %scan3A_37 to %scan3A_39 step %scan3A_40  : i32 {
      %mul3A_45 = arith.constant 10368 : i32
      %mul3A_46 = arith.muli %add3A, %mul3A_45 : i32
      %mul3A_47 = arith.constant 128 : i32
      %mul3A_48 = arith.muli %scan3A_44, %mul3A_47 : i32
      %add3A_49 = arith.addi %mul3A_46, %mul3A_48 : i32
      "tpu.region"() ({
        %run_scoped3A_60 = tpu.sem_alloc : memref<!tpu.dma_semaphore, #tpu.memory_space<semaphore_mem>>
        %dma_start3A_61 = tpu.memref_slice %arg2[%add3A_49] : memref<331776xi32, #tpu.memory_space<hbm>> -> memref<128xi32, #tpu.memory_space<hbm>>
        %dma_start3A_62 = tpu.memref_slice %arg2[%add3A_49] : memref<331776xi32, #tpu.memory_space<hbm>> -> memref<128xi32, #tpu.memory_space<hbm>>
        tpu.enqueue_dma source(%dma_start3A_62 : memref<128xi32, #tpu.memory_space<hbm>>) target(%arg14 : memref<128xi32, #tpu.memory_space<vmem>>) target_semaphore(%run_scoped3A_60 : memref<!tpu.dma_semaphore, #tpu.memory_space<semaphore_mem>>)
        %dma_wait3A_63 = tpu.memref_slice %arg2[%add3A_49] : memref<331776xi32, #tpu.memory_space<hbm>> -> memref<128xi32, #tpu.memory_space<hbm>>
        %dma_wait3A_64 = tpu.memref_slice %arg2[%add3A_49] : memref<331776xi32, #tpu.memory_space<hbm>> -> memref<128xi32, #tpu.memory_space<hbm>>
        tpu.wait_dma2 semaphore(%run_scoped3A_60 : memref<!tpu.dma_semaphore, #tpu.memory_space<semaphore_mem>>) src(%dma_wait3A_64 : memref<128xi32, #tpu.memory_space<hbm>>) dst(%arg14 : memref<128xi32, #tpu.memory_space<vmem>>)
        tpu.yield
      }) : () -> ()
      "tpu.region"() ({
        %run_scoped3A_60 = tpu.sem_alloc : memref<!tpu.dma_semaphore, #tpu.memory_space<semaphore_mem>>
        %dma_start3A_61 = tpu.memref_slice %arg3[%add3A_49] : memref<331776xi32, #tpu.memory_space<hbm>> -> memref<128xi32, #tpu.memory_space<hbm>>
        %dma_start3A_62 = tpu.memref_slice %arg3[%add3A_49] : memref<331776xi32, #tpu.memory_space<hbm>> -> memref<128xi32, #tpu.memory_space<hbm>>
        tpu.enqueue_dma source(%dma_start3A_62 : memref<128xi32, #tpu.memory_space<hbm>>) target(%arg15 : memref<128xi32, #tpu.memory_space<vmem>>) target_semaphore(%run_scoped3A_60 : memref<!tpu.dma_semaphore, #tpu.memory_space<semaphore_mem>>)
        %dma_wait3A_63 = tpu.memref_slice %arg3[%add3A_49] : memref<331776xi32, #tpu.memory_space<hbm>> -> memref<128xi32, #tpu.memory_space<hbm>>
        %dma_wait3A_64 = tpu.memref_slice %arg3[%add3A_49] : memref<331776xi32, #tpu.memory_space<hbm>> -> memref<128xi32, #tpu.memory_space<hbm>>
        tpu.wait_dma2 semaphore(%run_scoped3A_60 : memref<!tpu.dma_semaphore, #tpu.memory_space<semaphore_mem>>) src(%dma_wait3A_64 : memref<128xi32, #tpu.memory_space<hbm>>) dst(%arg15 : memref<128xi32, #tpu.memory_space<vmem>>)
        tpu.yield
      }) : () -> ()
      "tpu.region"() ({
        %run_scoped3A_60 = tpu.sem_alloc : memref<!tpu.dma_semaphore, #tpu.memory_space<semaphore_mem>>
        %dma_start3A_61 = arith.constant 0 : i32
        %dma_start3A_62 = tpu.memref_slice %arg13[%add3A_49, %dma_start3A_61] : memref<331776x16xf32, #tpu.memory_space<hbm>> -> memref<128x16xf32, #tpu.memory_space<hbm>>
        %dma_start3A_63 = arith.constant 0 : i32
        %dma_start3A_64 = tpu.memref_slice %arg13[%add3A_49, %dma_start3A_63] : memref<331776x16xf32, #tpu.memory_space<hbm>> -> memref<128x16xf32, #tpu.memory_space<hbm>>
        tpu.enqueue_dma source(%dma_start3A_64 : memref<128x16xf32, #tpu.memory_space<hbm>>) target(%arg18 : memref<128x16xf32, #tpu.memory_space<vmem>>) target_semaphore(%run_scoped3A_60 : memref<!tpu.dma_semaphore, #tpu.memory_space<semaphore_mem>>)
        %dma_wait3A_65 = arith.constant 0 : i32
        %dma_wait3A_66 = tpu.memref_slice %arg13[%add3A_49, %dma_wait3A_65] : memref<331776x16xf32, #tpu.memory_space<hbm>> -> memref<128x16xf32, #tpu.memory_space<hbm>>
        %dma_wait3A_67 = arith.constant 0 : i32
        %dma_wait3A_68 = tpu.memref_slice %arg13[%add3A_49, %dma_wait3A_67] : memref<331776x16xf32, #tpu.memory_space<hbm>> -> memref<128x16xf32, #tpu.memory_space<hbm>>
        tpu.wait_dma2 semaphore(%run_scoped3A_60 : memref<!tpu.dma_semaphore, #tpu.memory_space<semaphore_mem>>) src(%dma_wait3A_68 : memref<128x16xf32, #tpu.memory_space<hbm>>) dst(%arg18 : memref<128x16xf32, #tpu.memory_space<vmem>>)
        tpu.yield
      }) : () -> ()
      %dma_start3A = arith.constant 0 : i32
      %dma_start3A_50 = arith.constant 0 : i32
      %dma_start3A_51 = tpu.memref_slice %arg9[%dma_start3A, %dma_start3A_50] : memref<10000x128xf32, #tpu.memory_space<hbm>> -> memref<10000x128xf32, #tpu.memory_space<hbm>>
      tpu.enqueue_indirect_dma source(%dma_start3A_51 : memref<10000x128xf32, #tpu.memory_space<hbm>>) target(%arg16 : memref<128x128xf32, #tpu.memory_space<vmem>>) offsets(%arg14 : memref<128xi32, #tpu.memory_space<vmem>>) semaphore(%arg20 : memref<!tpu.dma_semaphore, #tpu.memory_space<semaphore_mem>>)
      %dma_wait3A = arith.constant 0 : i32
      %dma_wait3A_52 = arith.constant 0 : i32
      %dma_wait3A_53 = tpu.memref_slice %arg9[%dma_wait3A, %dma_wait3A_52] : memref<10000x128xf32, #tpu.memory_space<hbm>> -> memref<10000x128xf32, #tpu.memory_space<hbm>>
      tpu.wait_indirect_dma semaphore(%arg20 : memref<!tpu.dma_semaphore, #tpu.memory_space<semaphore_mem>>) src(%dma_wait3A_53 : memref<10000x128xf32, #tpu.memory_space<hbm>>) dst(%arg16 : memref<128x128xf32, #tpu.memory_space<vmem>>)
      %scan3A_54 = arith.constant 0 : i32
      %scan3A_55 = arith.constant 0 : i32
      %scan3A_56 = arith.constant 128 : i32
      %scan3A_57 = arith.addi %scan3A_55, %scan3A_56 : i32
      %scan3A_58 = arith.constant 1 : i32
      scf.for %scan3A_60 = %scan3A_55 to %scan3A_57 step %scan3A_58  : i32 {
        %get3A = arith.index_cast %scan3A_60 : i32 to index
        %get3A_61 = arith.constant 0 : index
        %get3A_62 = tpu.vector_load %arg18[%get3A, %get3A_61] {strides = array<i32>} : memref<128x16xf32, #tpu.memory_space<vmem>>, vector<1x16xf32>,
        %get3A_63 = vector.shape_cast %get3A_62 : vector<1x16xf32> to vector<16xf32>
        %slice3A = vector.extract_strided_slice %get3A_63 {offsets = [3], sizes = [1], strides = [1]} : vector<16xf32> to vector<1xf32>
        %squeeze3A = vector.extract %slice3A[0] : f32 from vector<1xf32>
        %broadcast_in_dim3A = vector.broadcast %squeeze3A : f32 to vector<16xf32>
        %get3A_64 = arith.index_cast %scan3A_60 : i32 to index
        %get3A_65 = arith.constant 0 : index
        %get3A_66 = tpu.vector_load %arg16[%get3A_64, %get3A_65] {strides = array<i32>} : memref<128x128xf32, #tpu.memory_space<vmem>>, vector<1x16xf32>,
        %get3A_67 = vector.shape_cast %get3A_66 : vector<1x16xf32> to vector<16xf32>
        %mul3A_68 = arith.mulf %get3A_67, %broadcast_in_dim3A : vector<16xf32>
        %swap3A = arith.index_cast %scan3A_60 : i32 to index
        %swap3A_69 = arith.constant 0 : index
        %swap3A_70 = tpu.vector_load %arg16[%swap3A, %swap3A_69] {strides = array<i32>} : memref<128x128xf32, #tpu.memory_space<vmem>>, vector<1x16xf32>,
        %swap3A_71 = vector.shape_cast %swap3A_70 : vector<1x16xf32> to vector<16xf32>
        %swap3A_72 = vector.shape_cast %mul3A_68 : vector<16xf32> to vector<1x16xf32>
        tpu.vector_store %arg16[%swap3A, %swap3A_69], %swap3A_72 {strides = array<i32>} : memref<128x128xf32, #tpu.memory_space<vmem>>, vector<1x16xf32>,
        %get3A_73 = arith.index_cast %scan3A_60 : i32 to index
        %get3A_74 = arith.constant 16 : index
        %get3A_75 = tpu.vector_load %arg16[%get3A_73, %get3A_74] {strides = array<i32>} : memref<128x128xf32, #tpu.memory_space<vmem>>, vector<1x16xf32>,
        %get3A_76 = vector.shape_cast %get3A_75 : vector<1x16xf32> to vector<16xf32>
        %mul3A_77 = arith.mulf %get3A_76, %broadcast_in_dim3A : vector<16xf32>
        %swap3A_78 = arith.index_cast %scan3A_60 : i32 to index
        %swap3A_79 = arith.constant 16 : index
        %swap3A_80 = tpu.vector_load %arg16[%swap3A_78, %swap3A_79] {strides = array<i32>} : memref<128x128xf32, #tpu.memory_space<vmem>>, vector<1x16xf32>,
        %swap3A_81 = vector.shape_cast %swap3A_80 : vector<1x16xf32> to vector<16xf32>
        %swap3A_82 = vector.shape_cast %mul3A_77 : vector<16xf32> to vector<1x16xf32>
        tpu.vector_store %arg16[%swap3A_78, %swap3A_79], %swap3A_82 {strides = array<i32>} : memref<128x128xf32, #tpu.memory_space<vmem>>, vector<1x16xf32>,
        %get3A_83 = arith.index_cast %scan3A_60 : i32 to index
        %get3A_84 = arith.constant 32 : index
        %get3A_85 = tpu.vector_load %arg16[%get3A_83, %get3A_84] {strides = array<i32>} : memref<128x128xf32, #tpu.memory_space<vmem>>, vector<1x16xf32>,
        %get3A_86 = vector.shape_cast %get3A_85 : vector<1x16xf32> to vector<16xf32>
        %mul3A_87 = arith.mulf %get3A_86, %broadcast_in_dim3A : vector<16xf32>
        %swap3A_88 = arith.index_cast %scan3A_60 : i32 to index
        %swap3A_89 = arith.constant 32 : index
        %swap3A_90 = tpu.vector_load %arg16[%swap3A_88, %swap3A_89] {strides = array<i32>} : memref<128x128xf32, #tpu.memory_space<vmem>>, vector<1x16xf32>,
        %swap3A_91 = vector.shape_cast %swap3A_90 : vector<1x16xf32> to vector<16xf32>
        %swap3A_92 = vector.shape_cast %mul3A_87 : vector<16xf32> to vector<1x16xf32>
        tpu.vector_store %arg16[%swap3A_88, %swap3A_89], %swap3A_92 {strides = array<i32>} : memref<128x128xf32, #tpu.memory_space<vmem>>, vector<1x16xf32>,
        %get3A_93 = arith.index_cast %scan3A_60 : i32 to index
        %get3A_94 = arith.constant 48 : index
        %get3A_95 = tpu.vector_load %arg16[%get3A_93, %get3A_94] {strides = array<i32>} : memref<128x128xf32, #tpu.memory_space<vmem>>, vector<1x16xf32>,
        %get3A_96 = vector.shape_cast %get3A_95 : vector<1x16xf32> to vector<16xf32>
        %mul3A_97 = arith.mulf %get3A_96, %broadcast_in_dim3A : vector<16xf32>
        %swap3A_98 = arith.index_cast %scan3A_60 : i32 to index
        %swap3A_99 = arith.constant 48 : index
        %swap3A_100 = tpu.vector_load %arg16[%swap3A_98, %swap3A_99] {strides = array<i32>} : memref<128x128xf32, #tpu.memory_space<vmem>>, vector<1x16xf32>,
        %swap3A_101 = vector.shape_cast %swap3A_100 : vector<1x16xf32> to vector<16xf32>
        %swap3A_102 = vector.shape_cast %mul3A_97 : vector<16xf32> to vector<1x16xf32>
        tpu.vector_store %arg16[%swap3A_98, %swap3A_99], %swap3A_102 {strides = array<i32>} : memref<128x128xf32, #tpu.memory_space<vmem>>, vector<1x16xf32>,
        %get3A_103 = arith.index_cast %scan3A_60 : i32 to index
        %get3A_104 = arith.constant 64 : index
        %get3A_105 = tpu.vector_load %arg16[%get3A_103, %get3A_104] {strides = array<i32>} : memref<128x128xf32, #tpu.memory_space<vmem>>, vector<1x16xf32>,
        %get3A_106 = vector.shape_cast %get3A_105 : vector<1x16xf32> to vector<16xf32>
        %mul3A_107 = arith.mulf %get3A_106, %broadcast_in_dim3A : vector<16xf32>
        %swap3A_108 = arith.index_cast %scan3A_60 : i32 to index
        %swap3A_109 = arith.constant 64 : index
        %swap3A_110 = tpu.vector_load %arg16[%swap3A_108, %swap3A_109] {strides = array<i32>} : memref<128x128xf32, #tpu.memory_space<vmem>>, vector<1x16xf32>,
        %swap3A_111 = vector.shape_cast %swap3A_110 : vector<1x16xf32> to vector<16xf32>
        %swap3A_112 = vector.shape_cast %mul3A_107 : vector<16xf32> to vector<1x16xf32>
        tpu.vector_store %arg16[%swap3A_108, %swap3A_109], %swap3A_112 {strides = array<i32>} : memref<128x128xf32, #tpu.memory_space<vmem>>, vector<1x16xf32>,
        %get3A_113 = arith.index_cast %scan3A_60 : i32 to index
        %get3A_114 = arith.constant 80 : index
        %get3A_115 = tpu.vector_load %arg16[%get3A_113, %get3A_114] {strides = array<i32>} : memref<128x128xf32, #tpu.memory_space<vmem>>, vector<1x16xf32>,
        %get3A_116 = vector.shape_cast %get3A_115 : vector<1x16xf32> to vector<16xf32>
        %mul3A_117 = arith.mulf %get3A_116, %broadcast_in_dim3A : vector<16xf32>
        %swap3A_118 = arith.index_cast %scan3A_60 : i32 to index
        %swap3A_119 = arith.constant 80 : index
        %swap3A_120 = tpu.vector_load %arg16[%swap3A_118, %swap3A_119] {strides = array<i32>} : memref<128x128xf32, #tpu.memory_space<vmem>>, vector<1x16xf32>,
        %swap3A_121 = vector.shape_cast %swap3A_120 : vector<1x16xf32> to vector<16xf32>
        %swap3A_122 = vector.shape_cast %mul3A_117 : vector<16xf32> to vector<1x16xf32>
        tpu.vector_store %arg16[%swap3A_118, %swap3A_119], %swap3A_122 {strides = array<i32>} : memref<128x128xf32, #tpu.memory_space<vmem>>, vector<1x16xf32>,
        %get3A_123 = arith.index_cast %scan3A_60 : i32 to index
        %get3A_124 = arith.constant 96 : index
        %get3A_125 = tpu.vector_load %arg16[%get3A_123, %get3A_124] {strides = array<i32>} : memref<128x128xf32, #tpu.memory_space<vmem>>, vector<1x16xf32>,
        %get3A_126 = vector.shape_cast %get3A_125 : vector<1x16xf32> to vector<16xf32>
        %mul3A_127 = arith.mulf %get3A_126, %broadcast_in_dim3A : vector<16xf32>
        %swap3A_128 = arith.index_cast %scan3A_60 : i32 to index
        %swap3A_129 = arith.constant 96 : index
        %swap3A_130 = tpu.vector_load %arg16[%swap3A_128, %swap3A_129] {strides = array<i32>} : memref<128x128xf32, #tpu.memory_space<vmem>>, vector<1x16xf32>,
        %swap3A_131 = vector.shape_cast %swap3A_130 : vector<1x16xf32> to vector<16xf32>
        %swap3A_132 = vector.shape_cast %mul3A_127 : vector<16xf32> to vector<1x16xf32>
        tpu.vector_store %arg16[%swap3A_128, %swap3A_129], %swap3A_132 {strides = array<i32>} : memref<128x128xf32, #tpu.memory_space<vmem>>, vector<1x16xf32>,
        %get3A_133 = arith.index_cast %scan3A_60 : i32 to index
        %get3A_134 = arith.constant 112 : index
        %get3A_135 = tpu.vector_load %arg16[%get3A_133, %get3A_134] {strides = array<i32>} : memref<128x128xf32, #tpu.memory_space<vmem>>, vector<1x16xf32>,
        %get3A_136 = vector.shape_cast %get3A_135 : vector<1x16xf32> to vector<16xf32>
        %mul3A_137 = arith.mulf %get3A_136, %broadcast_in_dim3A : vector<16xf32>
        %swap3A_138 = arith.index_cast %scan3A_60 : i32 to index
        %swap3A_139 = arith.constant 112 : index
        %swap3A_140 = tpu.vector_load %arg16[%swap3A_138, %swap3A_139] {strides = array<i32>} : memref<128x128xf32, #tpu.memory_space<vmem>>, vector<1x16xf32>,
        %swap3A_141 = vector.shape_cast %swap3A_140 : vector<1x16xf32> to vector<16xf32>
        %swap3A_142 = vector.shape_cast %mul3A_137 : vector<16xf32> to vector<1x16xf32>
        tpu.vector_store %arg16[%swap3A_138, %swap3A_139], %swap3A_142 {strides = array<i32>} : memref<128x128xf32, #tpu.memory_space<vmem>>, vector<1x16xf32>,
      }
      %scan3A_59 = arith.constant 128 : i32
      "tpu.region"() ({
        %run_scoped3A_60 = tpu.sem_alloc : memref<!tpu.dma_semaphore, #tpu.memory_space<semaphore_mem>>
        %dma_start3A_61 = arith.constant 0 : i32
        %dma_start3A_62 = arith.constant 0 : i32
        %dma_start3A_63 = tpu.memref_slice %arg19[%dma_start3A_61, %dma_start3A_62] : memref<10112x128xf32, #tpu.memory_space<vmem_shared>> -> memref<10112x128xf32, #tpu.memory_space<vmem_shared>>
        tpu.enqueue_indirect_dma source(%arg16 : memref<128x128xf32, #tpu.memory_space<vmem>>) target(%dma_start3A_63 : memref<10112x128xf32, #tpu.memory_space<vmem_shared>>) offsets(%arg15 : memref<128xi32, #tpu.memory_space<vmem>>) semaphore(%run_scoped3A_60 : memref<!tpu.dma_semaphore, #tpu.memory_space<semaphore_mem>>) {add = true}
        %dma_wait3A_64 = arith.constant 0 : i32
        %dma_wait3A_65 = arith.constant 0 : i32
        %dma_wait3A_66 = tpu.memref_slice %arg19[%dma_wait3A_64, %dma_wait3A_65] : memref<10112x128xf32, #tpu.memory_space<vmem_shared>> -> memref<10112x128xf32, #tpu.memory_space<vmem_shared>>
        tpu.wait_indirect_dma semaphore(%run_scoped3A_60 : memref<!tpu.dma_semaphore, #tpu.memory_space<semaphore_mem>>) src(%arg16 : memref<128x128xf32, #tpu.memory_space<vmem>>) dst(%dma_wait3A_66 : memref<10112x128xf32, #tpu.memory_space<vmem_shared>>)
        tpu.yield
      }) : () -> ()
    }
    %scan3A_41 = arith.constant 81 : i32
    %barrier3A_42 = arith.constant 0 : index
    tpu.barrier barrier_id(%barrier3A_42)
    %run_scoped3A_43 = arith.constant 3 : i32
    "tpu.region"() ({
      %run_scoped3A_44 = tpu.sem_alloc : memref<!tpu.dma_semaphore, #tpu.memory_space<semaphore_mem>>
      %dma_start3A = arith.constant 0 : i32
      %dma_start3A_45 = arith.constant 0 : i32
      %dma_start3A_46 = arith.constant 0 : i32
      %dma_start3A_47 = tpu.memref_slice %arg12[%arg0, %dma_start3A, %dma_start3A_45, %dma_start3A_46] : memref<2x4x10112x128xf32, #tpu.memory_space<hbm>> -> memref<1x4x10112x128xf32, #tpu.memory_space<hbm>>
      %dma_start3A_48 = tpu.memref_squeeze %dma_start3A_47 : memref<1x4x10112x128xf32, #tpu.memory_space<hbm>> -> memref<4x10112x128xf32, #tpu.memory_space<hbm>>
      %dma_start3A_49 = arith.constant 0 : i32
      %dma_start3A_50 = arith.constant 0 : i32
      %dma_start3A_51 = tpu.memref_slice %dma_start3A_48[%run_scoped3A_43, %dma_start3A_49, %dma_start3A_50] : memref<4x10112x128xf32, #tpu.memory_space<hbm>> -> memref<1x10112x128xf32, #tpu.memory_space<hbm>>
      %dma_start3A_52 = tpu.memref_squeeze %dma_start3A_51 : memref<1x10112x128xf32, #tpu.memory_space<hbm>> -> memref<10112x128xf32, #tpu.memory_space<hbm>>
      %dma_start3A_53 = arith.constant 0 : i32
      %dma_start3A_54 = tpu.memref_slice %dma_start3A_52[%mul3A_2, %dma_start3A_53] : memref<10112x128xf32, #tpu.memory_space<hbm>> -> memref<632x128xf32, #tpu.memory_space<hbm>>
      %dma_start3A_55 = arith.constant 0 : i32
      %dma_start3A_56 = tpu.memref_slice %arg19[%mul3A_2, %dma_start3A_55] : memref<10112x128xf32, #tpu.memory_space<vmem_shared>> -> memref<632x128xf32, #tpu.memory_space<vmem_shared>>
      tpu.enqueue_dma source(%dma_start3A_56 : memref<632x128xf32, #tpu.memory_space<vmem_shared>>) target(%dma_start3A_54 : memref<632x128xf32, #tpu.memory_space<hbm>>) target_semaphore(%run_scoped3A_44 : memref<!tpu.dma_semaphore, #tpu.memory_space<semaphore_mem>>)
      %dma_wait3A = arith.constant 0 : i32
      %dma_wait3A_57 = arith.constant 0 : i32
      %dma_wait3A_58 = arith.constant 0 : i32
      %dma_wait3A_59 = tpu.memref_slice %arg12[%arg0, %dma_wait3A, %dma_wait3A_57, %dma_wait3A_58] : memref<2x4x10112x128xf32, #tpu.memory_space<hbm>> -> memref<1x4x10112x128xf32, #tpu.memory_space<hbm>>
      %dma_wait3A_60 = tpu.memref_squeeze %dma_wait3A_59 : memref<1x4x10112x128xf32, #tpu.memory_space<hbm>> -> memref<4x10112x128xf32, #tpu.memory_space<hbm>>
      %dma_wait3A_61 = arith.constant 0 : i32
      %dma_wait3A_62 = arith.constant 0 : i32
      %dma_wait3A_63 = tpu.memref_slice %dma_wait3A_60[%run_scoped3A_43, %dma_wait3A_61, %dma_wait3A_62] : memref<4x10112x128xf32, #tpu.memory_space<hbm>> -> memref<1x10112x128xf32, #tpu.memory_space<hbm>>
      %dma_wait3A_64 = tpu.memref_squeeze %dma_wait3A_63 : memref<1x10112x128xf32, #tpu.memory_space<hbm>> -> memref<10112x128xf32, #tpu.memory_space<hbm>>
      %dma_wait3A_65 = arith.constant 0 : i32
      %dma_wait3A_66 = tpu.memref_slice %dma_wait3A_64[%mul3A_2, %dma_wait3A_65] : memref<10112x128xf32, #tpu.memory_space<hbm>> -> memref<632x128xf32, #tpu.memory_space<hbm>>
      %dma_wait3A_67 = arith.constant 0 : i32
      %dma_wait3A_68 = tpu.memref_slice %arg19[%mul3A_2, %dma_wait3A_67] : memref<10112x128xf32, #tpu.memory_space<vmem_shared>> -> memref<632x128xf32, #tpu.memory_space<vmem_shared>>
      tpu.wait_dma2 semaphore(%run_scoped3A_44 : memref<!tpu.dma_semaphore, #tpu.memory_space<semaphore_mem>>) src(%dma_wait3A_68 : memref<632x128xf32, #tpu.memory_space<vmem_shared>>) dst(%dma_wait3A_66 : memref<632x128xf32, #tpu.memory_space<hbm>>)
      tpu.yield
    }) : () -> ()
    return
  }
}

module attributes {stable_mosaic.version = 14 : i64} {
  func.func @body(%arg0: i32, %arg1: memref<400x128xf32, #tpu.memory_space<vmem>>, %arg2: memref<128x512xf32, #tpu.memory_space<vmem>>, %arg3: memref<4x128xf32, #tpu.memory_space<vmem>>, %arg4: memref<4x128xf32, #tpu.memory_space<vmem>>, %arg5: memref<4x400x128xf32, #tpu.memory_space<vmem>>, %arg6: memref<400x128xf32, #tpu.memory_space<vmem>>, %arg7: memref<400x128xf32, #tpu.memory_space<vmem>>) attributes {dimension_semantics = [#tpu.dimension_semantics<arbitrary>], iteration_bounds = array<i64: 25>, scalar_prefetch = 0 : i64, scratch_operands = 0 : i64, tpu.core_type = #tpu.core_type<tc>, window_params = [{transform_indices = @transform_0, window_bounds = array<i64: 400, 128>}, {pipeline_mode = #tpu.pipeline_mode<synchronous>, transform_indices = @transform_1, window_bounds = array<i64: 128, 512>}, {pipeline_mode = #tpu.pipeline_mode<synchronous>, transform_indices = @transform_2, window_bounds = array<i64: 4, 128>}, {pipeline_mode = #tpu.pipeline_mode<synchronous>, transform_indices = @transform_3, window_bounds = array<i64: 4, 128>}, {transform_indices = @transform_4, window_bounds = array<i64: 4, 400, 128>}, {transform_indices = @transform_5, window_bounds = array<i64: 400, 128>}, {transform_indices = @transform_6, window_bounds = array<i64: 400, 128>}]} {
    %get3A = arith.constant 0 : index
    %get3A_0 = arith.constant 0 : index
    %get3A_1 = vector.load %arg1[%get3A, %get3A_0] : memref<400x128xf32, #tpu.memory_space<vmem>>, vector<400x128xf32>
    %get3A_2 = arith.constant 0 : index
    %get3A_3 = arith.constant 0 : index
    %get3A_4 = vector.load %arg2[%get3A_2, %get3A_3] : memref<128x512xf32, #tpu.memory_space<vmem>>, vector<128x512xf32>
    %dot_general3A = arith.constant dense<0.000000e+00> : vector<400x512xf32>
    %dot_general3A_5 = tpu.matmul %get3A_1, %get3A_4, %dot_general3A {dimension_numbers = #tpu.dot_dimension_numbers<[1], [0], [0], [1], [0, 0, 1, 1], [], []>, transpose_lhs_hint = false} : vector<400x128xf32>, vector<128x512xf32>, vector<400x512xf32> -> vector<400x512xf32>
    %reshape3A = vector.shape_cast %dot_general3A_5 : vector<400x512xf32> to vector<400x4x128xf32>
    %get3A_6 = arith.constant 0 : index
    %get3A_7 = arith.constant 0 : index
    %get3A_8 = vector.load %arg3[%get3A_6, %get3A_7] : memref<4x128xf32, #tpu.memory_space<vmem>>, vector<4x128xf32>
    %broadcast_in_dim3A = vector.shape_cast %get3A_8 : vector<4x128xf32> to vector<1x4x128xf32>
    %mul3A = vector.broadcast %broadcast_in_dim3A : vector<1x4x128xf32> to vector<400x4x128xf32>
    %mul3A_9 = arith.mulf %reshape3A, %mul3A : vector<400x4x128xf32>
    %reduce_sum3A = arith.constant dense<0.000000e+00> : vector<400x4xf32>
    %reduce_sum3A_10 = vector.multi_reduction <add>, %mul3A_9, %reduce_sum3A [2] : vector<400x4x128xf32> to vector<400x4xf32>
    %get3A_11 = arith.constant 0 : index
    %get3A_12 = arith.constant 0 : index
    %get3A_13 = vector.load %arg4[%get3A_11, %get3A_12] : memref<4x128xf32, #tpu.memory_space<vmem>>, vector<4x128xf32>
    %broadcast_in_dim3A_14 = vector.shape_cast %get3A_13 : vector<4x128xf32> to vector<1x4x128xf32>
    %mul3A_15 = vector.broadcast %broadcast_in_dim3A_14 : vector<1x4x128xf32> to vector<400x4x128xf32>
    %mul3A_16 = arith.mulf %reshape3A, %mul3A_15 : vector<400x4x128xf32>
    %reduce_sum3A_17 = arith.constant dense<0.000000e+00> : vector<400x4xf32>
    %reduce_sum3A_18 = vector.multi_reduction <add>, %mul3A_16, %reduce_sum3A_17 [2] : vector<400x4x128xf32> to vector<400x4xf32>
    %broadcast_in_dim3A_19 = arith.constant 0.000000e+00 : f32
    %broadcast_in_dim3A_20 = vector.broadcast %broadcast_in_dim3A_19 : f32 to vector<400x12xf32>
    %concatenate3A = tpu.concatenate %reduce_sum3A_10, %broadcast_in_dim3A_20 in 1 : vector<400x4xf32>, vector<400x12xf32> -> vector<400x16xf32>
    %concatenate3A_21 = tpu.concatenate %reduce_sum3A_18, %broadcast_in_dim3A_20 in 1 : vector<400x4xf32>, vector<400x12xf32> -> vector<400x16xf32>
    %add3A = arith.addf %concatenate3A, %concatenate3A_21 : vector<400x16xf32>
    %gt3A = arith.constant 0.000000e+00 : f32
    %gt3A_22 = vector.broadcast %gt3A : f32 to vector<400x16xf32>
    %gt3A_23 = arith.cmpf ogt, %add3A, %gt3A_22 : vector<400x16xf32>
    %mul3A_24 = arith.constant 2.000000e-01 : f32
    %mul3A_25 = vector.broadcast %mul3A_24 : f32 to vector<400x16xf32>
    %mul3A_26 = arith.mulf %mul3A_25, %add3A : vector<400x16xf32>
    %select_n3A = arith.select %gt3A_23, %add3A, %mul3A_26 : vector<400x16xi1>, vector<400x16xf32>
    %broadcast_in_dim3A_27 = arith.constant 0.000000e+00 : f32
    %broadcast_in_dim3A_28 = vector.broadcast %broadcast_in_dim3A_27 : f32 to vector<400x112xf32>
    %broadcast_in_dim3A_29 = arith.constant 0.000000e+00 : f32
    %broadcast_in_dim3A_30 = vector.broadcast %broadcast_in_dim3A_29 : f32 to vector<400x96xf32>
    %concatenate3A_31 = tpu.concatenate %concatenate3A, %broadcast_in_dim3A_28 in 1 : vector<400x16xf32>, vector<400x112xf32> -> vector<400x128xf32>
    %concatenate3A_32 = tpu.concatenate %concatenate3A_21, %select_n3A, %broadcast_in_dim3A_30 in 1 : vector<400x16xf32>, vector<400x16xf32>, vector<400x96xf32> -> vector<400x128xf32>
    %transpose3A = tpu.transpose %reshape3A, [1, 0, 2] : vector<400x4x128xf32> -> vector<4x400x128xf32>
    %swap3A = arith.constant 0 : index
    %swap3A_33 = arith.constant 0 : index
    %swap3A_34 = arith.constant 0 : index
    %swap3A_35 = vector.load %arg5[%swap3A, %swap3A_33, %swap3A_34] : memref<4x400x128xf32, #tpu.memory_space<vmem>>, vector<4x400x128xf32>
    tpu.vector_store %arg5[%swap3A, %swap3A_33, %swap3A_34], %transpose3A {strides = array<i32>} : memref<4x400x128xf32, #tpu.memory_space<vmem>>, vector<4x400x128xf32>,
    %swap3A_36 = arith.constant 0 : index
    %swap3A_37 = arith.constant 0 : index
    %swap3A_38 = vector.load %arg6[%swap3A_36, %swap3A_37] : memref<400x128xf32, #tpu.memory_space<vmem>>, vector<400x128xf32>
    tpu.vector_store %arg6[%swap3A_36, %swap3A_37], %concatenate3A_31 {strides = array<i32>} : memref<400x128xf32, #tpu.memory_space<vmem>>, vector<400x128xf32>,
    %swap3A_39 = arith.constant 0 : index
    %swap3A_40 = arith.constant 0 : index
    %swap3A_41 = vector.load %arg7[%swap3A_39, %swap3A_40] : memref<400x128xf32, #tpu.memory_space<vmem>>, vector<400x128xf32>
    tpu.vector_store %arg7[%swap3A_39, %swap3A_40], %concatenate3A_32 {strides = array<i32>} : memref<400x128xf32, #tpu.memory_space<vmem>>, vector<400x128xf32>,
    return
  }
  func.func @transform_0(%arg0: i32) -> (i32, i32) {
    %c0_i32 = arith.constant 0 : i32
    %c0_i32_0 = arith.constant 0 : i32
    return %arg0, %c0_i32 : i32, i32
  }
  func.func @transform_1(%arg0: i32) -> (i32, i32) {
    %c0_i32 = arith.constant 0 : i32
    %c0_i32_0 = arith.constant 0 : i32
    %c0_i32_1 = arith.constant 0 : i32
    return %c0_i32, %c0_i32_0 : i32, i32
  }
  func.func @transform_2(%arg0: i32) -> (i32, i32) {
    %c0_i32 = arith.constant 0 : i32
    %c0_i32_0 = arith.constant 0 : i32
    %c0_i32_1 = arith.constant 0 : i32
    return %c0_i32, %c0_i32_0 : i32, i32
  }
  func.func @transform_3(%arg0: i32) -> (i32, i32) {
    %c0_i32 = arith.constant 0 : i32
    %c0_i32_0 = arith.constant 0 : i32
    %c0_i32_1 = arith.constant 0 : i32
    return %c0_i32, %c0_i32_0 : i32, i32
  }
  func.func @transform_4(%arg0: i32) -> (i32, i32, i32) {
    %c0_i32 = arith.constant 0 : i32
    %c0_i32_0 = arith.constant 0 : i32
    %c0_i32_1 = arith.constant 0 : i32
    return %c0_i32, %arg0, %c0_i32_0 : i32, i32, i32
  }
  func.func @transform_5(%arg0: i32) -> (i32, i32) {
    %c0_i32 = arith.constant 0 : i32
    %c0_i32_0 = arith.constant 0 : i32
    return %arg0, %c0_i32 : i32, i32
  }
  func.func @transform_6(%arg0: i32) -> (i32, i32) {
    %c0_i32 = arith.constant 0 : i32
    %c0_i32_0 = arith.constant 0 : i32
    return %arg0, %c0_i32 : i32, i32
  }
}

module attributes {stable_mosaic.version = 14 : i64} {
  func.func @body(%arg0: i32, %arg1: memref<2x4x400x128xf32, #tpu.memory_space<vmem>>, %arg2: memref<2x400x128xf32, #tpu.memory_space<vmem>>, %arg3: memref<1x512xf32, #tpu.memory_space<vmem>>, %arg4: memref<512x128xf32, #tpu.memory_space<vmem>>, %arg5: memref<1x128xf32, #tpu.memory_space<vmem>>, %arg6: memref<1x128xf32, #tpu.memory_space<vmem>>, %arg7: memref<1x400x128xf32, #tpu.memory_space<vmem>>, %arg8: memref<400x128xf32, #tpu.memory_space<vmem>>, %arg9: memref<400x128xf32, #tpu.memory_space<vmem>>) attributes {dimension_semantics = [#tpu.dimension_semantics<arbitrary>], iteration_bounds = array<i64: 25>, scalar_prefetch = 0 : i64, scratch_operands = 0 : i64, tpu.core_type = #tpu.core_type<tc>, window_params = [{transform_indices = @transform_0, window_bounds = array<i64: 2, 4, 400, 128>}, {transform_indices = @transform_1, window_bounds = array<i64: 2, 400, 128>}, {pipeline_mode = #tpu.pipeline_mode<synchronous>, transform_indices = @transform_2, window_bounds = array<i64: 1, 512>}, {pipeline_mode = #tpu.pipeline_mode<synchronous>, transform_indices = @transform_3, window_bounds = array<i64: 512, 128>}, {pipeline_mode = #tpu.pipeline_mode<synchronous>, transform_indices = @transform_4, window_bounds = array<i64: 1, 128>}, {pipeline_mode = #tpu.pipeline_mode<synchronous>, transform_indices = @transform_5, window_bounds = array<i64: 1, 128>}, {transform_indices = @transform_6, window_bounds = array<i64: 1, 400, 128>}, {transform_indices = @transform_7, window_bounds = array<i64: 400, 128>}, {transform_indices = @transform_8, window_bounds = array<i64: 400, 128>}]} {
    %get3A = arith.constant 0 : index
    %get3A_0 = arith.constant 0 : index
    %get3A_1 = arith.constant 0 : index
    %get3A_2 = arith.constant 0 : index
    %get3A_3 = vector.load %arg1[%get3A, %get3A_0, %get3A_1, %get3A_2] : memref<2x4x400x128xf32, #tpu.memory_space<vmem>>, vector<2x4x400x128xf32>
    %reduce_sum3A = arith.constant dense<0.000000e+00> : vector<4x400x128xf32>
    %reduce_sum3A_4 = vector.multi_reduction <add>, %get3A_3, %reduce_sum3A [0] : vector<2x4x400x128xf32> to vector<4x400x128xf32>
    %get3A_5 = arith.constant 0 : index
    %get3A_6 = arith.constant 0 : index
    %get3A_7 = arith.constant 0 : index
    %get3A_8 = vector.load %arg2[%get3A_5, %get3A_6, %get3A_7] : memref<2x400x128xf32, #tpu.memory_space<vmem>>, vector<2x400x128xf32>
    %reduce_sum3A_9 = arith.constant dense<0.000000e+00> : vector<400x128xf32>
    %reduce_sum3A_10 = vector.multi_reduction <add>, %get3A_8, %reduce_sum3A_9 [0] : vector<2x400x128xf32> to vector<400x128xf32>
    %slice3A = vector.extract_strided_slice %reduce_sum3A_10 {offsets = [0, 0], sizes = [400, 4], strides = [1, 1]} : vector<400x128xf32> to vector<400x4xf32>
    %add3A = arith.constant 9.99999971E-10 : f32
    %add3A_11 = vector.broadcast %add3A : f32 to vector<400x4xf32>
    %add3A_12 = arith.addf %slice3A, %add3A_11 : vector<400x4xf32>
    %transpose3A = tpu.transpose %reduce_sum3A_4, [1, 0, 2] : vector<4x400x128xf32> -> vector<400x4x128xf32>
    %broadcast_in_dim3A = vector.shape_cast %add3A_12 : vector<400x4xf32> to vector<400x4x1xf32>
    %div3A = vector.broadcast %broadcast_in_dim3A : vector<400x4x1xf32> to vector<400x4x128xf32>
    %div3A_13 = arith.divf %transpose3A, %div3A : vector<400x4x128xf32>
    %reshape3A = vector.shape_cast %div3A_13 : vector<400x4x128xf32> to vector<400x512xf32>
    %get3A_14 = arith.constant 0 : index
    %get3A_15 = arith.constant 0 : index
    %get3A_16 = vector.load %arg3[%get3A_14, %get3A_15] : memref<1x512xf32, #tpu.memory_space<vmem>>, vector<1x512xf32>
    %add3A_17 = vector.broadcast %get3A_16 : vector<1x512xf32> to vector<400x512xf32>
    %add3A_18 = arith.addf %reshape3A, %add3A_17 : vector<400x512xf32>
    %get3A_19 = arith.constant 0 : index
    %get3A_20 = arith.constant 0 : index
    %get3A_21 = vector.load %arg4[%get3A_19, %get3A_20] : memref<512x128xf32, #tpu.memory_space<vmem>>, vector<512x128xf32>
    %dot_general3A = arith.constant dense<0.000000e+00> : vector<400x128xf32>
    %dot_general3A_22 = tpu.matmul %add3A_18, %get3A_21, %dot_general3A {dimension_numbers = #tpu.dot_dimension_numbers<[1], [0], [0], [1], [0, 0, 1, 1], [], []>, transpose_lhs_hint = false} : vector<400x512xf32>, vector<512x128xf32>, vector<400x128xf32> -> vector<400x128xf32>
    %reshape3A_23 = vector.shape_cast %dot_general3A_22 : vector<400x128xf32> to vector<400x1x128xf32>
    %get3A_24 = arith.constant 0 : index
    %get3A_25 = arith.constant 0 : index
    %get3A_26 = vector.load %arg5[%get3A_24, %get3A_25] : memref<1x128xf32, #tpu.memory_space<vmem>>, vector<1x128xf32>
    %broadcast_in_dim3A_27 = vector.shape_cast %get3A_26 : vector<1x128xf32> to vector<1x1x128xf32>
    %mul3A = vector.broadcast %broadcast_in_dim3A_27 : vector<1x1x128xf32> to vector<400x1x128xf32>
    %mul3A_28 = arith.mulf %reshape3A_23, %mul3A : vector<400x1x128xf32>
    %reduce_sum3A_29 = arith.constant dense<0.000000e+00> : vector<400x1xf32>
    %reduce_sum3A_30 = vector.multi_reduction <add>, %mul3A_28, %reduce_sum3A_29 [2] : vector<400x1x128xf32> to vector<400x1xf32>
    %get3A_31 = arith.constant 0 : index
    %get3A_32 = arith.constant 0 : index
    %get3A_33 = vector.load %arg6[%get3A_31, %get3A_32] : memref<1x128xf32, #tpu.memory_space<vmem>>, vector<1x128xf32>
    %broadcast_in_dim3A_34 = vector.shape_cast %get3A_33 : vector<1x128xf32> to vector<1x1x128xf32>
    %mul3A_35 = vector.broadcast %broadcast_in_dim3A_34 : vector<1x1x128xf32> to vector<400x1x128xf32>
    %mul3A_36 = arith.mulf %reshape3A_23, %mul3A_35 : vector<400x1x128xf32>
    %reduce_sum3A_37 = arith.constant dense<0.000000e+00> : vector<400x1xf32>
    %reduce_sum3A_38 = vector.multi_reduction <add>, %mul3A_36, %reduce_sum3A_37 [2] : vector<400x1x128xf32> to vector<400x1xf32>
    %broadcast_in_dim3A_39 = arith.constant 0.000000e+00 : f32
    %broadcast_in_dim3A_40 = vector.broadcast %broadcast_in_dim3A_39 : f32 to vector<400x15xf32>
    %concatenate3A = tpu.concatenate %reduce_sum3A_30, %broadcast_in_dim3A_40 in 1 : vector<400x1xf32>, vector<400x15xf32> -> vector<400x16xf32>
    %concatenate3A_41 = tpu.concatenate %reduce_sum3A_38, %broadcast_in_dim3A_40 in 1 : vector<400x1xf32>, vector<400x15xf32> -> vector<400x16xf32>
    %add3A_42 = arith.addf %concatenate3A, %concatenate3A_41 : vector<400x16xf32>
    %gt3A = arith.constant 0.000000e+00 : f32
    %gt3A_43 = vector.broadcast %gt3A : f32 to vector<400x16xf32>
    %gt3A_44 = arith.cmpf ogt, %add3A_42, %gt3A_43 : vector<400x16xf32>
    %mul3A_45 = arith.constant 2.000000e-01 : f32
    %mul3A_46 = vector.broadcast %mul3A_45 : f32 to vector<400x16xf32>
    %mul3A_47 = arith.mulf %mul3A_46, %add3A_42 : vector<400x16xf32>
    %select_n3A = arith.select %gt3A_44, %add3A_42, %mul3A_47 : vector<400x16xi1>, vector<400x16xf32>
    %broadcast_in_dim3A_48 = arith.constant 0.000000e+00 : f32
    %broadcast_in_dim3A_49 = vector.broadcast %broadcast_in_dim3A_48 : f32 to vector<400x112xf32>
    %broadcast_in_dim3A_50 = arith.constant 0.000000e+00 : f32
    %broadcast_in_dim3A_51 = vector.broadcast %broadcast_in_dim3A_50 : f32 to vector<400x96xf32>
    %concatenate3A_52 = tpu.concatenate %concatenate3A, %broadcast_in_dim3A_49 in 1 : vector<400x16xf32>, vector<400x112xf32> -> vector<400x128xf32>
    %concatenate3A_53 = tpu.concatenate %concatenate3A_41, %select_n3A, %broadcast_in_dim3A_51 in 1 : vector<400x16xf32>, vector<400x16xf32>, vector<400x96xf32> -> vector<400x128xf32>
    %transpose3A_54 = tpu.transpose %reshape3A_23, [1, 0, 2] : vector<400x1x128xf32> -> vector<1x400x128xf32>
    %swap3A = arith.constant 0 : index
    %swap3A_55 = arith.constant 0 : index
    %swap3A_56 = arith.constant 0 : index
    %swap3A_57 = vector.load %arg7[%swap3A, %swap3A_55, %swap3A_56] : memref<1x400x128xf32, #tpu.memory_space<vmem>>, vector<1x400x128xf32>
    tpu.vector_store %arg7[%swap3A, %swap3A_55, %swap3A_56], %transpose3A_54 {strides = array<i32>} : memref<1x400x128xf32, #tpu.memory_space<vmem>>, vector<1x400x128xf32>,
    %swap3A_58 = arith.constant 0 : index
    %swap3A_59 = arith.constant 0 : index
    %swap3A_60 = vector.load %arg8[%swap3A_58, %swap3A_59] : memref<400x128xf32, #tpu.memory_space<vmem>>, vector<400x128xf32>
    tpu.vector_store %arg8[%swap3A_58, %swap3A_59], %concatenate3A_52 {strides = array<i32>} : memref<400x128xf32, #tpu.memory_space<vmem>>, vector<400x128xf32>,
    %swap3A_61 = arith.constant 0 : index
    %swap3A_62 = arith.constant 0 : index
    %swap3A_63 = vector.load %arg9[%swap3A_61, %swap3A_62] : memref<400x128xf32, #tpu.memory_space<vmem>>, vector<400x128xf32>
    tpu.vector_store %arg9[%swap3A_61, %swap3A_62], %concatenate3A_53 {strides = array<i32>} : memref<400x128xf32, #tpu.memory_space<vmem>>, vector<400x128xf32>,
    return
  }
  func.func @transform_0(%arg0: i32) -> (i32, i32, i32, i32) {
    %c0_i32 = arith.constant 0 : i32
    %c0_i32_0 = arith.constant 0 : i32
    %c0_i32_1 = arith.constant 0 : i32
    %c0_i32_2 = arith.constant 0 : i32
    return %c0_i32, %c0_i32_0, %arg0, %c0_i32_1 : i32, i32, i32, i32
  }
  func.func @transform_1(%arg0: i32) -> (i32, i32, i32) {
    %c0_i32 = arith.constant 0 : i32
    %c0_i32_0 = arith.constant 0 : i32
    %c0_i32_1 = arith.constant 0 : i32
    return %c0_i32, %arg0, %c0_i32_0 : i32, i32, i32
  }
  func.func @transform_2(%arg0: i32) -> (i32, i32) {
    %c0_i32 = arith.constant 0 : i32
    %c0_i32_0 = arith.constant 0 : i32
    %c0_i32_1 = arith.constant 0 : i32
    return %c0_i32, %c0_i32_0 : i32, i32
  }
  func.func @transform_3(%arg0: i32) -> (i32, i32) {
    %c0_i32 = arith.constant 0 : i32
    %c0_i32_0 = arith.constant 0 : i32
    %c0_i32_1 = arith.constant 0 : i32
    return %c0_i32, %c0_i32_0 : i32, i32
  }
  func.func @transform_4(%arg0: i32) -> (i32, i32) {
    %c0_i32 = arith.constant 0 : i32
    %c0_i32_0 = arith.constant 0 : i32
    %c0_i32_1 = arith.constant 0 : i32
    return %c0_i32, %c0_i32_0 : i32, i32
  }
  func.func @transform_5(%arg0: i32) -> (i32, i32) {
    %c0_i32 = arith.constant 0 : i32
    %c0_i32_0 = arith.constant 0 : i32
    %c0_i32_1 = arith.constant 0 : i32
    return %c0_i32, %c0_i32_0 : i32, i32
  }
  func.func @transform_6(%arg0: i32) -> (i32, i32, i32) {
    %c0_i32 = arith.constant 0 : i32
    %c0_i32_0 = arith.constant 0 : i32
    %c0_i32_1 = arith.constant 0 : i32
    return %c0_i32, %arg0, %c0_i32_0 : i32, i32, i32
  }
  func.func @transform_7(%arg0: i32) -> (i32, i32) {
    %c0_i32 = arith.constant 0 : i32
    %c0_i32_0 = arith.constant 0 : i32
    return %arg0, %c0_i32 : i32, i32
  }
  func.func @transform_8(%arg0: i32) -> (i32, i32) {
    %c0_i32 = arith.constant 0 : i32
    %c0_i32_0 = arith.constant 0 : i32
    return %arg0, %c0_i32 : i32, i32
  }
}

module attributes {stable_mosaic.version = 14 : i64} {
  func.func @body(%arg0: i32, %arg1: memref<2x1x400x128xf32, #tpu.memory_space<vmem>>, %arg2: memref<2x400x128xf32, #tpu.memory_space<vmem>>, %arg3: memref<1x128xf32, #tpu.memory_space<vmem>>, %arg4: memref<400x128xf32, #tpu.memory_space<vmem>>) attributes {dimension_semantics = [#tpu.dimension_semantics<arbitrary>], iteration_bounds = array<i64: 25>, scalar_prefetch = 0 : i64, scratch_operands = 0 : i64, tpu.core_type = #tpu.core_type<tc>, window_params = [{transform_indices = @transform_0, window_bounds = array<i64: 2, 1, 400, 128>}, {transform_indices = @transform_1, window_bounds = array<i64: 2, 400, 128>}, {pipeline_mode = #tpu.pipeline_mode<synchronous>, transform_indices = @transform_2, window_bounds = array<i64: 1, 128>}, {transform_indices = @transform_3, window_bounds = array<i64: 400, 128>}]} {
    %get3A = arith.constant 0 : index
    %get3A_0 = arith.constant 0 : index
    %get3A_1 = arith.constant 0 : index
    %get3A_2 = arith.constant 0 : index
    %get3A_3 = vector.load %arg1[%get3A, %get3A_0, %get3A_1, %get3A_2] : memref<2x1x400x128xf32, #tpu.memory_space<vmem>>, vector<2x1x400x128xf32>
    %reduce_sum3A = arith.constant dense<0.000000e+00> : vector<1x400x128xf32>
    %reduce_sum3A_4 = vector.multi_reduction <add>, %get3A_3, %reduce_sum3A [0] : vector<2x1x400x128xf32> to vector<1x400x128xf32>
    %squeeze3A = vector.shape_cast %reduce_sum3A_4 : vector<1x400x128xf32> to vector<400x128xf32>
    %get3A_5 = arith.constant 0 : index
    %get3A_6 = arith.constant 0 : index
    %get3A_7 = arith.constant 0 : index
    %get3A_8 = vector.load %arg2[%get3A_5, %get3A_6, %get3A_7] : memref<2x400x128xf32, #tpu.memory_space<vmem>>, vector<2x400x128xf32>
    %reduce_sum3A_9 = arith.constant dense<0.000000e+00> : vector<400x128xf32>
    %reduce_sum3A_10 = vector.multi_reduction <add>, %get3A_8, %reduce_sum3A_9 [0] : vector<2x400x128xf32> to vector<400x128xf32>
    %slice3A = vector.extract_strided_slice %reduce_sum3A_10 {offsets = [0, 0], sizes = [400, 1], strides = [1, 1]} : vector<400x128xf32> to vector<400x1xf32>
    %add3A = arith.constant 9.99999971E-10 : f32
    %add3A_11 = vector.broadcast %add3A : f32 to vector<400x1xf32>
    %add3A_12 = arith.addf %slice3A, %add3A_11 : vector<400x1xf32>
    %div3A = vector.broadcast %add3A_12 : vector<400x1xf32> to vector<400x128xf32>
    %div3A_13 = arith.divf %squeeze3A, %div3A : vector<400x128xf32>
    %get3A_14 = arith.constant 0 : index
    %get3A_15 = arith.constant 0 : index
    %get3A_16 = vector.load %arg3[%get3A_14, %get3A_15] : memref<1x128xf32, #tpu.memory_space<vmem>>, vector<1x128xf32>
    %add3A_17 = vector.broadcast %get3A_16 : vector<1x128xf32> to vector<400x128xf32>
    %add3A_18 = arith.addf %div3A_13, %add3A_17 : vector<400x128xf32>
    %swap3A = arith.constant 0 : index
    %swap3A_19 = arith.constant 0 : index
    %swap3A_20 = vector.load %arg4[%swap3A, %swap3A_19] : memref<400x128xf32, #tpu.memory_space<vmem>>, vector<400x128xf32>
    tpu.vector_store %arg4[%swap3A, %swap3A_19], %add3A_18 {strides = array<i32>} : memref<400x128xf32, #tpu.memory_space<vmem>>, vector<400x128xf32>,
    return
  }
  func.func @transform_0(%arg0: i32) -> (i32, i32, i32, i32) {
    %c0_i32 = arith.constant 0 : i32
    %c0_i32_0 = arith.constant 0 : i32
    %c0_i32_1 = arith.constant 0 : i32
    %c0_i32_2 = arith.constant 0 : i32
    return %c0_i32, %c0_i32_0, %arg0, %c0_i32_1 : i32, i32, i32, i32
  }
  func.func @transform_1(%arg0: i32) -> (i32, i32, i32) {
    %c0_i32 = arith.constant 0 : i32
    %c0_i32_0 = arith.constant 0 : i32
    %c0_i32_1 = arith.constant 0 : i32
    return %c0_i32, %arg0, %c0_i32_0 : i32, i32, i32
  }
  func.func @transform_2(%arg0: i32) -> (i32, i32) {
    %c0_i32 = arith.constant 0 : i32
    %c0_i32_0 = arith.constant 0 : i32
    %c0_i32_1 = arith.constant 0 : i32
    return %c0_i32, %c0_i32_0 : i32, i32
  }
  func.func @transform_3(%arg0: i32) -> (i32, i32) {
    %c0_i32 = arith.constant 0 : i32
    %c0_i32_0 = arith.constant 0 : i32
    return %arg0, %c0_i32 : i32, i32
  }
}

</mosaic_0001>

<sc_bundles>
// kernel: kernel.10.cloned.1.call-start
scs
__scs_entry_jumppad:
0x0: {  	(pc) =	sbr.rel $0x88, $3  }
0x1: {  	(tag) =	ssettag $0x0;
	lr =	simm.s32 $0x1  }
0x2: {  	[smem:$0x3F97] =	sst lr;
	_ =	strace $0xD0000000  }
0x3: {  	_ = 	snop  }
0x4: {  	_ = 	snop  }
0x5: {  	_ = 	snop  }
0x6: {  	_ = 	snop  }
0x7: {  	_ = 	snop  }
__scs_overlays_trampoline_lowered:
0x8: {  	[smem:$0x3FA6] =	sst s0  }
0x9: {  	[smem:$0x3FA7] =	sst s1  }
0xa: {  	[smem:$0x3FA8] =	sst s2  }
0xb: {  	[smem:$0x3FA9] =	sst s3  }
0xc: {  	[smem:$0x3FAA] =	sst s4  }
0xd: {  	[smem:$0x3FAB] =	sst s5  }
0xe: {  	[smem:$0x3FAC] =	sst s6  }
0xf: {  	[smem:$0x3FAD] =	sst s7  }
0x10: {  	[smem:$0x3FAE] =	sst s8  }
0x11: {  	[smem:$0x3FAF] =	sst s9;
	s0 =	simm.s32 @!p0 $0x0  }
0x12: {  	s1 =	sld [smem:$0x3F95];
	s0 =	simm.s32 @p0 $0x1  }
0x13: {  	[smem:$0x3FB0] =	sst s0;
	s0 =	simm.s32 @!p1 $0x0  }
0x14: {  	s2 =	sld [smem:$0x3F94];
	s0 =	simm.s32 @p1 $0x1  }
0x15: {  	[smem:$0x3FB1] =	sst s0;
	s0 =	simm.s32 @!p2 $0x0  }
0x16: {  	s3 =	sld [smem:$0x3FDB];
	s0 =	simm.s32 @p2 $0x1  }
0x17: {  	s4 =	simm.s32 $0x1BF5;
	[smem:$0x3FB3] =	sst s0  }
0x18: {  	s0 =	sld [smem:$0x3F96];
	_ =	swait.ge [sflag:s4], $0x0  }
0x19: {  	s7 =	sld [smem:$0x3F97]  }
0x1a: {  	s8 =	sadd.s32 $0xFFFFE003, lr  }
0x1b: {  	s9 =	sadd.s32 $0xFFFFFEF7, lr;
	s5 =	simm.s32 $0xFFFFFFFF;
	p2 =	slt.u32 s8, $0xFFFFF086  }
0x1c: {  	p1 =	slt.u32 s9, $0xF7A;
	s5 =	simm.s32 @!p2 $0x0  }
0x1d: {  	s5 =	simm.s32 @p1 $0x1;
	p0 =	seq.s32 s7, s2  }
0x1e: {  	s7 =	smul.u32 @!p0 $0xF7A, s2;
	p2 =	seq.s32 @!p0 s5, $0x0  }
0x1f: {  	s9 =	smul.u32 $0xF7A, s1;
	s8 =	simm.s32 @!p0 $0x1BF5;
	p2 =	por !p2, p0  }
0x20: {  	[sflag:s8] =	ssyncset.s32 @!p0 $0xFFFFF086;
	s6 =	sadd.s32 @!p0 s3, s7;
	s7 =	simm.s32 @!p0 $0x108  }
0x21: {  	s3 =	sadd.s32 s3, s9;
	s6 =	sadd.s32 @!p0 $0x88, s6;
	s7 =	simm.s32 @p2 $0x1082  }
0x22: {  	[simem:s7], [sflag:s8] =	dma.local @!p0 [hbm:s6], $0xF7A  }
0x23: {  	s9 =	sor.u32 $0xD0000000, s2;
	s6 =	simm.s32 $0x108;
	_ =	swait.ge @!p0 [sflag:s8], $0x0  }
0x24: {  	s3 =	sadd.s32 $0x88, s3;
	s6 =	simm.s32 @!p1 $0x1082;
	[sflag:s4] =	ssyncset.s32 $0xFFFFF086  }
0x25: {  	[simem:s6], [sflag:s4] =	dma.local [hbm:s3], $0xF7A  }
0x26: {  	[smem:$0x3F97] =	sst s1;
	(tag) =	ssettag s2;
	_ =	strace s9  }
0x27: {  	s1 =	sld [smem:$0x3FA7]  }
0x28: {  	s2 =	sld [smem:$0x3FA8]  }
0x29: {  	s4 =	sld [smem:$0x3FAA]  }
0x2a: {  	p0 =	seq.s32 s5, $0x0;
	s5 =	sld [smem:$0x3FAB]  }
0x2b: {  	s6 =	sld [smem:$0x3FAC]  }
0x2c: {  	s7 =	sld [smem:$0x3FAD]  }
0x2d: {  	s3 =	simm.s32 $0x108;
	s8 =	sld [smem:$0x3FAE]  }
0x2e: {  	s3 =	simm.s32 @!p0 $0x1082;
	s9 =	sld [smem:$0x3FAF]  }
0x2f: {  	lr =	sadd.s32 s0, s3;
	s0 =	sld [smem:$0x3FA6]  }
0x30: {  	s3 =	sld [smem:$0x3FA9]  }
0x31: {  	[smem:$0x3FB2] =	sst s10  }
0x32: {  	s10 =	sld [smem:$0x3FB0];
	_ =	sdelay $0x3  }
0x33: {  	p0 =	seq.s32 s10, $0x1;
	s10 =	sld [smem:$0x3FB2];
	_ =	sdelay $0x3  }
0x34: {  	[smem:$0x3FB2] =	sst s10  }
0x35: {  	s10 =	sld [smem:$0x3FB1];
	_ =	sdelay $0x3  }
0x36: {  	p1 =	seq.s32 s10, $0x1;
	s10 =	sld [smem:$0x3FB2];
	_ =	sdelay $0x3  }
0x37: {  	[smem:$0x3FB2] =	sst s10  }
0x38: {  	s10 =	sld [smem:$0x3FB3]  }
0x39: {  	_ = 	snop;
	(pc) =	sbr.ind lr, $3  }
0x3a: {  	_ = 	snop  }
0x3b: {  	_ = 	snop  }
0x3c: {  	p2 =	seq.s32 s10, $0x1;
	s10 =	sld [smem:$0x3FB2]  }
0x3d: {  	_ =	shalt  }
0x3e: {  	_ =	shalt  }
0x3f: {  	_ =	shalt  }
0x40: {  	_ =	shalt  }
0x41: {  	_ =	shalt  }
0x42: {  	_ =	shalt  }
0x43: {  	_ =	shalt  }
0x44: {  	_ =	shalt  }
0x45: {  	_ =	shalt  }
0x46: {  	_ =	shalt  }
0x47: {  	_ =	shalt  }
0x48: {  	_ =	shalt  }
0x49: {  	_ =	shalt  }
0x4a: {  	_ =	shalt  }
0x4b: {  	_ =	shalt  }
0x4c: {  	_ =	shalt  }
0x4d: {  	_ =	shalt  }
0x4e: {  	_ =	shalt  }
0x4f: {  	_ =	shalt  }
0x50: {  	_ =	shalt  }
0x51: {  	_ =	shalt  }
0x52: {  	_ =	shalt  }
0x53: {  	_ =	shalt  }
0x54: {  	_ =	shalt  }
0x55: {  	_ =	shalt  }
0x56: {  	_ =	shalt  }
0x57: {  	_ =	shalt  }
0x58: {  	_ =	shalt  }
0x59: {  	_ =	shalt  }
0x5a: {  	_ =	shalt  }
0x5b: {  	_ =	shalt  }
0x5c: {  	_ =	shalt  }
0x5d: {  	_ =	shalt  }
0x5e: {  	_ =	shalt  }
0x5f: {  	_ =	shalt  }
0x60: {  	_ =	shalt  }
0x61: {  	_ =	shalt  }
0x62: {  	_ =	shalt  }
0x63: {  	_ =	shalt  }
0x64: {  	_ =	shalt  }
0x65: {  	_ =	shalt  }
0x66: {  	_ =	shalt  }
0x67: {  	_ =	shalt  }
0x68: {  	_ =	shalt  }
0x69: {  	_ =	shalt  }
0x6a: {  	_ =	shalt  }
0x6b: {  	_ =	shalt  }
0x6c: {  	_ =	shalt  }
0x6d: {  	_ =	shalt  }
0x6e: {  	_ =	shalt  }
0x6f: {  	_ =	shalt  }
0x70: {  	_ =	shalt  }
0x71: {  	_ =	shalt  }
0x72: {  	_ =	shalt  }
0x73: {  	_ =	shalt  }
0x74: {  	_ =	shalt  }
0x75: {  	_ =	shalt  }
0x76: {  	_ =	shalt  }
0x77: {  	_ =	shalt  }
0x78: {  	_ =	shalt  }
0x79: {  	_ =	shalt  }
0x7a: {  	_ =	shalt  }
0x7b: {  	_ =	shalt  }
0x7c: {  	_ =	shalt  }
0x7d: {  	_ =	shalt  }
0x7e: {  	_ =	shalt  }
0x7f: {  	_ =	shalt  }
0x80: {  	_ =	shalt  }
0x81: {  	_ =	shalt  }
0x82: {  	_ =	shalt  }
0x83: {  	_ =	shalt  }
0x84: {  	_ =	shalt  }
0x85: {  	_ =	shalt  }
0x86: {  	_ =	shalt  }
0x87: {  	_ =	shalt  }
.Lfunc_end0:
.L_simem_size_0:
called_computation.1_lowered:
.L_overlay_start_0:
0x88: {  	s2 =	sld [smem:$0x3FD9]  }
0x89: {  	s3 =	sld [smem:$0x3FFE];
	_ =	sdelay $0x1  }
0x8a: {  	s1 =	srdreg.scid  }
0x8b: {  	s0 =	sand.u32 $0x1, s1  }
0x8c: {  	s17 =	sshll.u32 s0, $0xA;
	s2 =	sadd.s32 s3, s2  }
0x8d: {  	s2 =	sadd.s32 s2, s17  }
0x8e: {  	[smem:$0x3FBE] =	sst s2  }
0x8f: {  	_ = 	snop  }
0x90: {  	s2 =	sld [smem:$0x3FD0];
	(tm) =	ssettm $0x1  }
0x91: {  	s18 =	sld [smem:$0x3FFB];
	_ =	sdelay $0x3  }
0x92: {  	_ =	strace s18  }
0x93: {  	s3 =	sld [smem:$0x3FFC];
	_ =	sdelay $0x3  }
0x94: {  	_ =	strace s3  }
0x95: {  	s3 =	sld [smem:$0x3FFD];
	_ =	sdelay $0x3  }
0x96: {  	_ =	strace s3  }
0x97: {  	_ =	strace $0x8FFFFFFF  }
0x98: {  	s19 =	sld [smem:$0x3FDB];
	_ =	sdelay $0x1  }
0x99: {  	s4 =	simm.s32 $_scs_section_size  }
0x9a: {  	s5 =	simm.s32 $_size__tile_overlayer_lowered;
	s6 =	simm.s32 $_tile_overlayer_lowered  }
0x9b: {  	s22 =	simm.s32 $0x1BFF;
	s21 =	sshll.u32 s6, $0x1;
	s3 =	sadd.s32 s4, s19  }
0x9c: {  	s7 =	simm.s32 $0x0;
	s20 =	sshll.u32 s5, $0x1;
	s5 =	sadd.s32 s21, s3  }
0x9d: {  	[timem:s7], [sflag:s22] =	dma.local [hbm:s5], s20  }
0x9e: {  	_ =	swait.ge [sflag:s22], s20  }
0x9f: {  	s4 =	ssub.s32 $0x0, s20;
	[sflag:s22] =	ssyncset.done $0x0  }
0xa0: {  	[sflag:s22] =	ssyncadd.s32 s4;
	_ =	sdelay $0x1  }
0xa1: {  	s23 =	simm.s32 $0x1B8B  }
0xa2: {  	_ =	swait.ge [sflag:s23], $0x1  }
0xa3: {  	[sflag:s23] =	ssyncset.done $0x0  }
0xa4: {  	s25 =	simm.s32 $0x1B8E;
	s24 =	sld [smem:$0x3FFE];
	[sflag:s23] =	ssyncadd.s32 $0xFFFFFFFF  }
0xa5: {  	s26 =	simm.s32 $execute0_lowered;
	[smem:$0x3FD2] =	sst s25  }
0xa6: {  	s5 =	sshll.u32 s26, $0x1;
	_ =	strace $0x80000049;
	[dreg:$0x1] =	wrdreg $0xFFFFFFFF  }
0xa7: {  	s28 =	simm.s32 $_size_execute0_lowered;
	s3 =	sadd.s32 s3, s5;
	[dreg:$0x0] =	wrdreg $0x0  }
0xa8: {  	s5 =	sshll.u32 s28, $0x1;
	[dreg:$0x2] =	wrdreg s3  }
0xa9: {  	[dreg:$0x3] =	wrdreg s5  }
0xaa: {  	[dreg:$0x4] =	wrdreg $0xC0  }
0xab: {  	_ =	task [dreg:s7], $0x5FFFF  }
0xac: {  	[dreg:$0x1] =	wrdreg $0xFFFFFFFF  }
0xad: {  	[dreg:$0x0] =	wrdreg $0x60  }
0xae: {  	[dreg:$0x2] =	wrdreg s24  }
0xaf: {  	[dreg:$0x3] =	wrdreg s2  }
0xb0: {  	[dreg:$0x4] =	wrdreg $0xC1000  }
0xb1: {  	[dreg:$0x5] =	wrdreg $0x9  }
0xb2: {  	_ =	task.clear_ibuf [dreg:s7], $0x6FFFF;
	_ =	strace $0x90000049  }
0xb3: {  	s29 =	simm.s32 $0x9;
	_ =	strace $0x8000004B  }
0xb4: {  	_ =	swait.ge [sflag:s29], $0x1  }
0xb5: {  	[sflag:s29] =	ssyncadd.s32 $0xFFFFFFFF  }
0xb6: {  	_ =	strace $0x9000004B  }
0xb7: {  	_ =	sfence  }
0xb8: {  	s30 =	sld [smem:$0x0];
	_ =	sdelay $0x2  }
0xb9: {  	s31 =	sshll.u32 s1, $0xD;
	s1 =	sshrl.u32 s1, $0x2  }
0xba: {  	s3 =	sand.u32 $0x4000, s31;
	s1 =	sadd.s32 s1, s30  }
0xbb: {  	s0 =	sor.u32 s3, s0;
	s1 =	sshll.u32 s1, $0x11  }
0xbc: {  	s0 =	sor.u32 s1, s0  }
0xbd: {  	s0 =	sadd.s32 $0x8F2B, s0  }
0xbe: {  	[sflag:s0] =	ssyncadd.remote.s32 $0x1  }
0xbf: {  	_ =	sfence.sel $0xFFFF  }
0xc0: {  	[dreg:$0x0] =	wrdreg $0xFFFFFFFF;
	(pc) =	sbr.abs _section_cstart, $3  }
0xc1: {  	[dreg:$0x1] =	wrdreg $0xFFFFFFFF  }
0xc2: {  	_ =	task.clear_ibuf [dreg:s7], $0x2FFFF;
	_ =	strace $0x9FFFFFFF  }
0xc3: {  	(tm) =	ssettm $0x7FFFFFFF  }
tec
execute0_lowered:
.L_overlay_start_1:
0x0: {  	(tag) =	ssettag $0x1  }
0x1: {  	s0 =	rddreg [dreg:$0x0]  }
0x2: {  	s1 =	rddreg [dreg:$0x1]  }
0x3: {  	s2 =	rddreg [dreg:$0x2];
	s3 =	simm.s32 $0x0  }
0x4: {  	s4 =	srdreg.scid;
	s16 =	stileid.u32;
	s17 =	simm.s32 $0x80  }
0x5: {  	s18 =	simm.s32 $0x100;
	s19 =	simm.s32 $0x4100;
	s20 =	simm.s32 $0x1  }
0x6: {  	s21 =	simm.s32 $0x2;
	s22 =	simm.s32 $0x8100;
	[smem:$0x7FF] =	sst s3  }
0x7: {  	s6 =	sand.u32 $0x1, s4;
	s4 =	sadd.s32 $0xD800, s0;
	s14 =	smul.u32 $0x4F000, s16  }
0x8: {  	s5 =	sadd.s32 $0x3600, s0;
	s7 =	sadd.s32 $0x41400, s0;
	s31 =	smul.u32 $0x2880, s16  }
0x9: {  	s8 =	sadd.s32 $0x1A200, s0;
	s9 =	sadd.s32 $0x17A00, s0;
	s24 =	smul.u32 $0x2780, s16  }
0xa: {  	s30 =	sshll.u32 s16, $0x6;
	_ =	strace $0x8000004A;
	s10 =	smul.u32 $0x27800, s6  }
0xb: {  	s11 =	ssub.s32 $0x2, s6;
	s12 =	sshll.u32 s6, $0x4;
	s6 =	smul.u32 $0x28800, s6  }
0xc: {  	s29 =	sshrl.u32 s11, $0x1;
	s12 =	sor.u32 s16, s12;
	s14 =	sshrl.u32 s14, $0x2  }
0xd: {  	s16 =	simm.s32 $0x3;
	s13 =	sadd.s32 s10, s0;
	s10 =	sadd.s32 $0x68600, s0  }
0xe: {  	s0 =	ssub.s32 s11, s29;
	s11 =	smul.u32 $0x2880, s12;
	s15 =	sadd.s32 s14, s2  }
0xf: {  	s12 =	sor.u32 $0x1C03, s30;
	s14 =	sadd.s32 s31, s6;
	s23 =	sadd.s32 $0x578600, s13  }
0x10: {  	s25 =	sadd.s32 $0x5C7600, s13;
	s13 =	smax.u32 s0, $0x1;
	s15 =	sshrl.u32 s15, $0x3  }
0x11: {  	s23 =	sadd.s32 s24, s23;
	s24 =	sadd.s32 s24, s25;
	s25 =	simm.s32 $0x0  }
.LBB2_1:
0x12: {  	[spmem:s15], [sflag:s12] =	dma.local [hbm:s9], $0x2780  }
0x13: {  	_ =	swait.ge [sflag:s16], $0x2780  }
0x14: {  	[sflag:s16] =	ssyncset.done $0x0  }
0x15: {  	[sflag:s16] =	ssyncadd.s32 $0xFFFFD880  }
0x16: {  	s26 =	smov.u32 s14;
	s28 =	simm.s32 $0x0;
	[bflag:$0x0] =	sbarrier.arrive $0xFFFF  }
.LBB2_2:
0x17: {  	s0 =	sshll.u32 s28, $0x7  }
0x18: {  	s29 =	sadd.s32 s11, s0  }
0x19: {  	s0 =	sshrl.u32 s29, $0x3  }
0x1a: {  	s30 =	simm.s32 $0x0;
	s6 =	sadd.s32 s4, s0  }
0x1b: {  	[tilespmem:s30], [sflag:$0x3] =	stream.linear.gather [hbm4b:s6+s30], $0x80, $0x38;
	[tilespmem:$0x1FD00] =	vst v63  }
0x1c: {  	_ =	swait.ge [sflag:s16], $0x80  }
0x1d: {  	[sflag:s16] =	ssyncset.done $0x0  }
0x1e: {  	s0 =	sadd.s32 s5, s0;
	[sflag:s16] =	ssyncadd.s32 $0xFFFFFF80  }
0x1f: {  	[tilespmem:s17], [sflag:$0x3] =	stream.linear.gather [hbm4b:s0+s30], $0x80, $0x38;
	[tilespmem:$0x1FD00] =	vst v63  }
0x20: {  	_ =	swait.ge [sflag:s16], $0x80  }
0x21: {  	[sflag:s16] =	ssyncset.done $0x0  }
0x22: {  	[sflag:s16] =	ssyncadd.s32 $0xFFFFFF80  }
0x23: {  	[tilespmem:s18], [sflag:$0x1] =	stream.indirect.gather [hbm4b:s1+s17], $0x80, s30, s17, $0xb8;
	[tilespmem:$0x1FD00] =	vst v63  }
0x24: {  	_ = 	snop  }
0x25: {  	[tilespmem:s19], [sflag:$0x2] =	stream.indirect.gather [hbm4b:s7+s17], $0x80, s17, s17, $0xb8;
	[tilespmem:$0x1FD00] =	vst v63  }
0x26: {  	_ =	swait.ge [sflag:s20], $0x4000  }
0x27: {  	[sflag:s20] =	ssyncset.done $0x0  }
0x28: {  	[sflag:s20] =	ssyncadd.s32 $0xFFFFC000  }
0x29: {  	_ =	swait.ge [sflag:s21], $0x4000  }
0x2a: {  	[sflag:s21] =	ssyncset.done $0x0  }
0x2b: {  	s30 =	simm.s32 $0x0;
	[sflag:s21] =	ssyncadd.s32 $0xFFFFC000  }
0x2c: {  	v0 =	vld [tilespmem:s30+$0x4100]  }
0x2d: {  	v1 =	vld [tilespmem:s30+$0x100];
	_ =	sdelay $0x4  }
0x2e: {  	v0 =	vadd.f32 v0, v1;
	v1 =	vld [tilespmem:s30+$0x4110];
	_ =	sdelay $0x1  }
0x2f: {  	v2 =	vmul.f32 $2.000000030e-01, v0  }
0x30: {  	vm0 =	vgt.f32 v0, $0.0e+00  }
0x31: {  	v0 =	vsel vm0, v0, v2  }
0x32: {  	v0 =	vsub.f32 v0, v1;
	_ =	sdelay $0x1  }
0x33: {  	v0 =	vmul.f32 $1.442695020e+00, v0;
	_ =	sdelay $0x1  }
0x34: {  	(erf) = vpow2.f32 v0;
	_ =	sdelay $0x7  }
0x35: {  	p0 =	slt.u32 s26, $0x50910;
	s0 =	simm.f32 $1.000000000e+00  }
0x36: {  	s0 =	simm.s32 @!p0 $0x0;
	v0 =	vpop (erf)  }
0x37: {  	v0 =	vmul.f32 s0, v0  }
0x38: {  	s0 =	simm.s32 $0x80  }
0x39: {  	s31 =	smov.u32 s26;
	s6 =	simm.s32 $0x400;
	v1 =	vld [tilespmem:s0+$0x4100];
	[tilespmem:s30+$0x100] =	vst v0  }
.LBB2_3:
0x3a: {  	p0 =	sne.s32 s6, $0xFE00;
	v2 =	vld [tilespmem:s0+$0x100];
	[tilespmem:s30+$0x8100] =	vst v0  }
0x3b: {  	[tilespmem:s30+$0x110] =	vst v0  }
0x3c: {  	[tilespmem:s30+$0x120] =	vst v0  }
0x3d: {  	[tilespmem:s30+$0x130] =	vst v0  }
0x3e: {  	[tilespmem:s30+$0x140] =	vst v0  }
0x3f: {  	v1 =	vadd.f32 v1, v2;
	v2 =	vld [tilespmem:s0+$0x4110];
	[tilespmem:s30+$0x150] =	vst v0  }
0x40: {  	[tilespmem:s30+$0x160] =	vst v0  }
0x41: {  	v3 =	vmul.f32 $2.000000030e-01, v1;
	[tilespmem:s30+$0x170] =	vst v0;
	s30 =	smov.u32 s0  }
0x42: {  	vm0 =	vgt.f32 v1, $0.0e+00  }
0x43: {  	v0 =	vsel vm0, v1, v3  }
0x44: {  	v0 =	vsub.f32 v0, v2;
	_ =	sdelay $0x1  }
0x45: {  	v0 =	vmul.f32 $1.442695020e+00, v0;
	_ =	sdelay $0x1  }
0x46: {  	(erf) = vpow2.f32 v0;
	_ =	sdelay $0x6  }
0x47: {  	s31 =	sadd.s32 $0x1, s31  }
.Ltmp0:
0x48: {  	p1 =	slt.u32 s31, $0x50910;
	s0 =	simm.f32 $1.000000000e+00;
	(pc) =	sbr.rel @p0 .LBB2_3-.Ltmp0, $4  }
0x49: {  	s0 =	simm.s32 @!p1 $0x0;
	v0 =	vpop (erf)  }
0x4a: {  	v0 =	vmul.f32 s0, v0  }
0x4b: {  	s0 =	sshra.s32 s6, $0x2  }
0x4c: {  	s6 =	sadd.s32 $0x200, s6;
	v1 =	vld [tilespmem:s0+$0x4100];
	[tilespmem:s30+$0x100] =	vst v0  }
0x4d: {  	v2 =	vld [tilespmem:s0+$0x100];
	[tilespmem:s30+$0x8100] =	vst v0  }
0x4e: {  	[tilespmem:s30+$0x110] =	vst v0  }
0x4f: {  	[tilespmem:s30+$0x120] =	vst v0  }
0x50: {  	[tilespmem:s30+$0x130] =	vst v0  }
0x51: {  	[tilespmem:s30+$0x140] =	vst v0  }
0x52: {  	v63 =	vld [tilespmem:s0+$0x4110];
	v1 =	vadd.f32 v1, v2;
	_ =	sdelay $0x1  }
0x53: {  	v3 =	vmul.f32 $2.000000030e-01, v1  }
0x54: {  	vm0 =	vgt.f32 v1, $0.0e+00  }
0x55: {  	v1 =	vsel vm0, v1, v3  }
0x56: {  	v1 =	vsub.f32 v1, v63;
	_ =	sdelay $0x1  }
0x57: {  	v1 =	vmul.f32 $1.442695020e+00, v1;
	_ =	sdelay $0x1  }
0x58: {  	(erf) = vpow2.f32 v1;
	_ =	sdelay $0x6  }
0x59: {  	s6 =	sadd.s32 $0x1, s31  }
0x5a: {  	p0 =	slt.u32 s6, $0x50910;
	s6 =	simm.f32 $1.000000000e+00  }
0x5b: {  	[tilespmem:s30+$0x150] =	vst v0;
	s6 =	simm.s32 @!p0 $0x0;
	v1 =	vpop (erf)  }
0x5c: {  	[tilespmem:s30+$0x160] =	vst v0;
	v1 =	vmul.f32 s6, v1  }
0x5d: {  	[tilespmem:s30+$0x170] =	vst v0  }
0x5e: {  	[tilespmem:s0+$0x100] =	vst v1  }
0x5f: {  	[tilespmem:s0+$0x8100] =	vst v1  }
0x60: {  	[tilespmem:s0+$0x110] =	vst v1  }
0x61: {  	[tilespmem:s0+$0x120] =	vst v1  }
0x62: {  	[tilespmem:s0+$0x130] =	vst v1  }
0x63: {  	[tilespmem:s0+$0x140] =	vst v1  }
0x64: {  	[tilespmem:s0+$0x150] =	vst v1  }
0x65: {  	s30 =	sshll.u32 s29, $0x4;
	[tilespmem:s0+$0x160] =	vst v1  }
0x66: {  	s31 =	sadd.s32 s10, s30;
	[tilespmem:s0+$0x170] =	vst v1  }
0x67: {  	[hbm4b:s31+s3] =	stream.linear.scatter [tilespmem:s22], [sflag:$0x3], $0x4000, $0x38;
	[tilespmem:$0x1FD00] =	vst v63  }
0x68: {  	s28 =	sadd.s32 $0x1, s28;
	_ =	swait.ge [sflag:s16], $0x4000  }
0x69: {  	p0 =	sne.s32 s28, $0x51;
	[sflag:s16] =	ssyncset.done $0x0  }
.Ltmp1:
0x6a: {  	[sflag:s16] =	ssyncadd.s32 $0xFFFFC000;
	(pc) =	sbr.rel @p0 .LBB2_2-.Ltmp1, $4  }
0x6b: {  	[spmem:s2] =	stream.indirect.scatter.add.f32 [tilespmem:s18], [sflag:$0x3], $0x80, s17, s17, $0xb8;
	[tilespmem:$0x1FD00] =	vst v63  }
0x6c: {  	_ =	swait.ge [sflag:s16], $0x4000  }
0x6d: {  	[sflag:s16] =	ssyncset.done $0x0  }
0x6e: {  	s26 =	sadd.s32 $0x80, s26;
	[sflag:s16] =	ssyncadd.s32 $0xFFFFC000  }
0x6f: {  	[bflag:$0x0] =	sbarrier.arrive $0xFFFF  }
0x70: {  	[hbm:s23], [sflag:s12] =	dma.local [spmem:s15], $0x2780  }
0x71: {  	_ =	swait.ge [sflag:s16], $0x2780  }
0x72: {  	[sflag:s16] =	ssyncset.done $0x0  }
0x73: {  	[sflag:s16] =	ssyncadd.s32 $0xFFFFD880  }
0x74: {  	[spmem:s15], [sflag:s12] =	dma.local [hbm:s9], $0x2780  }
0x75: {  	_ =	swait.ge [sflag:s16], $0x2780  }
0x76: {  	[sflag:s16] =	ssyncset.done $0x0  }
0x77: {  	[sflag:s16] =	ssyncadd.s32 $0xFFFFD880  }
0x78: {  	s26 =	simm.s32 $0x0;
	s28 =	simm.s32 $0x0;
	[bflag:$0x0] =	sbarrier.arrive $0xFFFF  }
.LBB2_6:
0x79: {  	s0 =	sshll.u32 s28, $0x7  }
0x7a: {  	s0 =	sadd.s32 s11, s0  }
0x7b: {  	s6 =	sshrl.u32 s0, $0x3  }
0x7c: {  	s29 =	sadd.s32 s4, s6  }
0x7d: {  	[tilespmem:s26], [sflag:$0x3] =	stream.linear.gather [hbm4b:s29+s26], $0x80, $0x38;
	[tilespmem:$0x1FD00] =	vst v63  }
0x7e: {  	_ =	swait.ge [sflag:s16], $0x80  }
0x7f: {  	[sflag:s16] =	ssyncset.done $0x0  }
0x80: {  	s6 =	sadd.s32 s5, s6;
	[sflag:s16] =	ssyncadd.s32 $0xFFFFFF80  }
0x81: {  	[tilespmem:s17], [sflag:$0x3] =	stream.linear.gather [hbm4b:s6+s26], $0x80, $0x38;
	[tilespmem:$0x1FD00] =	vst v63  }
0x82: {  	_ =	swait.ge [sflag:s16], $0x80  }
0x83: {  	s0 =	sshll.u32 s0, $0x4;
	[sflag:s16] =	ssyncset.done $0x0  }
0x84: {  	s0 =	sadd.s32 s10, s0;
	[sflag:s16] =	ssyncadd.s32 $0xFFFFFF80  }
0x85: {  	[tilespmem:s22], [sflag:$0x3] =	stream.linear.gather [hbm4b:s0+s26], $0x4000, $0x38;
	[tilespmem:$0x1FD00] =	vst v63  }
0x86: {  	_ =	swait.ge [sflag:s16], $0x4000  }
0x87: {  	[sflag:s16] =	ssyncset.done $0x0  }
0x88: {  	[sflag:s16] =	ssyncadd.s32 $0xFFFFC000  }
0x89: {  	[tilespmem:s18], [sflag:$0x1] =	stream.indirect.gather [hbm4b:s8+s17], $0x80, s26, s17, $0xb8;
	[tilespmem:$0x1FD00] =	vst v63  }
0x8a: {  	_ =	swait.ge [sflag:s20], $0x4000  }
0x8b: {  	[sflag:s20] =	ssyncset.done $0x0  }
0x8c: {  	s29 =	simm.s32 $0x0;
	[sflag:s20] =	ssyncadd.s32 $0xFFFFC000  }
0x8d: {  	v3 =	vld [tilespmem:s29+$0x130]  }
0x8e: {  	v4 =	vld [tilespmem:s29+$0x140]  }
0x8f: {  	v0 =	vld [tilespmem:s29+$0x160]  }
0x90: {  	v2 =	vld [tilespmem:s29+$0x100]  }
0x91: {  	v1 =	vld.msk [tilespmem:s29+$0x8100 ss:$0x0], $0xffff  }
0x92: {  	v5 =	vld [tilespmem:s29+$0x120]  }
0x93: {  	v6 =	vld [tilespmem:s29+$0x110]  }
0x94: {  	s0 =	simm.s32 $0x200;
	v7 =	vld [tilespmem:s29+$0x150]  }
.LBB2_7:
0x95: {  	p0 =	sne.s32 s0, $0xFE00;
	v8 =	vld [tilespmem:s29+$0x170];
	s6 =	smov.u32 s0;
	s0 =	sadd.s32 $0x200, s0  }
0x96: {  	_ = 	snop  }
0x97: {  	v3 =	vmul.f32 v3, v1;
	v4 =	vmul.f32 v4, v1  }
0x98: {  	v2 =	vmul.f32 v1, v2;
	v6 =	vmul.f32 v6, v1  }
0x99: {  	v5 =	vmul.f32 v5, v1;
	[tilespmem:s29+$0x130] =	vst v3;
	v3 =	vmul.f32 v7, v1  }
0x9a: {  	v0 =	vmul.f32 v0, v1;
	[tilespmem:s29+$0x140] =	vst v4;
	v1 =	vmul.f32 v8, v1  }
0x9b: {  	[tilespmem:s29+$0x150] =	vst v3  }
0x9c: {  	s6 =	sshra.s32 s6, $0x2;
	[tilespmem:s29+$0x170] =	vst v1  }
0x9d: {  	v3 =	vld [tilespmem:s6+$0x130];
	[tilespmem:s29+$0x160] =	vst v0  }
0x9e: {  	v4 =	vld [tilespmem:s6+$0x140];
	[tilespmem:s29+$0x120] =	vst v5  }
0x9f: {  	v0 =	vld [tilespmem:s6+$0x160];
	[tilespmem:s29+$0x100] =	vst v2  }
.Ltmp2:
0xa0: {  	v2 =	vld [tilespmem:s6+$0x100];
	[tilespmem:s29+$0x110] =	vst v6;
	s29 =	smov.u32 s6;
	(pc) =	sbr.rel @p0 .LBB2_7-.Ltmp2, $4  }
0xa1: {  	v1 =	vld.msk [tilespmem:s29+$0x8100 ss:$0x0], $0xffff  }
0xa2: {  	v5 =	vld [tilespmem:s29+$0x120]  }
0xa3: {  	v6 =	vld [tilespmem:s29+$0x110]  }
0xa4: {  	v7 =	vld [tilespmem:s29+$0x150]  }
0xa5: {  	_ = 	snop  }
0xa6: {  	v3 =	vmul.f32 v3, v1  }
0xa7: {  	v4 =	vmul.f32 v4, v1  }
0xa8: {  	v8 =	vld [tilespmem:s29+$0x170];
	v0 =	vmul.f32 v0, v1;
	[tilespmem:s29+$0x130] =	vst v3  }
0xa9: {  	v2 =	vmul.f32 v1, v2;
	[tilespmem:s29+$0x140] =	vst v4  }
0xaa: {  	v62 =	vmul.f32 v5, v1;
	[tilespmem:s29+$0x160] =	vst v0  }
0xab: {  	v63 =	vmul.f32 v6, v1;
	[tilespmem:s29+$0x100] =	vst v2  }
0xac: {  	v60 =	vmul.f32 v7, v1;
	[tilespmem:s29+$0x120] =	vst v62  }
0xad: {  	s28 =	sadd.s32 $0x1, s28;
	v61 =	vmul.f32 v8, v1;
	[tilespmem:s29+$0x110] =	vst v63  }
0xae: {  	p0 =	sne.s32 s28, $0x51;
	[tilespmem:s29+$0x150] =	vst v60  }
.Ltmp3:
0xaf: {  	[tilespmem:s29+$0x170] =	vst v61;
	(pc) =	sbr.rel @p0 .LBB2_6-.Ltmp3, $4  }
0xb0: {  	[spmem:s2] =	stream.indirect.scatter.add.f32 [tilespmem:s18], [sflag:$0x3], $0x80, s17, s17, $0xb8;
	[tilespmem:$0x1FD00] =	vst v63  }
0xb1: {  	_ =	swait.ge [sflag:s16], $0x4000  }
0xb2: {  	[sflag:s16] =	ssyncset.done $0x0  }
0xb3: {  	[sflag:s16] =	ssyncadd.s32 $0xFFFFC000  }
0xb4: {  	s25 =	sadd.s32 $0x1, s25  }
0xb5: {  	p0 =	sne.s32 s25, s13  }
.Ltmp4:
0xb6: {  	[bflag:$0x0] =	sbarrier.arrive $0xFFFF;
	(pc) =	sbr.rel @p0 .LBB2_1-.Ltmp4, $4  }
0xb7: {  	[hbm:s24], [sflag:s12] =	dma.local [spmem:s15], $0x2780  }
0xb8: {  	_ =	swait.ge [sflag:s16], $0x2780  }
0xb9: {  	[sflag:s16] =	ssyncset.done $0x0  }
0xba: {  	[sflag:s16] =	ssyncadd.s32 $0xFFFFD880  }
0xbb: {  	_ =	sfence.sel $0x180000  }
0xbc: {  	[bflag:$0x0] =	sbarrier.arrive $0xFFFF  }
0xbd: {  	_ =	strace $0x9000004A  }
0xbe: {  	s0 =	stileid.u32;
	[bflag:$0x2] =	sbarrier.arrive $0xFFFF  }
0xbf: {  	p0 =	sne.s32 s0, $0x0;
	s0 =	rddreg [dreg:$0x3]  }
0xc0: {  	s0 =	sadd.s32 @!p0 $0x100000, s0  }
0xc1: {  	[sflag:s0] =	ssyncadd.tile.s32 @!p0 $0x1;
	_ =	shalt  }
.Lfunc_end2:
_tile_overlayer_lowered:
.L_overlay_start_2:
0xc2: {  	(tag) =	ssettag $0x2  }
0xc3: {  	s0 =	rddreg [dreg:$0x0];
	s2 =	stileid.u32  }
0xc4: {  	s1 =	rddreg [dreg:$0x1];
	p0 =	sne.s32 s2, $0x0  }
0xc5: {  	s3 =	rddreg [dreg:$0x2];
	[bflag:$0x3] =	sbarrier.arrive $0xFFFF;
	s2 =	simm.s32 @!p0 $0x1C03  }
0xc6: {  	[timem:s3], [sflag:s2] =	dma.local @!p0 [hbm:s0], s1  }
0xc7: {  	s0 =	simm.s32 @!p0 $0x3  }
0xc8: {  	_ =	swait.ge @!p0 [sflag:s0], s1  }
0xc9: {  	s1 =	ssub.s32 @!p0 $0x0, s1;
	[sflag:s0] =	ssyncset.done @!p0 $0x0  }
0xca: {  	[sflag:s0] =	ssyncadd.s32 @!p0 s1  }
0xcb: {  	[bflag:$0x3] =	sbarrier.arrive $0xFFFF  }
0xcc: {  	_ =	shalt  }

// kernel: kernel.7.cloned.1.call-start
scs
__scs_entry_jumppad:
0x0: {  	(pc) =	sbr.rel $0x88, $3  }
0x1: {  	(tag) =	ssettag $0x0;
	lr =	simm.s32 $0x1  }
0x2: {  	[smem:$0x3F97] =	sst lr;
	_ =	strace $0xD0000000  }
0x3: {  	_ = 	snop  }
0x4: {  	_ = 	snop  }
0x5: {  	_ = 	snop  }
0x6: {  	_ = 	snop  }
0x7: {  	_ = 	snop  }
__scs_overlays_trampoline_lowered:
0x8: {  	[smem:$0x3FA6] =	sst s0  }
0x9: {  	[smem:$0x3FA7] =	sst s1  }
0xa: {  	[smem:$0x3FA8] =	sst s2  }
0xb: {  	[smem:$0x3FA9] =	sst s3  }
0xc: {  	[smem:$0x3FAA] =	sst s4  }
0xd: {  	[smem:$0x3FAB] =	sst s5  }
0xe: {  	[smem:$0x3FAC] =	sst s6  }
0xf: {  	[smem:$0x3FAD] =	sst s7  }
0x10: {  	[smem:$0x3FAE] =	sst s8  }
0x11: {  	[smem:$0x3FAF] =	sst s9;
	s0 =	simm.s32 @!p0 $0x0  }
0x12: {  	s1 =	sld [smem:$0x3F95];
	s0 =	simm.s32 @p0 $0x1  }
0x13: {  	[smem:$0x3FB0] =	sst s0;
	s0 =	simm.s32 @!p1 $0x0  }
0x14: {  	s2 =	sld [smem:$0x3F94];
	s0 =	simm.s32 @p1 $0x1  }
0x15: {  	[smem:$0x3FB1] =	sst s0;
	s0 =	simm.s32 @!p2 $0x0  }
0x16: {  	s3 =	sld [smem:$0x3FDB];
	s0 =	simm.s32 @p2 $0x1  }
0x17: {  	s4 =	simm.s32 $0x1BF5;
	[smem:$0x3FB3] =	sst s0  }
0x18: {  	s0 =	sld [smem:$0x3F96];
	_ =	swait.ge [sflag:s4], $0x0  }
0x19: {  	s7 =	sld [smem:$0x3F97]  }
0x1a: {  	s8 =	sadd.s32 $0xFFFFE003, lr  }
0x1b: {  	s9 =	sadd.s32 $0xFFFFFEF7, lr;
	s5 =	simm.s32 $0xFFFFFFFF;
	p2 =	slt.u32 s8, $0xFFFFF086  }
0x1c: {  	p1 =	slt.u32 s9, $0xF7A;
	s5 =	simm.s32 @!p2 $0x0  }
0x1d: {  	s5 =	simm.s32 @p1 $0x1;
	p0 =	seq.s32 s7, s2  }
0x1e: {  	s7 =	smul.u32 @!p0 $0xF7A, s2;
	p2 =	seq.s32 @!p0 s5, $0x0  }
0x1f: {  	s9 =	smul.u32 $0xF7A, s1;
	s8 =	simm.s32 @!p0 $0x1BF5;
	p2 =	por !p2, p0  }
0x20: {  	[sflag:s8] =	ssyncset.s32 @!p0 $0xFFFFF086;
	s6 =	sadd.s32 @!p0 s3, s7;
	s7 =	simm.s32 @!p0 $0x108  }
0x21: {  	s3 =	sadd.s32 s3, s9;
	s6 =	sadd.s32 @!p0 $0x88, s6;
	s7 =	simm.s32 @p2 $0x1082  }
0x22: {  	[simem:s7], [sflag:s8] =	dma.local @!p0 [hbm:s6], $0xF7A  }
0x23: {  	s9 =	sor.u32 $0xD0000000, s2;
	s6 =	simm.s32 $0x108;
	_ =	swait.ge @!p0 [sflag:s8], $0x0  }
0x24: {  	s3 =	sadd.s32 $0x88, s3;
	s6 =	simm.s32 @!p1 $0x1082;
	[sflag:s4] =	ssyncset.s32 $0xFFFFF086  }
0x25: {  	[simem:s6], [sflag:s4] =	dma.local [hbm:s3], $0xF7A  }
0x26: {  	[smem:$0x3F97] =	sst s1;
	(tag) =	ssettag s2;
	_ =	strace s9  }
0x27: {  	s1 =	sld [smem:$0x3FA7]  }
0x28: {  	s2 =	sld [smem:$0x3FA8]  }
0x29: {  	s4 =	sld [smem:$0x3FAA]  }
0x2a: {  	p0 =	seq.s32 s5, $0x0;
	s5 =	sld [smem:$0x3FAB]  }
0x2b: {  	s6 =	sld [smem:$0x3FAC]  }
0x2c: {  	s7 =	sld [smem:$0x3FAD]  }
0x2d: {  	s3 =	simm.s32 $0x108;
	s8 =	sld [smem:$0x3FAE]  }
0x2e: {  	s3 =	simm.s32 @!p0 $0x1082;
	s9 =	sld [smem:$0x3FAF]  }
0x2f: {  	lr =	sadd.s32 s0, s3;
	s0 =	sld [smem:$0x3FA6]  }
0x30: {  	s3 =	sld [smem:$0x3FA9]  }
0x31: {  	[smem:$0x3FB2] =	sst s10  }
0x32: {  	s10 =	sld [smem:$0x3FB0];
	_ =	sdelay $0x3  }
0x33: {  	p0 =	seq.s32 s10, $0x1;
	s10 =	sld [smem:$0x3FB2];
	_ =	sdelay $0x3  }
0x34: {  	[smem:$0x3FB2] =	sst s10  }
0x35: {  	s10 =	sld [smem:$0x3FB1];
	_ =	sdelay $0x3  }
0x36: {  	p1 =	seq.s32 s10, $0x1;
	s10 =	sld [smem:$0x3FB2];
	_ =	sdelay $0x3  }
0x37: {  	[smem:$0x3FB2] =	sst s10  }
0x38: {  	s10 =	sld [smem:$0x3FB3]  }
0x39: {  	_ = 	snop;
	(pc) =	sbr.ind lr, $3  }
0x3a: {  	_ = 	snop  }
0x3b: {  	_ = 	snop  }
0x3c: {  	p2 =	seq.s32 s10, $0x1;
	s10 =	sld [smem:$0x3FB2]  }
0x3d: {  	_ =	shalt  }
0x3e: {  	_ =	shalt  }
0x3f: {  	_ =	shalt  }
0x40: {  	_ =	shalt  }
0x41: {  	_ =	shalt  }
0x42: {  	_ =	shalt  }
0x43: {  	_ =	shalt  }
0x44: {  	_ =	shalt  }
0x45: {  	_ =	shalt  }
0x46: {  	_ =	shalt  }
0x47: {  	_ =	shalt  }
0x48: {  	_ =	shalt  }
0x49: {  	_ =	shalt  }
0x4a: {  	_ =	shalt  }
0x4b: {  	_ =	shalt  }
0x4c: {  	_ =	shalt  }
0x4d: {  	_ =	shalt  }
0x4e: {  	_ =	shalt  }
0x4f: {  	_ =	shalt  }
0x50: {  	_ =	shalt  }
0x51: {  	_ =	shalt  }
0x52: {  	_ =	shalt  }
0x53: {  	_ =	shalt  }
0x54: {  	_ =	shalt  }
0x55: {  	_ =	shalt  }
0x56: {  	_ =	shalt  }
0x57: {  	_ =	shalt  }
0x58: {  	_ =	shalt  }
0x59: {  	_ =	shalt  }
0x5a: {  	_ =	shalt  }
0x5b: {  	_ =	shalt  }
0x5c: {  	_ =	shalt  }
0x5d: {  	_ =	shalt  }
0x5e: {  	_ =	shalt  }
0x5f: {  	_ =	shalt  }
0x60: {  	_ =	shalt  }
0x61: {  	_ =	shalt  }
0x62: {  	_ =	shalt  }
0x63: {  	_ =	shalt  }
0x64: {  	_ =	shalt  }
0x65: {  	_ =	shalt  }
0x66: {  	_ =	shalt  }
0x67: {  	_ =	shalt  }
0x68: {  	_ =	shalt  }
0x69: {  	_ =	shalt  }
0x6a: {  	_ =	shalt  }
0x6b: {  	_ =	shalt  }
0x6c: {  	_ =	shalt  }
0x6d: {  	_ =	shalt  }
0x6e: {  	_ =	shalt  }
0x6f: {  	_ =	shalt  }
0x70: {  	_ =	shalt  }
0x71: {  	_ =	shalt  }
0x72: {  	_ =	shalt  }
0x73: {  	_ =	shalt  }
0x74: {  	_ =	shalt  }
0x75: {  	_ =	shalt  }
0x76: {  	_ =	shalt  }
0x77: {  	_ =	shalt  }
0x78: {  	_ =	shalt  }
0x79: {  	_ =	shalt  }
0x7a: {  	_ =	shalt  }
0x7b: {  	_ =	shalt  }
0x7c: {  	_ =	shalt  }
0x7d: {  	_ =	shalt  }
0x7e: {  	_ =	shalt  }
0x7f: {  	_ =	shalt  }
0x80: {  	_ =	shalt  }
0x81: {  	_ =	shalt  }
0x82: {  	_ =	shalt  }
0x83: {  	_ =	shalt  }
0x84: {  	_ =	shalt  }
0x85: {  	_ =	shalt  }
0x86: {  	_ =	shalt  }
0x87: {  	_ =	shalt  }
.Lfunc_end0:
.L_simem_size_0:
called_computation_lowered:
.L_overlay_start_0:
0x88: {  	s2 =	sld [smem:$0x3FD9]  }
0x89: {  	s3 =	sld [smem:$0x3FFE];
	_ =	sdelay $0x1  }
0x8a: {  	s1 =	srdreg.scid  }
0x8b: {  	s0 =	sand.u32 $0x1, s1  }
0x8c: {  	s17 =	sshll.u32 s0, $0xA;
	s2 =	sadd.s32 s3, s2  }
0x8d: {  	s2 =	sadd.s32 s2, s17  }
0x8e: {  	[smem:$0x3FBE] =	sst s2  }
0x8f: {  	_ = 	snop  }
0x90: {  	s2 =	sld [smem:$0x3FD0];
	(tm) =	ssettm $0x1  }
0x91: {  	s18 =	sld [smem:$0x3FFB];
	_ =	sdelay $0x3  }
0x92: {  	_ =	strace s18  }
0x93: {  	s3 =	sld [smem:$0x3FFC];
	_ =	sdelay $0x3  }
0x94: {  	_ =	strace s3  }
0x95: {  	s3 =	sld [smem:$0x3FFD];
	_ =	sdelay $0x3  }
0x96: {  	_ =	strace s3  }
0x97: {  	_ =	strace $0x8FFFFFFF  }
0x98: {  	s19 =	sld [smem:$0x3FDB];
	_ =	sdelay $0x1  }
0x99: {  	s4 =	simm.s32 $_scs_section_size  }
0x9a: {  	s5 =	simm.s32 $_size__tile_overlayer_lowered;
	s6 =	simm.s32 $_tile_overlayer_lowered  }
0x9b: {  	s22 =	simm.s32 $0x1BFF;
	s21 =	sshll.u32 s6, $0x1;
	s3 =	sadd.s32 s4, s19  }
0x9c: {  	s7 =	simm.s32 $0x0;
	s20 =	sshll.u32 s5, $0x1;
	s5 =	sadd.s32 s21, s3  }
0x9d: {  	[timem:s7], [sflag:s22] =	dma.local [hbm:s5], s20  }
0x9e: {  	_ =	swait.ge [sflag:s22], s20  }
0x9f: {  	s4 =	ssub.s32 $0x0, s20;
	[sflag:s22] =	ssyncset.done $0x0  }
0xa0: {  	[sflag:s22] =	ssyncadd.s32 s4;
	_ =	sdelay $0x1  }
0xa1: {  	s23 =	simm.s32 $0x1B8B  }
0xa2: {  	_ =	swait.ge [sflag:s23], $0x1  }
0xa3: {  	[sflag:s23] =	ssyncset.done $0x0  }
0xa4: {  	s25 =	simm.s32 $0x1B8E;
	s24 =	sld [smem:$0x3FFE];
	[sflag:s23] =	ssyncadd.s32 $0xFFFFFFFF  }
0xa5: {  	s26 =	simm.s32 $execute0_lowered;
	[smem:$0x3FD2] =	sst s25  }
0xa6: {  	s5 =	sshll.u32 s26, $0x1;
	_ =	strace $0x80000046;
	[dreg:$0x1] =	wrdreg $0xFFFFFFFF  }
0xa7: {  	s28 =	simm.s32 $_size_execute0_lowered;
	s3 =	sadd.s32 s3, s5;
	[dreg:$0x0] =	wrdreg $0x0  }
0xa8: {  	s5 =	sshll.u32 s28, $0x1;
	[dreg:$0x2] =	wrdreg s3  }
0xa9: {  	[dreg:$0x3] =	wrdreg s5  }
0xaa: {  	[dreg:$0x4] =	wrdreg $0xC0  }
0xab: {  	_ =	task [dreg:s7], $0x5FFFF  }
0xac: {  	[dreg:$0x1] =	wrdreg $0xFFFFFFFF  }
0xad: {  	[dreg:$0x0] =	wrdreg $0x60  }
0xae: {  	[dreg:$0x2] =	wrdreg s24  }
0xaf: {  	[dreg:$0x3] =	wrdreg s2  }
0xb0: {  	[dreg:$0x4] =	wrdreg $0xC1000  }
0xb1: {  	[dreg:$0x5] =	wrdreg $0x9  }
0xb2: {  	_ =	task.clear_ibuf [dreg:s7], $0x6FFFF;
	_ =	strace $0x90000046  }
0xb3: {  	s29 =	simm.s32 $0x9;
	_ =	strace $0x80000048  }
0xb4: {  	_ =	swait.ge [sflag:s29], $0x1  }
0xb5: {  	[sflag:s29] =	ssyncadd.s32 $0xFFFFFFFF  }
0xb6: {  	_ =	strace $0x90000048  }
0xb7: {  	_ =	sfence  }
0xb8: {  	s30 =	sld [smem:$0x0];
	_ =	sdelay $0x2  }
0xb9: {  	s31 =	sshll.u32 s1, $0xD;
	s1 =	sshrl.u32 s1, $0x2  }
0xba: {  	s3 =	sand.u32 $0x4000, s31;
	s1 =	sadd.s32 s1, s30  }
0xbb: {  	s0 =	sor.u32 s3, s0;
	s1 =	sshll.u32 s1, $0x11  }
0xbc: {  	s0 =	sor.u32 s1, s0  }
0xbd: {  	s0 =	sadd.s32 $0x8F2B, s0  }
0xbe: {  	[sflag:s0] =	ssyncadd.remote.s32 $0x1  }
0xbf: {  	_ =	sfence.sel $0xFFFF  }
0xc0: {  	[dreg:$0x0] =	wrdreg $0xFFFFFFFF;
	(pc) =	sbr.abs _section_cstart, $3  }
0xc1: {  	[dreg:$0x1] =	wrdreg $0xFFFFFFFF  }
0xc2: {  	_ =	task.clear_ibuf [dreg:s7], $0x2FFFF;
	_ =	strace $0x9FFFFFFF  }
0xc3: {  	(tm) =	ssettm $0x7FFFFFFF  }
tec
execute0_lowered:
.L_overlay_start_1:
0x0: {  	(tag) =	ssettag $0x1  }
0x1: {  	s0 =	rddreg [dreg:$0x0]  }
0x2: {  	s1 =	rddreg [dreg:$0x1]  }
0x3: {  	s2 =	rddreg [dreg:$0x2]  }
0x4: {  	s3 =	simm.s32 $0x0;
	s4 =	srdreg.scid;
	s20 =	stileid.u32  }
0x5: {  	s28 =	simm.s32 $0x2;
	s29 =	simm.s32 $0x8100;
	s30 =	simm.s32 $0x0  }
0x6: {  	[smem:$0x7FF] =	sst s3;
	s10 =	sand.u32 $0x1, s4;
	s5 =	sadd.s32 $0x150600, s0  }
0x7: {  	s4 =	sadd.s32 $0xD800, s0;
	s6 =	sadd.s32 $0x3600, s0;
	s7 =	sadd.s32 $0x129400, s0  }
0x8: {  	s8 =	sadd.s32 $0xB3E00, s0;
	s9 =	sadd.s32 $0x102200, s0;
	s24 =	smul.u32 $0x2880, s20  }
0x9: {  	s11 =	sadd.s32 $0xDB000, s0;
	s12 =	sadd.s32 $0x17A00, s0;
	s13 =	smul.u32 $0x27800, s10  }
0xa: {  	s23 =	sshll.u32 s20, $0x6;
	_ =	strace $0x80000047;
	s14 =	smul.u32 $0x9E000, s10  }
0xb: {  	s31 =	ssub.s32 $0x2, s10;
	s19 =	sshll.u32 s10, $0x4;
	s10 =	smul.u32 $0x28800, s10  }
0xc: {  	s15 =	sshrl.u32 s31, $0x1;
	s18 =	sor.u32 s20, s19;
	s19 =	smul.u32 $0x4F000, s20  }
0xd: {  	s16 =	sadd.s32 s13, s0;
	s17 =	sadd.s32 s14, s0;
	s13 =	sadd.s32 $0x177800, s0  }
0xe: {  	s21 =	ssub.s32 s31, s15;
	s14 =	smul.u32 $0x2880, s18;
	s15 =	sor.u32 $0x1C03, s23  }
0xf: {  	s26 =	sadd.s32 s24, s10;
	s23 =	simm.s32 $0x100;
	s24 =	simm.s32 $0x4100  }
0x10: {  	s22 =	sshrl.u32 s19, $0x2;
	s25 =	sadd.s32 $0x1A200, s16;
	s16 =	smul.u32 $0x2780, s20  }
0x11: {  	s17 =	sadd.s32 $0x687800, s17;
	s0 =	smax.u32 s21, $0x1;
	[dreg:$0x6] =	wrdreg s26  }
0x12: {  	s21 =	simm.s32 $0x3;
	s26 =	simm.s32 $0x1;
	[dreg:$0x4] =	wrdreg s17  }
0x13: {  	s19 =	sadd.s32 s22, s2;
	[dreg:$0x5] =	wrdreg s0;
	s31 =	sadd.s32 s16, s25  }
0x14: {  	s22 =	simm.s32 $0x80;
	s20 =	sshrl.u32 s19, $0x3;
	[dreg:$0x7] =	wrdreg s31  }
.LBB2_1:
0x15: {  	[spmem:s20], [sflag:s15] =	dma.local [hbm:s12], $0x2780  }
0x16: {  	_ =	swait.ge [sflag:s21], $0x2780  }
0x17: {  	[sflag:s21] =	ssyncset.done $0x0  }
0x18: {  	[sflag:s21] =	ssyncadd.s32 $0xFFFFD880  }
0x19: {  	[bflag:$0x0] =	sbarrier.arrive $0xFFFF  }
0x1a: {  	s0 =	simm.s32 $0x0;
	s19 =	rddreg [dreg:$0x6]  }
.LBB2_2:
0x1b: {  	s10 =	sshll.u32 s0, $0x7  }
0x1c: {  	s10 =	sadd.s32 s14, s10  }
0x1d: {  	s17 =	sshrl.u32 s10, $0x3  }
0x1e: {  	s25 =	simm.s32 $0x0;
	s18 =	sadd.s32 s4, s17  }
0x1f: {  	[tilespmem:s25], [sflag:$0x3] =	stream.linear.gather [hbm4b:s18+s25], $0x80, $0x38;
	[tilespmem:$0x1FD00] =	vst v63  }
0x20: {  	_ =	swait.ge [sflag:s21], $0x80  }
0x21: {  	[sflag:s21] =	ssyncset.done $0x0  }
0x22: {  	s17 =	sadd.s32 s6, s17;
	[sflag:s21] =	ssyncadd.s32 $0xFFFFFF80  }
0x23: {  	[tilespmem:s22], [sflag:$0x3] =	stream.linear.gather [hbm4b:s17+s25], $0x80, $0x38;
	[tilespmem:$0x1FD00] =	vst v63  }
0x24: {  	_ =	swait.ge [sflag:s21], $0x80  }
0x25: {  	[sflag:s21] =	ssyncset.done $0x0  }
0x26: {  	[sflag:s21] =	ssyncadd.s32 $0xFFFFFF80  }
0x27: {  	[tilespmem:s23], [sflag:$0x1] =	stream.indirect.gather [hbm4b:s1+s22], $0x80, s25, s22, $0xb8;
	[tilespmem:$0x1FD00] =	vst v63  }
0x28: {  	_ = 	snop  }
0x29: {  	[tilespmem:s24], [sflag:$0x2] =	stream.indirect.gather [hbm4b:s8+s22], $0x80, s22, s22, $0xb8;
	[tilespmem:$0x1FD00] =	vst v63  }
0x2a: {  	_ =	swait.ge [sflag:s26], $0x4000  }
0x2b: {  	[sflag:s26] =	ssyncset.done $0x0  }
0x2c: {  	[sflag:s26] =	ssyncadd.s32 $0xFFFFC000  }
0x2d: {  	_ =	swait.ge [sflag:s28], $0x4000  }
0x2e: {  	[sflag:s28] =	ssyncset.done $0x0  }
0x2f: {  	s17 =	simm.s32 $0x0;
	[sflag:s28] =	ssyncadd.s32 $0xFFFFC000  }
0x30: {  	v0 =	vld [tilespmem:s17+$0x4100]  }
0x31: {  	v1 =	vld [tilespmem:s17+$0x100];
	_ =	sdelay $0x4  }
0x32: {  	v0 =	vadd.f32 v0, v1;
	v1 =	vld [tilespmem:s17+$0x4110];
	_ =	sdelay $0x1  }
0x33: {  	v2 =	vmul.f32 $2.000000030e-01, v0  }
0x34: {  	vm0 =	vgt.f32 v0, $0.0e+00  }
0x35: {  	v0 =	vsel vm0, v0, v2  }
0x36: {  	v0 =	vsub.f32 v0, v1;
	_ =	sdelay $0x1  }
0x37: {  	v0 =	vmul.f32 $1.442695020e+00, v0;
	_ =	sdelay $0x1  }
0x38: {  	(erf) = vpow2.f32 v0;
	_ =	sdelay $0x7  }
0x39: {  	p0 =	slt.u32 s19, $0x50910;
	s18 =	simm.f32 $1.000000000e+00  }
0x3a: {  	s18 =	simm.s32 @!p0 $0x0;
	v0 =	vpop (erf)  }
0x3b: {  	v0 =	vmul.f32 s18, v0  }
0x3c: {  	s25 =	simm.s32 $0x80  }
0x3d: {  	s31 =	smov.u32 s19;
	v1 =	vld [tilespmem:s25+$0x4100];
	s18 =	simm.s32 $0x400;
	[tilespmem:s17+$0x100] =	vst v0  }
.LBB2_3:
0x3e: {  	p0 =	sne.s32 s18, $0xFE00;
	v2 =	vld [tilespmem:s25+$0x100];
	[tilespmem:s17+$0x8100] =	vst v0  }
0x3f: {  	[tilespmem:s17+$0x110] =	vst v0  }
0x40: {  	[tilespmem:s17+$0x120] =	vst v0  }
0x41: {  	[tilespmem:s17+$0x130] =	vst v0  }
0x42: {  	[tilespmem:s17+$0x140] =	vst v0  }
0x43: {  	v1 =	vadd.f32 v1, v2;
	v2 =	vld [tilespmem:s25+$0x4110];
	[tilespmem:s17+$0x150] =	vst v0  }
0x44: {  	[tilespmem:s17+$0x160] =	vst v0  }
0x45: {  	v3 =	vmul.f32 $2.000000030e-01, v1;
	[tilespmem:s17+$0x170] =	vst v0;
	s17 =	smov.u32 s25  }
0x46: {  	vm0 =	vgt.f32 v1, $0.0e+00  }
0x47: {  	v0 =	vsel vm0, v1, v3  }
0x48: {  	v0 =	vsub.f32 v0, v2;
	_ =	sdelay $0x1  }
0x49: {  	v0 =	vmul.f32 $1.442695020e+00, v0;
	_ =	sdelay $0x1  }
0x4a: {  	(erf) = vpow2.f32 v0;
	_ =	sdelay $0x6  }
0x4b: {  	s31 =	sadd.s32 $0x1, s31  }
.Ltmp0:
0x4c: {  	p1 =	slt.u32 s31, $0x50910;
	s25 =	simm.f32 $1.000000000e+00;
	(pc) =	sbr.rel @p0 .LBB2_3-.Ltmp0, $4  }
0x4d: {  	s25 =	simm.s32 @!p1 $0x0;
	v0 =	vpop (erf)  }
0x4e: {  	v0 =	vmul.f32 s25, v0  }
0x4f: {  	s25 =	sshra.s32 s18, $0x2  }
0x50: {  	s18 =	sadd.s32 $0x200, s18;
	v1 =	vld [tilespmem:s25+$0x4100];
	[tilespmem:s17+$0x100] =	vst v0  }
0x51: {  	v2 =	vld [tilespmem:s25+$0x100];
	[tilespmem:s17+$0x8100] =	vst v0  }
0x52: {  	[tilespmem:s17+$0x110] =	vst v0  }
0x53: {  	[tilespmem:s17+$0x120] =	vst v0  }
0x54: {  	[tilespmem:s17+$0x130] =	vst v0  }
0x55: {  	[tilespmem:s17+$0x140] =	vst v0  }
0x56: {  	v63 =	vld [tilespmem:s25+$0x4110];
	v1 =	vadd.f32 v1, v2;
	_ =	sdelay $0x1  }
0x57: {  	v3 =	vmul.f32 $2.000000030e-01, v1  }
0x58: {  	vm0 =	vgt.f32 v1, $0.0e+00  }
0x59: {  	v1 =	vsel vm0, v1, v3  }
0x5a: {  	v1 =	vsub.f32 v1, v63;
	_ =	sdelay $0x1  }
0x5b: {  	v1 =	vmul.f32 $1.442695020e+00, v1;
	_ =	sdelay $0x1  }
0x5c: {  	(erf) = vpow2.f32 v1;
	_ =	sdelay $0x6  }
0x5d: {  	s18 =	sadd.s32 $0x1, s31  }
0x5e: {  	p0 =	slt.u32 s18, $0x50910;
	s18 =	simm.f32 $1.000000000e+00  }
0x5f: {  	[tilespmem:s17+$0x150] =	vst v0;
	s18 =	simm.s32 @!p0 $0x0;
	v1 =	vpop (erf)  }
0x60: {  	[tilespmem:s17+$0x160] =	vst v0;
	v1 =	vmul.f32 s18, v1  }
0x61: {  	[tilespmem:s17+$0x170] =	vst v0  }
0x62: {  	[tilespmem:s25+$0x100] =	vst v1  }
0x63: {  	[tilespmem:s25+$0x8100] =	vst v1  }
0x64: {  	[tilespmem:s25+$0x110] =	vst v1  }
0x65: {  	[tilespmem:s25+$0x120] =	vst v1  }
0x66: {  	[tilespmem:s25+$0x130] =	vst v1  }
0x67: {  	[tilespmem:s25+$0x140] =	vst v1  }
0x68: {  	[tilespmem:s25+$0x150] =	vst v1  }
0x69: {  	s10 =	sshll.u32 s10, $0x4;
	[tilespmem:s25+$0x160] =	vst v1  }
0x6a: {  	s10 =	sadd.s32 s13, s10;
	[tilespmem:s25+$0x170] =	vst v1  }
0x6b: {  	[hbm4b:s10+s3] =	stream.linear.scatter [tilespmem:s29], [sflag:$0x3], $0x4000, $0x38;
	[tilespmem:$0x1FD00] =	vst v63  }
0x6c: {  	s0 =	sadd.s32 $0x1, s0;
	_ =	swait.ge [sflag:s21], $0x4000  }
0x6d: {  	p0 =	sne.s32 s0, $0x51;
	[sflag:s21] =	ssyncset.done $0x0  }
.Ltmp1:
0x6e: {  	[sflag:s21] =	ssyncadd.s32 $0xFFFFC000;
	(pc) =	sbr.rel @p0 .LBB2_2-.Ltmp1, $4  }
0x6f: {  	[spmem:s2] =	stream.indirect.scatter.add.f32 [tilespmem:s23], [sflag:$0x3], $0x80, s22, s22, $0xb8;
	[tilespmem:$0x1FD00] =	vst v63  }
0x70: {  	_ =	swait.ge [sflag:s21], $0x4000  }
0x71: {  	[sflag:s21] =	ssyncset.done $0x0  }
0x72: {  	s19 =	sadd.s32 $0x80, s19;
	[sflag:s21] =	ssyncadd.s32 $0xFFFFC000  }
0x73: {  	[bflag:$0x0] =	sbarrier.arrive $0xFFFF  }
0x74: {  	s0 =	rddreg [dreg:$0x7]  }
0x75: {  	[hbm:s0], [sflag:s15] =	dma.local [spmem:s20], $0x2780  }
0x76: {  	_ =	swait.ge [sflag:s21], $0x2780  }
0x77: {  	[sflag:s21] =	ssyncset.done $0x0  }
0x78: {  	[sflag:s21] =	ssyncadd.s32 $0xFFFFD880  }
0x79: {  	[spmem:s20], [sflag:s15] =	dma.local [hbm:s12], $0x2780  }
0x7a: {  	_ =	swait.ge [sflag:s21], $0x2780  }
0x7b: {  	[sflag:s21] =	ssyncset.done $0x0  }
0x7c: {  	[sflag:s21] =	ssyncadd.s32 $0xFFFFD880  }
0x7d: {  	s10 =	simm.s32 $0x0;
	s0 =	simm.s32 $0x0;
	[bflag:$0x0] =	sbarrier.arrive $0xFFFF  }
.LBB2_6:
0x7e: {  	s17 =	sshll.u32 s10, $0x7  }
0x7f: {  	s17 =	sadd.s32 s14, s17  }
0x80: {  	s18 =	sshrl.u32 s17, $0x3  }
0x81: {  	s19 =	sadd.s32 s4, s18  }
0x82: {  	[tilespmem:s0], [sflag:$0x3] =	stream.linear.gather [hbm4b:s19+s0], $0x80, $0x38;
	[tilespmem:$0x1FD00] =	vst v63  }
0x83: {  	_ =	swait.ge [sflag:s21], $0x80  }
0x84: {  	[sflag:s21] =	ssyncset.done $0x0  }
0x85: {  	s18 =	sadd.s32 s6, s18;
	[sflag:s21] =	ssyncadd.s32 $0xFFFFFF80  }
0x86: {  	[tilespmem:s22], [sflag:$0x3] =	stream.linear.gather [hbm4b:s18+s0], $0x80, $0x38;
	[tilespmem:$0x1FD00] =	vst v63  }
0x87: {  	_ =	swait.ge [sflag:s21], $0x80  }
0x88: {  	s17 =	sshll.u32 s17, $0x4;
	[sflag:s21] =	ssyncset.done $0x0  }
0x89: {  	s17 =	sadd.s32 s13, s17;
	[sflag:s21] =	ssyncadd.s32 $0xFFFFFF80  }
0x8a: {  	[tilespmem:s29], [sflag:$0x3] =	stream.linear.gather [hbm4b:s17+s0], $0x4000, $0x38;
	[tilespmem:$0x1FD00] =	vst v63  }
0x8b: {  	_ =	swait.ge [sflag:s21], $0x4000  }
0x8c: {  	[sflag:s21] =	ssyncset.done $0x0  }
0x8d: {  	[sflag:s21] =	ssyncadd.s32 $0xFFFFC000  }
0x8e: {  	[tilespmem:s23], [sflag:$0x1] =	stream.indirect.gather [hbm4b:s5+s22], $0x80, s0, s22, $0xb8;
	[tilespmem:$0x1FD00] =	vst v63  }
0x8f: {  	_ =	swait.ge [sflag:s26], $0x4000  }
0x90: {  	[sflag:s26] =	ssyncset.done $0x0  }
0x91: {  	s17 =	simm.s32 $0x0;
	[sflag:s26] =	ssyncadd.s32 $0xFFFFC000  }
0x92: {  	v3 =	vld [tilespmem:s17+$0x130]  }
0x93: {  	v4 =	vld [tilespmem:s17+$0x140]  }
0x94: {  	v0 =	vld [tilespmem:s17+$0x160]  }
0x95: {  	v2 =	vld [tilespmem:s17+$0x100]  }
0x96: {  	v1 =	vld.msk [tilespmem:s17+$0x8100 ss:$0x0], $0xffff  }
0x97: {  	v5 =	vld [tilespmem:s17+$0x120]  }
0x98: {  	v6 =	vld [tilespmem:s17+$0x110]  }
0x99: {  	s18 =	simm.s32 $0x200;
	v7 =	vld [tilespmem:s17+$0x150]  }
.LBB2_7:
0x9a: {  	p0 =	sne.s32 s18, $0xFE00;
	v8 =	vld [tilespmem:s17+$0x170];
	s19 =	smov.u32 s18;
	s18 =	sadd.s32 $0x200, s18  }
0x9b: {  	_ = 	snop  }
0x9c: {  	v3 =	vmul.f32 v3, v1;
	v4 =	vmul.f32 v4, v1  }
0x9d: {  	v2 =	vmul.f32 v1, v2;
	v6 =	vmul.f32 v6, v1  }
0x9e: {  	v5 =	vmul.f32 v5, v1;
	[tilespmem:s17+$0x130] =	vst v3;
	v3 =	vmul.f32 v7, v1  }
0x9f: {  	v0 =	vmul.f32 v0, v1;
	[tilespmem:s17+$0x140] =	vst v4;
	v1 =	vmul.f32 v8, v1  }
0xa0: {  	[tilespmem:s17+$0x150] =	vst v3  }
0xa1: {  	s19 =	sshra.s32 s19, $0x2;
	[tilespmem:s17+$0x170] =	vst v1  }
0xa2: {  	v3 =	vld [tilespmem:s19+$0x130];
	[tilespmem:s17+$0x160] =	vst v0  }
0xa3: {  	v4 =	vld [tilespmem:s19+$0x140];
	[tilespmem:s17+$0x120] =	vst v5  }
0xa4: {  	v0 =	vld [tilespmem:s19+$0x160];
	[tilespmem:s17+$0x100] =	vst v2  }
.Ltmp2:
0xa5: {  	v2 =	vld [tilespmem:s19+$0x100];
	[tilespmem:s17+$0x110] =	vst v6;
	s17 =	smov.u32 s19;
	(pc) =	sbr.rel @p0 .LBB2_7-.Ltmp2, $4  }
0xa6: {  	v1 =	vld.msk [tilespmem:s17+$0x8100 ss:$0x0], $0xffff  }
0xa7: {  	v5 =	vld [tilespmem:s17+$0x120]  }
0xa8: {  	v6 =	vld [tilespmem:s17+$0x110]  }
0xa9: {  	v7 =	vld [tilespmem:s17+$0x150]  }
0xaa: {  	_ = 	snop  }
0xab: {  	v3 =	vmul.f32 v3, v1  }
0xac: {  	v4 =	vmul.f32 v4, v1  }
0xad: {  	v8 =	vld [tilespmem:s17+$0x170];
	v0 =	vmul.f32 v0, v1;
	[tilespmem:s17+$0x130] =	vst v3  }
0xae: {  	v2 =	vmul.f32 v1, v2;
	[tilespmem:s17+$0x140] =	vst v4  }
0xaf: {  	v62 =	vmul.f32 v5, v1;
	[tilespmem:s17+$0x160] =	vst v0  }
0xb0: {  	v63 =	vmul.f32 v6, v1;
	[tilespmem:s17+$0x100] =	vst v2  }
0xb1: {  	v60 =	vmul.f32 v7, v1;
	[tilespmem:s17+$0x120] =	vst v62  }
0xb2: {  	s10 =	sadd.s32 $0x1, s10;
	v61 =	vmul.f32 v8, v1;
	[tilespmem:s17+$0x110] =	vst v63  }
0xb3: {  	p0 =	sne.s32 s10, $0x51;
	[tilespmem:s17+$0x150] =	vst v60  }
.Ltmp3:
0xb4: {  	[tilespmem:s17+$0x170] =	vst v61;
	(pc) =	sbr.rel @p0 .LBB2_6-.Ltmp3, $4  }
0xb5: {  	[spmem:s2] =	stream.indirect.scatter.add.f32 [tilespmem:s23], [sflag:$0x3], $0x80, s22, s22, $0xb8;
	[tilespmem:$0x1FD00] =	vst v63  }
0xb6: {  	_ =	swait.ge [sflag:s21], $0x4000  }
0xb7: {  	[sflag:s21] =	ssyncset.done $0x0  }
0xb8: {  	[sflag:s21] =	ssyncadd.s32 $0xFFFFC000  }
0xb9: {  	[bflag:$0x0] =	sbarrier.arrive $0xFFFF  }
0xba: {  	s0 =	rddreg [dreg:$0x4]  }
0xbb: {  	s31 =	sadd.s32 s16, s0  }
0xbc: {  	[hbm:s31], [sflag:s15] =	dma.local [spmem:s20], $0x2780  }
0xbd: {  	_ =	swait.ge [sflag:s21], $0x2780  }
0xbe: {  	[sflag:s21] =	ssyncset.done $0x0  }
0xbf: {  	[sflag:s21] =	ssyncadd.s32 $0xFFFFD880  }
0xc0: {  	[spmem:s20], [sflag:s15] =	dma.local [hbm:s12], $0x2780  }
0xc1: {  	_ =	swait.ge [sflag:s21], $0x2780  }
0xc2: {  	[sflag:s21] =	ssyncset.done $0x0  }
0xc3: {  	[sflag:s21] =	ssyncadd.s32 $0xFFFFD880  }
0xc4: {  	s10 =	simm.s32 $0x0;
	s0 =	simm.s32 $0x0;
	[bflag:$0x0] =	sbarrier.arrive $0xFFFF  }
.LBB2_10:
0xc5: {  	s17 =	sshll.u32 s10, $0x7  }
0xc6: {  	s17 =	sadd.s32 s14, s17  }
0xc7: {  	s18 =	sshrl.u32 s17, $0x3  }
0xc8: {  	s19 =	sadd.s32 s4, s18  }
0xc9: {  	[tilespmem:s0], [sflag:$0x3] =	stream.linear.gather [hbm4b:s19+s0], $0x80, $0x38;
	[tilespmem:$0x1FD00] =	vst v63  }
0xca: {  	_ =	swait.ge [sflag:s21], $0x80  }
0xcb: {  	[sflag:s21] =	ssyncset.done $0x0  }
0xcc: {  	s18 =	sadd.s32 s6, s18;
	[sflag:s21] =	ssyncadd.s32 $0xFFFFFF80  }
0xcd: {  	[tilespmem:s22], [sflag:$0x3] =	stream.linear.gather [hbm4b:s18+s0], $0x80, $0x38;
	[tilespmem:$0x1FD00] =	vst v63  }
0xce: {  	_ =	swait.ge [sflag:s21], $0x80  }
0xcf: {  	s17 =	sshll.u32 s17, $0x4;
	[sflag:s21] =	ssyncset.done $0x0  }
0xd0: {  	s17 =	sadd.s32 s13, s17;
	[sflag:s21] =	ssyncadd.s32 $0xFFFFFF80  }
0xd1: {  	[tilespmem:s29], [sflag:$0x3] =	stream.linear.gather [hbm4b:s17+s0], $0x4000, $0x38;
	[tilespmem:$0x1FD00] =	vst v63  }
0xd2: {  	_ =	swait.ge [sflag:s21], $0x4000  }
0xd3: {  	[sflag:s21] =	ssyncset.done $0x0  }
0xd4: {  	[sflag:s21] =	ssyncadd.s32 $0xFFFFC000  }
0xd5: {  	[tilespmem:s23], [sflag:$0x1] =	stream.indirect.gather [hbm4b:s7+s22], $0x80, s0, s22, $0xb8;
	[tilespmem:$0x1FD00] =	vst v63  }
0xd6: {  	_ =	swait.ge [sflag:s26], $0x4000  }
0xd7: {  	[sflag:s26] =	ssyncset.done $0x0  }
0xd8: {  	s17 =	simm.s32 $0x0;
	[sflag:s26] =	ssyncadd.s32 $0xFFFFC000  }
0xd9: {  	v0 =	vld [tilespmem:s17+$0x8100]  }
0xda: {  	v5 =	vld [tilespmem:s17+$0x100]  }
0xdb: {  	v6 =	vld [tilespmem:s17+$0x110]  }
0xdc: {  	v3 =	vld [tilespmem:s17+$0x130]  }
0xdd: {  	v1 =	vld [tilespmem:s17+$0x140]  }
0xde: {  	v2 =	vld [tilespmem:s17+$0x150];
	v0 =	vbroadcast v0, $0x1  }
0xdf: {  	v4 =	vld [tilespmem:s17+$0x120]  }
0xe0: {  	s18 =	simm.s32 $0x200;
	v7 =	vmul.f32 v0, v5;
	v6 =	vmul.f32 v6, v0;
	v5 =	vld [tilespmem:s17+$0x160]  }
.LBB2_11:
0xe1: {  	s19 =	sshra.s32 s18, $0x2;
	p0 =	sne.s32 s18, $0xFE00;
	s18 =	sadd.s32 $0x200, s18;
	v8 =	vld [tilespmem:s17+$0x170]  }
0xe2: {  	v3 =	vmul.f32 v3, v0;
	v9 =	vld [tilespmem:s19+$0x8100];
	[tilespmem:s17+$0x100] =	vst v7  }
0xe3: {  	v1 =	vmul.f32 v1, v0;
	v7 =	vld [tilespmem:s19+$0x100];
	[tilespmem:s17+$0x110] =	vst v6  }
0xe4: {  	v2 =	vmul.f32 v2, v0;
	v6 =	vld [tilespmem:s19+$0x110];
	v4 =	vmul.f32 v4, v0;
	[tilespmem:s17+$0x130] =	vst v3  }
.Ltmp4:
0xe5: {  	v3 =	vld [tilespmem:s19+$0x130];
	[tilespmem:s17+$0x140] =	vst v1;
	v5 =	vmul.f32 v5, v0;
	(pc) =	sbr.rel @p0 .LBB2_11-.Ltmp4, $4  }
0xe6: {  	v1 =	vld [tilespmem:s19+$0x140];
	[tilespmem:s17+$0x150] =	vst v2;
	v8 =	vmul.f32 v8, v0  }
0xe7: {  	v0 =	vbroadcast v9, $0x1;
	v2 =	vld [tilespmem:s19+$0x150];
	[tilespmem:s17+$0x120] =	vst v4  }
0xe8: {  	v4 =	vld [tilespmem:s19+$0x120];
	[tilespmem:s17+$0x160] =	vst v5  }
0xe9: {  	v7 =	vmul.f32 v0, v7;
	v6 =	vmul.f32 v6, v0;
	v5 =	vld [tilespmem:s19+$0x160];
	[tilespmem:s17+$0x170] =	vst v8;
	s17 =	smov.u32 s19  }
0xea: {  	_ = 	snop  }
0xeb: {  	v8 =	vld [tilespmem:s17+$0x170];
	v3 =	vmul.f32 v3, v0;
	[tilespmem:s17+$0x100] =	vst v7  }
0xec: {  	[tilespmem:s17+$0x110] =	vst v6;
	v1 =	vmul.f32 v1, v0  }
0xed: {  	[tilespmem:s17+$0x130] =	vst v3;
	v2 =	vmul.f32 v2, v0  }
0xee: {  	v61 =	vmul.f32 v4, v0;
	[tilespmem:s17+$0x140] =	vst v1  }
0xef: {  	v62 =	vmul.f32 v5, v0;
	[tilespmem:s17+$0x150] =	vst v2  }
0xf0: {  	s10 =	sadd.s32 $0x1, s10;
	v63 =	vmul.f32 v8, v0;
	[tilespmem:s17+$0x120] =	vst v61  }
0xf1: {  	p0 =	sne.s32 s10, $0x51;
	[tilespmem:s17+$0x160] =	vst v62  }
.Ltmp5:
0xf2: {  	[tilespmem:s17+$0x170] =	vst v63;
	(pc) =	sbr.rel @p0 .LBB2_10-.Ltmp5, $4  }
0xf3: {  	[spmem:s2] =	stream.indirect.scatter.add.f32 [tilespmem:s23], [sflag:$0x3], $0x80, s22, s22, $0xb8;
	[tilespmem:$0x1FD00] =	vst v63  }
0xf4: {  	_ =	swait.ge [sflag:s21], $0x4000  }
0xf5: {  	[sflag:s21] =	ssyncset.done $0x0  }
0xf6: {  	[sflag:s21] =	ssyncadd.s32 $0xFFFFC000  }
0xf7: {  	[bflag:$0x0] =	sbarrier.arrive $0xFFFF;
	s0 =	sadd.s32 $0x27800, s31  }
0xf8: {  	[hbm:s0], [sflag:s15] =	dma.local [spmem:s20], $0x2780  }
0xf9: {  	_ =	swait.ge [sflag:s21], $0x2780  }
0xfa: {  	[sflag:s21] =	ssyncset.done $0x0  }
0xfb: {  	[sflag:s21] =	ssyncadd.s32 $0xFFFFD880  }
0xfc: {  	[spmem:s20], [sflag:s15] =	dma.local [hbm:s12], $0x2780  }
0xfd: {  	_ =	swait.ge [sflag:s21], $0x2780  }
0xfe: {  	[sflag:s21] =	ssyncset.done $0x0  }
0xff: {  	[sflag:s21] =	ssyncadd.s32 $0xFFFFD880  }
0x100: {  	s10 =	simm.s32 $0x0;
	s0 =	simm.s32 $0x0;
	[bflag:$0x0] =	sbarrier.arrive $0xFFFF  }
.LBB2_14:
0x101: {  	s17 =	sshll.u32 s10, $0x7  }
0x102: {  	s17 =	sadd.s32 s14, s17  }
0x103: {  	s18 =	sshrl.u32 s17, $0x3  }
0x104: {  	s19 =	sadd.s32 s4, s18  }
0x105: {  	[tilespmem:s0], [sflag:$0x3] =	stream.linear.gather [hbm4b:s19+s0], $0x80, $0x38;
	[tilespmem:$0x1FD00] =	vst v63  }
0x106: {  	_ =	swait.ge [sflag:s21], $0x80  }
0x107: {  	[sflag:s21] =	ssyncset.done $0x0  }
0x108: {  	s18 =	sadd.s32 s6, s18;
	[sflag:s21] =	ssyncadd.s32 $0xFFFFFF80  }
0x109: {  	[tilespmem:s22], [sflag:$0x3] =	stream.linear.gather [hbm4b:s18+s0], $0x80, $0x38;
	[tilespmem:$0x1FD00] =	vst v63  }
0x10a: {  	_ =	swait.ge [sflag:s21], $0x80  }
0x10b: {  	s17 =	sshll.u32 s17, $0x4;
	[sflag:s21] =	ssyncset.done $0x0  }
0x10c: {  	s17 =	sadd.s32 s13, s17;
	[sflag:s21] =	ssyncadd.s32 $0xFFFFFF80  }
0x10d: {  	[tilespmem:s29], [sflag:$0x3] =	stream.linear.gather [hbm4b:s17+s0], $0x4000, $0x38;
	[tilespmem:$0x1FD00] =	vst v63  }
0x10e: {  	_ =	swait.ge [sflag:s21], $0x4000  }
0x10f: {  	[sflag:s21] =	ssyncset.done $0x0  }
0x110: {  	[sflag:s21] =	ssyncadd.s32 $0xFFFFC000  }
0x111: {  	[tilespmem:s23], [sflag:$0x1] =	stream.indirect.gather [hbm4b:s9+s22], $0x80, s0, s22, $0xb8;
	[tilespmem:$0x1FD00] =	vst v63  }
0x112: {  	_ =	swait.ge [sflag:s26], $0x4000  }
0x113: {  	[sflag:s26] =	ssyncset.done $0x0  }
0x114: {  	s17 =	simm.s32 $0x0;
	[sflag:s26] =	ssyncadd.s32 $0xFFFFC000  }
0x115: {  	v0 =	vld [tilespmem:s17+$0x8100]  }
0x116: {  	v5 =	vld [tilespmem:s17+$0x100]  }
0x117: {  	v6 =	vld [tilespmem:s17+$0x110]  }
0x118: {  	v3 =	vld [tilespmem:s17+$0x130]  }
0x119: {  	v1 =	vld [tilespmem:s17+$0x140]  }
0x11a: {  	v2 =	vld [tilespmem:s17+$0x150];
	v0 =	vbroadcast v0, $0x2  }
0x11b: {  	v4 =	vld [tilespmem:s17+$0x120]  }
0x11c: {  	s18 =	simm.s32 $0x200;
	v7 =	vmul.f32 v0, v5;
	v6 =	vmul.f32 v6, v0;
	v5 =	vld [tilespmem:s17+$0x160]  }
.LBB2_15:
0x11d: {  	s19 =	sshra.s32 s18, $0x2;
	p0 =	sne.s32 s18, $0xFE00;
	s18 =	sadd.s32 $0x200, s18;
	v8 =	vld [tilespmem:s17+$0x170]  }
0x11e: {  	v3 =	vmul.f32 v3, v0;
	v9 =	vld [tilespmem:s19+$0x8100];
	[tilespmem:s17+$0x100] =	vst v7  }
0x11f: {  	v1 =	vmul.f32 v1, v0;
	v7 =	vld [tilespmem:s19+$0x100];
	[tilespmem:s17+$0x110] =	vst v6  }
0x120: {  	v2 =	vmul.f32 v2, v0;
	v6 =	vld [tilespmem:s19+$0x110];
	v4 =	vmul.f32 v4, v0;
	[tilespmem:s17+$0x130] =	vst v3  }
.Ltmp6:
0x121: {  	v3 =	vld [tilespmem:s19+$0x130];
	[tilespmem:s17+$0x140] =	vst v1;
	v5 =	vmul.f32 v5, v0;
	(pc) =	sbr.rel @p0 .LBB2_15-.Ltmp6, $4  }
0x122: {  	v1 =	vld [tilespmem:s19+$0x140];
	[tilespmem:s17+$0x150] =	vst v2;
	v8 =	vmul.f32 v8, v0  }
0x123: {  	v0 =	vbroadcast v9, $0x2;
	v2 =	vld [tilespmem:s19+$0x150];
	[tilespmem:s17+$0x120] =	vst v4  }
0x124: {  	v4 =	vld [tilespmem:s19+$0x120];
	[tilespmem:s17+$0x160] =	vst v5  }
0x125: {  	v7 =	vmul.f32 v0, v7;
	v6 =	vmul.f32 v6, v0;
	v5 =	vld [tilespmem:s19+$0x160];
	[tilespmem:s17+$0x170] =	vst v8;
	s17 =	smov.u32 s19  }
0x126: {  	_ = 	snop  }
0x127: {  	v8 =	vld [tilespmem:s17+$0x170];
	v3 =	vmul.f32 v3, v0;
	[tilespmem:s17+$0x100] =	vst v7  }
0x128: {  	[tilespmem:s17+$0x110] =	vst v6;
	v1 =	vmul.f32 v1, v0  }
0x129: {  	[tilespmem:s17+$0x130] =	vst v3;
	v2 =	vmul.f32 v2, v0  }
0x12a: {  	v61 =	vmul.f32 v4, v0;
	[tilespmem:s17+$0x140] =	vst v1  }
0x12b: {  	v62 =	vmul.f32 v5, v0;
	[tilespmem:s17+$0x150] =	vst v2  }
0x12c: {  	s10 =	sadd.s32 $0x1, s10;
	v63 =	vmul.f32 v8, v0;
	[tilespmem:s17+$0x120] =	vst v61  }
0x12d: {  	p0 =	sne.s32 s10, $0x51;
	[tilespmem:s17+$0x160] =	vst v62  }
.Ltmp7:
0x12e: {  	[tilespmem:s17+$0x170] =	vst v63;
	(pc) =	sbr.rel @p0 .LBB2_14-.Ltmp7, $4  }
0x12f: {  	[spmem:s2] =	stream.indirect.scatter.add.f32 [tilespmem:s23], [sflag:$0x3], $0x80, s22, s22, $0xb8;
	[tilespmem:$0x1FD00] =	vst v63  }
0x130: {  	_ =	swait.ge [sflag:s21], $0x4000  }
0x131: {  	[sflag:s21] =	ssyncset.done $0x0  }
0x132: {  	[sflag:s21] =	ssyncadd.s32 $0xFFFFC000  }
0x133: {  	[bflag:$0x0] =	sbarrier.arrive $0xFFFF;
	s0 =	sadd.s32 $0x4F000, s31  }
0x134: {  	[hbm:s0], [sflag:s15] =	dma.local [spmem:s20], $0x2780  }
0x135: {  	_ =	swait.ge [sflag:s21], $0x2780  }
0x136: {  	[sflag:s21] =	ssyncset.done $0x0  }
0x137: {  	[sflag:s21] =	ssyncadd.s32 $0xFFFFD880  }
0x138: {  	[spmem:s20], [sflag:s15] =	dma.local [hbm:s12], $0x2780  }
0x139: {  	_ =	swait.ge [sflag:s21], $0x2780  }
0x13a: {  	[sflag:s21] =	ssyncset.done $0x0  }
0x13b: {  	[sflag:s21] =	ssyncadd.s32 $0xFFFFD880  }
0x13c: {  	s10 =	simm.s32 $0x0;
	s0 =	simm.s32 $0x0;
	[bflag:$0x0] =	sbarrier.arrive $0xFFFF  }
.LBB2_18:
0x13d: {  	s17 =	sshll.u32 s10, $0x7  }
0x13e: {  	s17 =	sadd.s32 s14, s17  }
0x13f: {  	s18 =	sshrl.u32 s17, $0x3  }
0x140: {  	s19 =	sadd.s32 s4, s18  }
0x141: {  	[tilespmem:s0], [sflag:$0x3] =	stream.linear.gather [hbm4b:s19+s0], $0x80, $0x38;
	[tilespmem:$0x1FD00] =	vst v63  }
0x142: {  	_ =	swait.ge [sflag:s21], $0x80  }
0x143: {  	[sflag:s21] =	ssyncset.done $0x0  }
0x144: {  	s18 =	sadd.s32 s6, s18;
	[sflag:s21] =	ssyncadd.s32 $0xFFFFFF80  }
0x145: {  	[tilespmem:s22], [sflag:$0x3] =	stream.linear.gather [hbm4b:s18+s0], $0x80, $0x38;
	[tilespmem:$0x1FD00] =	vst v63  }
0x146: {  	_ =	swait.ge [sflag:s21], $0x80  }
0x147: {  	s17 =	sshll.u32 s17, $0x4;
	[sflag:s21] =	ssyncset.done $0x0  }
0x148: {  	s17 =	sadd.s32 s13, s17;
	[sflag:s21] =	ssyncadd.s32 $0xFFFFFF80  }
0x149: {  	[tilespmem:s29], [sflag:$0x3] =	stream.linear.gather [hbm4b:s17+s0], $0x4000, $0x38;
	[tilespmem:$0x1FD00] =	vst v63  }
0x14a: {  	_ =	swait.ge [sflag:s21], $0x4000  }
0x14b: {  	[sflag:s21] =	ssyncset.done $0x0  }
0x14c: {  	[sflag:s21] =	ssyncadd.s32 $0xFFFFC000  }
0x14d: {  	[tilespmem:s23], [sflag:$0x1] =	stream.indirect.gather [hbm4b:s11+s22], $0x80, s0, s22, $0xb8;
	[tilespmem:$0x1FD00] =	vst v63  }
0x14e: {  	_ =	swait.ge [sflag:s26], $0x4000  }
0x14f: {  	[sflag:s26] =	ssyncset.done $0x0  }
0x150: {  	s17 =	simm.s32 $0x0;
	[sflag:s26] =	ssyncadd.s32 $0xFFFFC000  }
0x151: {  	v0 =	vld [tilespmem:s17+$0x8100]  }
0x152: {  	v5 =	vld [tilespmem:s17+$0x100]  }
0x153: {  	v6 =	vld [tilespmem:s17+$0x110]  }
0x154: {  	v3 =	vld [tilespmem:s17+$0x130]  }
0x155: {  	v1 =	vld [tilespmem:s17+$0x140]  }
0x156: {  	v2 =	vld [tilespmem:s17+$0x150];
	v0 =	vbroadcast v0, $0x3  }
0x157: {  	v4 =	vld [tilespmem:s17+$0x120]  }
0x158: {  	s18 =	simm.s32 $0x200;
	v7 =	vmul.f32 v0, v5;
	v6 =	vmul.f32 v6, v0;
	v5 =	vld [tilespmem:s17+$0x160]  }
.LBB2_19:
0x159: {  	s19 =	sshra.s32 s18, $0x2;
	p0 =	sne.s32 s18, $0xFE00;
	s18 =	sadd.s32 $0x200, s18;
	v8 =	vld [tilespmem:s17+$0x170]  }
0x15a: {  	v3 =	vmul.f32 v3, v0;
	v9 =	vld [tilespmem:s19+$0x8100];
	[tilespmem:s17+$0x100] =	vst v7  }
0x15b: {  	v1 =	vmul.f32 v1, v0;
	v7 =	vld [tilespmem:s19+$0x100];
	[tilespmem:s17+$0x110] =	vst v6  }
0x15c: {  	v2 =	vmul.f32 v2, v0;
	v6 =	vld [tilespmem:s19+$0x110];
	v4 =	vmul.f32 v4, v0;
	[tilespmem:s17+$0x130] =	vst v3  }
.Ltmp8:
0x15d: {  	v3 =	vld [tilespmem:s19+$0x130];
	[tilespmem:s17+$0x140] =	vst v1;
	v5 =	vmul.f32 v5, v0;
	(pc) =	sbr.rel @p0 .LBB2_19-.Ltmp8, $4  }
0x15e: {  	v1 =	vld [tilespmem:s19+$0x140];
	[tilespmem:s17+$0x150] =	vst v2;
	v8 =	vmul.f32 v8, v0  }
0x15f: {  	v0 =	vbroadcast v9, $0x3;
	v2 =	vld [tilespmem:s19+$0x150];
	[tilespmem:s17+$0x120] =	vst v4  }
0x160: {  	v4 =	vld [tilespmem:s19+$0x120];
	[tilespmem:s17+$0x160] =	vst v5  }
0x161: {  	v7 =	vmul.f32 v0, v7;
	v6 =	vmul.f32 v6, v0;
	v5 =	vld [tilespmem:s19+$0x160];
	[tilespmem:s17+$0x170] =	vst v8;
	s17 =	smov.u32 s19  }
0x162: {  	_ = 	snop  }
0x163: {  	v8 =	vld [tilespmem:s17+$0x170];
	v3 =	vmul.f32 v3, v0;
	[tilespmem:s17+$0x100] =	vst v7  }
0x164: {  	[tilespmem:s17+$0x110] =	vst v6;
	v1 =	vmul.f32 v1, v0  }
0x165: {  	[tilespmem:s17+$0x130] =	vst v3;
	v2 =	vmul.f32 v2, v0  }
0x166: {  	v61 =	vmul.f32 v4, v0;
	[tilespmem:s17+$0x140] =	vst v1  }
0x167: {  	v62 =	vmul.f32 v5, v0;
	[tilespmem:s17+$0x150] =	vst v2  }
0x168: {  	s10 =	sadd.s32 $0x1, s10;
	v63 =	vmul.f32 v8, v0;
	[tilespmem:s17+$0x120] =	vst v61  }
0x169: {  	p0 =	sne.s32 s10, $0x51;
	[tilespmem:s17+$0x160] =	vst v62  }
.Ltmp9:
0x16a: {  	[tilespmem:s17+$0x170] =	vst v63;
	(pc) =	sbr.rel @p0 .LBB2_18-.Ltmp9, $4  }
0x16b: {  	[spmem:s2] =	stream.indirect.scatter.add.f32 [tilespmem:s23], [sflag:$0x3], $0x80, s22, s22, $0xb8;
	[tilespmem:$0x1FD00] =	vst v63  }
0x16c: {  	_ =	swait.ge [sflag:s21], $0x4000  }
0x16d: {  	[sflag:s21] =	ssyncset.done $0x0  }
0x16e: {  	[sflag:s21] =	ssyncadd.s32 $0xFFFFC000  }
0x16f: {  	[bflag:$0x0] =	sbarrier.arrive $0xFFFF;
	s0 =	sadd.s32 $0x76800, s31  }
0x170: {  	[hbm:s0], [sflag:s15] =	dma.local [spmem:s20], $0x2780  }
0x171: {  	_ =	swait.ge [sflag:s21], $0x2780  }
0x172: {  	s30 =	sadd.s32 $0x1, s30;
	s31 =	rddreg [dreg:$0x5]  }
0x173: {  	p0 =	sne.s32 s30, s31  }
.Ltmp10:
0x174: {  	_ = 	snop;
	(pc) =	sbr.rel @p0 .LBB2_1-.Ltmp10, $3  }
0x175: {  	_ =	sdelay $0x1  }
0x176: {  	[sflag:s21] =	ssyncset.done $0x0  }
0x177: {  	[sflag:s21] =	ssyncadd.s32 $0xFFFFD880  }
0x178: {  	_ =	sfence.sel $0x180000  }
0x179: {  	[bflag:$0x0] =	sbarrier.arrive $0xFFFF  }
0x17a: {  	_ =	strace $0x90000047  }
0x17b: {  	s0 =	stileid.u32;
	[bflag:$0x2] =	sbarrier.arrive $0xFFFF  }
0x17c: {  	p0 =	sne.s32 s0, $0x0;
	s0 =	rddreg [dreg:$0x3]  }
0x17d: {  	s0 =	sadd.s32 @!p0 $0x100000, s0  }
0x17e: {  	[sflag:s0] =	ssyncadd.tile.s32 @!p0 $0x1;
	_ =	shalt  }
.Lfunc_end2:
_tile_overlayer_lowered:
.L_overlay_start_2:
0x17f: {  	(tag) =	ssettag $0x2  }
0x180: {  	s0 =	rddreg [dreg:$0x0];
	s2 =	stileid.u32  }
0x181: {  	s1 =	rddreg [dreg:$0x1];
	p0 =	sne.s32 s2, $0x0  }
0x182: {  	s3 =	rddreg [dreg:$0x2];
	[bflag:$0x3] =	sbarrier.arrive $0xFFFF;
	s2 =	simm.s32 @!p0 $0x1C03  }
0x183: {  	[timem:s3], [sflag:s2] =	dma.local @!p0 [hbm:s0], s1  }
0x184: {  	s0 =	simm.s32 @!p0 $0x3  }
0x185: {  	_ =	swait.ge @!p0 [sflag:s0], s1  }
0x186: {  	s1 =	ssub.s32 @!p0 $0x0, s1;
	[sflag:s0] =	ssyncset.done @!p0 $0x0  }
0x187: {  	[sflag:s0] =	ssyncadd.s32 @!p0 s1  }
0x188: {  	[bflag:$0x3] =	sbarrier.arrive $0xFFFF  }
0x189: {  	_ =	shalt  }

</sc_bundles>
